<compile_context>
chip_gen: v7x
topology: tpu7x:2x2x1
jax: 0.10.2.dev20260603
libtpu: 0.0.44.dev20260713+nightly
codegen_flags: <defaults>
</compile_context>

<pallas_src>
import functools

import jax
import jax.numpy as jnp
import numpy as np
from jax import lax
from jax.experimental import pallas as pl
from jax.experimental.pallas import tpu as pltpu
from jax.experimental.pallas import tpu_sc as plsc

N_NODES = 100000
N_EDGES = 3200000
NT = 104
NTP = 112

NUM_CORES = 2
NUM_SUBCORES = 16
NUM_TILES = NUM_CORES * NUM_SUBCORES
E_PER_TILE = N_EDGES // NUM_TILES
CHUNK = 800
N_CHUNKS = E_PER_TILE // CHUNK
N_PAIRS = N_CHUNKS // 2

K0 = 7.5
K1 = 4.1
K2 = 19.09
K3 = 254.56
EPS = 1e-6

_AP = 0.47047
_A1 = 0.3480242
_A2 = -0.0958798
_A3 = 0.7478556

_SIGN = np.int32(-2147483648)


def _body(z_hbm, row_hbm, col_hbm, dist_hbm, en_hbm, rad_hbm, corr_hbm,
          out_hbm, z_v, en_v, rad_v, corr_v, dtab, atab,
          row0, row1, col0, col1, dist0, dist1, out0, out1,
          sem_z, sem_r0, sem_r1, sem_c0, sem_c1, sem_d0, sem_d1,
          sem_out0, sem_out1):
    wid = lax.axis_index("s") * NUM_CORES + lax.axis_index("c")
    rows = (row0, row1)
    cols = (col0, col1)
    dists = (dist0, dist1)
    outs = (out0, out1)
    sems_r = (sem_r0, sem_r1)
    sems_c = (sem_c0, sem_c1)
    sems_d = (sem_d0, sem_d1)
    sems_out = (sem_out0, sem_out1)

    z_copy = pltpu.async_copy(z_hbm, z_v, sem_z)
    pltpu.sync_copy(en_hbm, en_v)
    pltpu.sync_copy(rad_hbm, rad_v)
    pltpu.sync_copy(corr_hbm, corr_v)

    for t in range(NTP // 16):
        s = pl.ds(t * 16, 16)
        rad_v[s] = rad_v[s] + corr_v[s]

    @plsc.parallel_loop(0, NT, 1, unroll=2)
    def _build(zi):
        idx_i = jnp.full((16,), zi, dtype=jnp.int32)
        en_i = plsc.load_gather(en_v, [idx_i])
        r_i = plsc.load_gather(rad_v, [idx_i])
        for t in range(NTP // 16):
            zj = t * 16 + jax.lax.iota(jnp.int32, 16)
            en_j = plsc.load_gather(en_v, [zj])
            r_j = plsc.load_gather(rad_v, [zj])
            d = jnp.abs(en_i - en_j) + K2
            delta = (0.5 * K1) * jnp.exp(d * d * (-1.0 / K3))
            base = zi * NTP + t * 16
            dtab[pl.ds(base, 16)] = delta
            atab[pl.ds(base, 16)] = (-K0) / (r_i + r_j + EPS)

    tile_base = wid * E_PER_TILE

    def start_in(ci, b):
        base = tile_base + ci * CHUNK
        pltpu.async_copy(row_hbm.at[pl.ds(base, CHUNK)], rows[b], sems_r[b])
        pltpu.async_copy(col_hbm.at[pl.ds(base, CHUNK)], cols[b], sems_c[b])
        pltpu.async_copy(dist_hbm.at[pl.ds(base, CHUNK)], dists[b], sems_d[b])

    def wait_in(b):
        pltpu.make_async_copy(row_hbm.at[pl.ds(0, CHUNK)], rows[b], sems_r[b]).wait()
        pltpu.make_async_copy(col_hbm.at[pl.ds(0, CHUNK)], cols[b], sems_c[b]).wait()
        pltpu.make_async_copy(dist_hbm.at[pl.ds(0, CHUNK)], dists[b], sems_d[b]).wait()

    def start_out(ci, b):
        base = tile_base + ci * CHUNK
        pltpu.async_copy(outs[b], out_hbm.at[pl.ds(base, CHUNK)], sems_out[b])

    def wait_out(b):
        pltpu.make_async_copy(outs[b], out_hbm.at[pl.ds(0, CHUNK)], sems_out[b]).wait()

    def compute(b):
        row_b, col_b, dist_b, out_b = rows[b], cols[b], dists[b], outs[b]

        @plsc.parallel_loop(0, CHUNK, 16, unroll=5)
        def _(i):
            s = pl.ds(i, 16)
            r = row_b[s]
            c = col_b[s]
            d = dist_b[s]
            z_i = plsc.load_gather(z_v, [r])
            z_j = plsc.load_gather(z_v, [c])
            p = z_i * NTP + z_j
            delta = plsc.load_gather(dtab, [p])
            aa = plsc.load_gather(atab, [p])
            a = aa * d + K0
            x = jnp.abs(a)
            t = 1.0 / (1.0 + _AP * x)
            poly = ((_A3 * t + _A2) * t + _A1) * t
            y = 1.0 - poly * jnp.exp(-(a * a))
            sbit = lax.bitcast_convert_type(a, jnp.int32) & _SIGN
            erf = lax.bitcast_convert_type(
                lax.bitcast_convert_type(y, jnp.int32) ^ sbit, jnp.float32)
            out_b[s] = delta * (1.0 + erf)

    start_in(0, 0)
    z_copy.wait()

    def pair_body(g, carry):
        c0 = 2 * g
        start_in(c0 + 1, 1)
        wait_in(0)

        @pl.when(g > 0)
        def _():
            wait_out(0)

        compute(0)
        start_out(c0, 0)
        start_in(c0 + 2, 0)
        wait_in(1)

        @pl.when(g > 0)
        def _():
            wait_out(1)

        compute(1)
        start_out(c0 + 1, 1)
        return carry

    lax.fori_loop(0, N_PAIRS, pair_body, 0)

    wait_in(0)
    wait_out(0)
    compute(0)
    start_out(N_CHUNKS - 1, 0)
    wait_out(0)
    wait_out(1)


_mesh = plsc.VectorSubcoreMesh(core_axis_name="c", subcore_axis_name="s")

_edge_kernel = functools.partial(
    pl.kernel,
    out_type=jax.ShapeDtypeStruct((N_EDGES,), jnp.float32),
    mesh=_mesh,
    compiler_params=pltpu.CompilerParams(needs_layout_passes=False),
    scratch_types=[
        pltpu.VMEM((N_NODES,), jnp.int32),
        pltpu.VMEM((NTP,), jnp.float32),
        pltpu.VMEM((NTP,), jnp.float32),
        pltpu.VMEM((NTP,), jnp.float32),
        pltpu.VMEM((NT * NTP,), jnp.float32),
        pltpu.VMEM((NT * NTP,), jnp.float32),
        pltpu.VMEM((CHUNK,), jnp.int32),
        pltpu.VMEM((CHUNK,), jnp.int32),
        pltpu.VMEM((CHUNK,), jnp.int32),
        pltpu.VMEM((CHUNK,), jnp.int32),
        pltpu.VMEM((CHUNK,), jnp.float32),
        pltpu.VMEM((CHUNK,), jnp.float32),
        pltpu.VMEM((CHUNK,), jnp.float32),
        pltpu.VMEM((CHUNK,), jnp.float32),
        pltpu.SemaphoreType.DMA,
        pltpu.SemaphoreType.DMA,
        pltpu.SemaphoreType.DMA,
        pltpu.SemaphoreType.DMA,
        pltpu.SemaphoreType.DMA,
        pltpu.SemaphoreType.DMA,
        pltpu.SemaphoreType.DMA,
        pltpu.SemaphoreType.DMA,
        pltpu.SemaphoreType.DMA,
    ],
)(_body)


def kernel(z, dist, edge_index, en_table, radius_table, corr_table):
    row = edge_index[0]
    col = edge_index[1]
    en = jnp.pad(en_table[:, 0], (0, NTP - NT), constant_values=1.0)
    rad = jnp.pad(radius_table[:, 0], (0, NTP - NT), constant_values=1.0)
    corr = jnp.pad(corr_table[:, 0], (0, NTP - NT), constant_values=0.0)
    out = _edge_kernel(z, row, col, dist, en, rad, corr)
    return out[:, None]

# --- scband reference (transcript-rebuilt; emitter-appended) ---
"""Pipeline reference for scband-coordination-number-edges-18562848654099 (READ-ONLY COPY).

The authoritative reference and input builder live on the scoring server;
editing this copy changes nothing except your own understanding.
"""

import jax, jax.numpy as jnp
import numpy as np
from jax.scipy.special import erf

N_NODES = 100000
N_EDGES = 3200000
N_ELEMENTS = 104


def setup_inputs(seed: int = 0) -> dict:
    key = jax.random.key(seed)
    k1, k2, k3, k4, k5, k6 = jax.random.split(key, 6)
    z = jax.random.randint(k1, (N_NODES,), 0, N_ELEMENTS)
    dist = jax.random.uniform(k2, (N_EDGES,), dtype=jnp.float32) * 4.0 + 0.5
    edge_index = jax.random.randint(k3, (2, N_EDGES), 0, N_NODES)
    # Frozen electronegativity table (values ~ [0.7, 4.0])
    en_table = jax.random.uniform(k4, (N_ELEMENTS, 1), dtype=jnp.float32) * 3.3 + 0.7
    # Frozen covalent-radius table (values ~ [0.3, 1.8] Angstrom)
    radius_table = jax.random.uniform(k5, (N_ELEMENTS, 1), dtype=jnp.float32) * 1.5 + 0.3
    # Trainable correction embedding, initialized as randn * radii * 0.1
    corr_table = jax.random.normal(k6, (N_ELEMENTS, 1), dtype=jnp.float32) * radius_table * 0.1
    return {"z": z, "dist": dist, "edge_index": edge_index,
            "en_table": en_table, "radius_table": radius_table, "corr_table": corr_table}


def reference(z, dist, edge_index, en_table, radius_table, corr_table):
    k0 = 7.5
    k1 = 4.1
    k2 = 19.09
    k3 = 254.56
    eps = 1e-06
    # Embedding lookups (gathers)
    R = jnp.take(radius_table, z, axis=0)           # [N, 1]
    Rcorr = jnp.take(corr_table, z, axis=0)         # [N, 1]
    R = R + Rcorr
    row, col = edge_index[0], edge_index[1]
    R_i = jnp.take(R, row, axis=0)                  # [E, 1]
    R_j = jnp.take(R, col, axis=0)                  # [E, 1]
    Rcov_ij = R_i + R_j
    EN = jnp.take(en_table, z, axis=0).squeeze()    # [N]
    EN_i = jnp.take(EN, row, axis=0)                # [E]
    EN_j = jnp.take(EN, col, axis=0)                # [E]
    delta_EN_ij = (0.5 * (k1 * jnp.exp(-1.0 / k3 * (jnp.abs(EN_i - EN_j) + k2) ** 2))).reshape(-1, 1)
    erf_arg = -k0 * ((dist.reshape(-1, 1) - Rcov_ij) / (Rcov_ij + eps))
    CN_contributions = delta_EN_ij * (1.0 + erf(erf_arg))
    return CN_contributions

if __name__ == "__main__":
    import jax
    _d = setup_inputs()
    print(jax.jit(kernel)(*tuple(_d.values())))

</pallas_src>

<mosaic_0001>
#map = affine_map<(d0, d1) -> (0)>
module attributes {stable_mosaic.version = 14 : i64} {
  func.func @_body(%arg0: i32, %arg1: i32, %arg2: memref<100000xi32, #tpu.memory_space<hbm>>, %arg3: memref<3200000xi32, #tpu.memory_space<hbm>>, %arg4: memref<3200000xi32, #tpu.memory_space<hbm>>, %arg5: memref<3200000xf32, #tpu.memory_space<hbm>>, %arg6: memref<112xf32, #tpu.memory_space<hbm>>, %arg7: memref<112xf32, #tpu.memory_space<hbm>>, %arg8: memref<112xf32, #tpu.memory_space<hbm>>, %arg9: memref<3200000xf32, #tpu.memory_space<hbm>>, %arg10: memref<100000xi32, #tpu.memory_space<vmem>>, %arg11: memref<112xf32, #tpu.memory_space<vmem>>, %arg12: memref<112xf32, #tpu.memory_space<vmem>>, %arg13: memref<112xf32, #tpu.memory_space<vmem>>, %arg14: memref<11648xf32, #tpu.memory_space<vmem>>, %arg15: memref<11648xf32, #tpu.memory_space<vmem>>, %arg16: memref<800xi32, #tpu.memory_space<vmem>>, %arg17: memref<800xi32, #tpu.memory_space<vmem>>, %arg18: memref<800xi32, #tpu.memory_space<vmem>>, %arg19: memref<800xi32, #tpu.memory_space<vmem>>, %arg20: memref<800xf32, #tpu.memory_space<vmem>>, %arg21: memref<800xf32, #tpu.memory_space<vmem>>, %arg22: memref<800xf32, #tpu.memory_space<vmem>>, %arg23: memref<800xf32, #tpu.memory_space<vmem>>, %arg24: memref<!tpu.dma_semaphore, #tpu.memory_space<semaphore_mem>>, %arg25: memref<!tpu.dma_semaphore, #tpu.memory_space<semaphore_mem>>, %arg26: memref<!tpu.dma_semaphore, #tpu.memory_space<semaphore_mem>>, %arg27: memref<!tpu.dma_semaphore, #tpu.memory_space<semaphore_mem>>, %arg28: memref<!tpu.dma_semaphore, #tpu.memory_space<semaphore_mem>>, %arg29: memref<!tpu.dma_semaphore, #tpu.memory_space<semaphore_mem>>, %arg30: memref<!tpu.dma_semaphore, #tpu.memory_space<semaphore_mem>>, %arg31: memref<!tpu.dma_semaphore, #tpu.memory_space<semaphore_mem>>, %arg32: memref<!tpu.dma_semaphore, #tpu.memory_space<semaphore_mem>>) attributes {dimension_semantics = [#tpu.dimension_semantics<core_parallel>, #tpu.dimension_semantics<subcore_parallel>], iteration_bounds = array<i64: 2, 16>, scalar_prefetch = 0 : i64, scratch_operands = 23 : i64, tpu.core_type = #tpu.core_type<sc_vector_subcore>, window_params = [{transform_indices = #map}, {transform_indices = #map}, {transform_indices = #map}, {transform_indices = #map}, {transform_indices = #map}, {transform_indices = #map}, {transform_indices = #map}, {transform_indices = #map}]} {
    %mul3A = arith.constant 2 : i32
    %mul3A_0 = arith.muli %arg1, %mul3A : i32
    %add3A = arith.addi %mul3A_0, %arg0 : i32
    tpu.enqueue_dma source(%arg2 : memref<100000xi32, #tpu.memory_space<hbm>>) target(%arg10 : memref<100000xi32, #tpu.memory_space<vmem>>) target_semaphore(%arg24 : memref<!tpu.dma_semaphore, #tpu.memory_space<semaphore_mem>>)
    "tpu.region"() ({
      %run_scoped3A = tpu.sem_alloc : memref<!tpu.dma_semaphore, #tpu.memory_space<semaphore_mem>>
      tpu.enqueue_dma source(%arg6 : memref<112xf32, #tpu.memory_space<hbm>>) target(%arg11 : memref<112xf32, #tpu.memory_space<vmem>>) target_semaphore(%run_scoped3A : memref<!tpu.dma_semaphore, #tpu.memory_space<semaphore_mem>>)
      tpu.wait_dma2 semaphore(%run_scoped3A : memref<!tpu.dma_semaphore, #tpu.memory_space<semaphore_mem>>) src(%arg6 : memref<112xf32, #tpu.memory_space<hbm>>) dst(%arg11 : memref<112xf32, #tpu.memory_space<vmem>>)
      tpu.yield
    }) : () -> ()
    "tpu.region"() ({
      %run_scoped3A = tpu.sem_alloc : memref<!tpu.dma_semaphore, #tpu.memory_space<semaphore_mem>>
      tpu.enqueue_dma source(%arg7 : memref<112xf32, #tpu.memory_space<hbm>>) target(%arg12 : memref<112xf32, #tpu.memory_space<vmem>>) target_semaphore(%run_scoped3A : memref<!tpu.dma_semaphore, #tpu.memory_space<semaphore_mem>>)
      tpu.wait_dma2 semaphore(%run_scoped3A : memref<!tpu.dma_semaphore, #tpu.memory_space<semaphore_mem>>) src(%arg7 : memref<112xf32, #tpu.memory_space<hbm>>) dst(%arg12 : memref<112xf32, #tpu.memory_space<vmem>>)
      tpu.yield
    }) : () -> ()
    "tpu.region"() ({
      %run_scoped3A = tpu.sem_alloc : memref<!tpu.dma_semaphore, #tpu.memory_space<semaphore_mem>>
      tpu.enqueue_dma source(%arg8 : memref<112xf32, #tpu.memory_space<hbm>>) target(%arg13 : memref<112xf32, #tpu.memory_space<vmem>>) target_semaphore(%run_scoped3A : memref<!tpu.dma_semaphore, #tpu.memory_space<semaphore_mem>>)
      tpu.wait_dma2 semaphore(%run_scoped3A : memref<!tpu.dma_semaphore, #tpu.memory_space<semaphore_mem>>) src(%arg8 : memref<112xf32, #tpu.memory_space<hbm>>) dst(%arg13 : memref<112xf32, #tpu.memory_space<vmem>>)
      tpu.yield
    }) : () -> ()
    %get3A = arith.constant 0 : index
    %get3A_1 = tpu.vector_load %arg12[%get3A] {strides = array<i32>} : memref<112xf32, #tpu.memory_space<vmem>>, vector<16xf32>,
    %get3A_2 = arith.constant 0 : index
    %get3A_3 = tpu.vector_load %arg13[%get3A_2] {strides = array<i32>} : memref<112xf32, #tpu.memory_space<vmem>>, vector<16xf32>,
    %add3A_4 = arith.addf %get3A_1, %get3A_3 : vector<16xf32>
    %swap3A = arith.constant 0 : index
    %swap3A_5 = tpu.vector_load %arg12[%swap3A] {strides = array<i32>} : memref<112xf32, #tpu.memory_space<vmem>>, vector<16xf32>,
    tpu.vector_store %arg12[%swap3A], %add3A_4 {strides = array<i32>} : memref<112xf32, #tpu.memory_space<vmem>>, vector<16xf32>,
    %get3A_6 = arith.constant 16 : index
    %get3A_7 = tpu.vector_load %arg12[%get3A_6] {strides = array<i32>} : memref<112xf32, #tpu.memory_space<vmem>>, vector<16xf32>,
    %get3A_8 = arith.constant 16 : index
    %get3A_9 = tpu.vector_load %arg13[%get3A_8] {strides = array<i32>} : memref<112xf32, #tpu.memory_space<vmem>>, vector<16xf32>,
    %add3A_10 = arith.addf %get3A_7, %get3A_9 : vector<16xf32>
    %swap3A_11 = arith.constant 16 : index
    %swap3A_12 = tpu.vector_load %arg12[%swap3A_11] {strides = array<i32>} : memref<112xf32, #tpu.memory_space<vmem>>, vector<16xf32>,
    tpu.vector_store %arg12[%swap3A_11], %add3A_10 {strides = array<i32>} : memref<112xf32, #tpu.memory_space<vmem>>, vector<16xf32>,
    %get3A_13 = arith.constant 32 : index
    %get3A_14 = tpu.vector_load %arg12[%get3A_13] {strides = array<i32>} : memref<112xf32, #tpu.memory_space<vmem>>, vector<16xf32>,
    %get3A_15 = arith.constant 32 : index
    %get3A_16 = tpu.vector_load %arg13[%get3A_15] {strides = array<i32>} : memref<112xf32, #tpu.memory_space<vmem>>, vector<16xf32>,
    %add3A_17 = arith.addf %get3A_14, %get3A_16 : vector<16xf32>
    %swap3A_18 = arith.constant 32 : index
    %swap3A_19 = tpu.vector_load %arg12[%swap3A_18] {strides = array<i32>} : memref<112xf32, #tpu.memory_space<vmem>>, vector<16xf32>,
    tpu.vector_store %arg12[%swap3A_18], %add3A_17 {strides = array<i32>} : memref<112xf32, #tpu.memory_space<vmem>>, vector<16xf32>,
    %get3A_20 = arith.constant 48 : index
    %get3A_21 = tpu.vector_load %arg12[%get3A_20] {strides = array<i32>} : memref<112xf32, #tpu.memory_space<vmem>>, vector<16xf32>,
    %get3A_22 = arith.constant 48 : index
    %get3A_23 = tpu.vector_load %arg13[%get3A_22] {strides = array<i32>} : memref<112xf32, #tpu.memory_space<vmem>>, vector<16xf32>,
    %add3A_24 = arith.addf %get3A_21, %get3A_23 : vector<16xf32>
    %swap3A_25 = arith.constant 48 : index
    %swap3A_26 = tpu.vector_load %arg12[%swap3A_25] {strides = array<i32>} : memref<112xf32, #tpu.memory_space<vmem>>, vector<16xf32>,
    tpu.vector_store %arg12[%swap3A_25], %add3A_24 {strides = array<i32>} : memref<112xf32, #tpu.memory_space<vmem>>, vector<16xf32>,
    %get3A_27 = arith.constant 64 : index
    %get3A_28 = tpu.vector_load %arg12[%get3A_27] {strides = array<i32>} : memref<112xf32, #tpu.memory_space<vmem>>, vector<16xf32>,
    %get3A_29 = arith.constant 64 : index
    %get3A_30 = tpu.vector_load %arg13[%get3A_29] {strides = array<i32>} : memref<112xf32, #tpu.memory_space<vmem>>, vector<16xf32>,
    %add3A_31 = arith.addf %get3A_28, %get3A_30 : vector<16xf32>
    %swap3A_32 = arith.constant 64 : index
    %swap3A_33 = tpu.vector_load %arg12[%swap3A_32] {strides = array<i32>} : memref<112xf32, #tpu.memory_space<vmem>>, vector<16xf32>,
    tpu.vector_store %arg12[%swap3A_32], %add3A_31 {strides = array<i32>} : memref<112xf32, #tpu.memory_space<vmem>>, vector<16xf32>,
    %get3A_34 = arith.constant 80 : index
    %get3A_35 = tpu.vector_load %arg12[%get3A_34] {strides = array<i32>} : memref<112xf32, #tpu.memory_space<vmem>>, vector<16xf32>,
    %get3A_36 = arith.constant 80 : index
    %get3A_37 = tpu.vector_load %arg13[%get3A_36] {strides = array<i32>} : memref<112xf32, #tpu.memory_space<vmem>>, vector<16xf32>,
    %add3A_38 = arith.addf %get3A_35, %get3A_37 : vector<16xf32>
    %swap3A_39 = arith.constant 80 : index
    %swap3A_40 = tpu.vector_load %arg12[%swap3A_39] {strides = array<i32>} : memref<112xf32, #tpu.memory_space<vmem>>, vector<16xf32>,
    tpu.vector_store %arg12[%swap3A_39], %add3A_38 {strides = array<i32>} : memref<112xf32, #tpu.memory_space<vmem>>, vector<16xf32>,
    %get3A_41 = arith.constant 96 : index
    %get3A_42 = tpu.vector_load %arg12[%get3A_41] {strides = array<i32>} : memref<112xf32, #tpu.memory_space<vmem>>, vector<16xf32>,
    %get3A_43 = arith.constant 96 : index
    %get3A_44 = tpu.vector_load %arg13[%get3A_43] {strides = array<i32>} : memref<112xf32, #tpu.memory_space<vmem>>, vector<16xf32>,
    %add3A_45 = arith.addf %get3A_42, %get3A_44 : vector<16xf32>
    %swap3A_46 = arith.constant 96 : index
    %swap3A_47 = tpu.vector_load %arg12[%swap3A_46] {strides = array<i32>} : memref<112xf32, #tpu.memory_space<vmem>>, vector<16xf32>,
    tpu.vector_store %arg12[%swap3A_46], %add3A_45 {strides = array<i32>} : memref<112xf32, #tpu.memory_space<vmem>>, vector<16xf32>,
    %parallel_loop3A = arith.constant 0 : i32
    %parallel_loop3A_48 = arith.constant 104 : i32
    %parallel_loop3A_49 = arith.constant 1 : i32
    scf.for %parallel_loop3A_94 = %parallel_loop3A to %parallel_loop3A_48 step %parallel_loop3A_49  : i32 {
      %parallel_loop3A_95 = vector.broadcast %parallel_loop3A_94 : i32 to vector<16xi32>
      %parallel_loop3A_96 = tpu.vector_load_idx %arg11[%parallel_loop3A_95] : memref<112xf32, #tpu.memory_space<vmem>>[vector<16xi32>], vector<16xf32>,
      %parallel_loop3A_97 = tpu.vector_load_idx %arg12[%parallel_loop3A_95] : memref<112xf32, #tpu.memory_space<vmem>>[vector<16xi32>], vector<16xf32>,
      %parallel_loop3A_98 = tpu.iota {dimensions = array<i32: 0>} : vector<16xi32>
      %parallel_loop3A_99 = arith.constant 0 : i32
      %parallel_loop3A_100 = vector.broadcast %parallel_loop3A_99 : i32 to vector<16xi32>
      %parallel_loop3A_101 = arith.addi %parallel_loop3A_100, %parallel_loop3A_98 : vector<16xi32>
      %parallel_loop3A_102 = tpu.vector_load_idx %arg11[%parallel_loop3A_101] : memref<112xf32, #tpu.memory_space<vmem>>[vector<16xi32>], vector<16xf32>,
      %parallel_loop3A_103 = tpu.vector_load_idx %arg12[%parallel_loop3A_101] : memref<112xf32, #tpu.memory_space<vmem>>[vector<16xi32>], vector<16xf32>,
      %parallel_loop3A_104 = arith.subf %parallel_loop3A_96, %parallel_loop3A_102 : vector<16xf32>
      %parallel_loop3A_105 = math.absf %parallel_loop3A_104 : vector<16xf32>
      %parallel_loop3A_106 = arith.constant 1.909000e+01 : f32
      %parallel_loop3A_107 = vector.broadcast %parallel_loop3A_106 : f32 to vector<16xf32>
      %parallel_loop3A_108 = arith.addf %parallel_loop3A_105, %parallel_loop3A_107 : vector<16xf32>
      %parallel_loop3A_109 = arith.mulf %parallel_loop3A_108, %parallel_loop3A_108 : vector<16xf32>
      %parallel_loop3A_110 = arith.constant -0.00392834703 : f32
      %parallel_loop3A_111 = vector.broadcast %parallel_loop3A_110 : f32 to vector<16xf32>
      %parallel_loop3A_112 = arith.mulf %parallel_loop3A_109, %parallel_loop3A_111 : vector<16xf32>
      %parallel_loop3A_113 = math.exp %parallel_loop3A_112 : vector<16xf32>
      %parallel_loop3A_114 = arith.constant 2.050000e+00 : f32
      %parallel_loop3A_115 = vector.broadcast %parallel_loop3A_114 : f32 to vector<16xf32>
      %parallel_loop3A_116 = arith.mulf %parallel_loop3A_115, %parallel_loop3A_113 : vector<16xf32>
      %parallel_loop3A_117 = arith.constant 112 : i32
      %parallel_loop3A_118 = arith.muli %parallel_loop3A_94, %parallel_loop3A_117 : i32
      %parallel_loop3A_119 = arith.constant 0 : i32
      %parallel_loop3A_120 = arith.addi %parallel_loop3A_118, %parallel_loop3A_119 : i32
      %parallel_loop3A_121 = arith.index_cast %parallel_loop3A_120 : i32 to index
      %parallel_loop3A_122 = tpu.vector_load %arg14[%parallel_loop3A_121] {strides = array<i32>} : memref<11648xf32, #tpu.memory_space<vmem>>, vector<16xf32>,
      tpu.vector_store %arg14[%parallel_loop3A_121], %parallel_loop3A_116 {strides = array<i32>} : memref<11648xf32, #tpu.memory_space<vmem>>, vector<16xf32>,
      %parallel_loop3A_123 = arith.addf %parallel_loop3A_97, %parallel_loop3A_103 : vector<16xf32>
      %parallel_loop3A_124 = arith.constant 9.99999997E-7 : f32
      %parallel_loop3A_125 = vector.broadcast %parallel_loop3A_124 : f32 to vector<16xf32>
      %parallel_loop3A_126 = arith.addf %parallel_loop3A_123, %parallel_loop3A_125 : vector<16xf32>
      %parallel_loop3A_127 = arith.constant -7.500000e+00 : f32
      %parallel_loop3A_128 = vector.broadcast %parallel_loop3A_127 : f32 to vector<16xf32>
      %parallel_loop3A_129 = arith.divf %parallel_loop3A_128, %parallel_loop3A_126 : vector<16xf32>
      %parallel_loop3A_130 = arith.index_cast %parallel_loop3A_120 : i32 to index
      %parallel_loop3A_131 = tpu.vector_load %arg15[%parallel_loop3A_130] {strides = array<i32>} : memref<11648xf32, #tpu.memory_space<vmem>>, vector<16xf32>,
      tpu.vector_store %arg15[%parallel_loop3A_130], %parallel_loop3A_129 {strides = array<i32>} : memref<11648xf32, #tpu.memory_space<vmem>>, vector<16xf32>,
      %parallel_loop3A_132 = tpu.iota {dimensions = array<i32: 0>} : vector<16xi32>
      %parallel_loop3A_133 = arith.constant 16 : i32
      %parallel_loop3A_134 = vector.broadcast %parallel_loop3A_133 : i32 to vector<16xi32>
      %parallel_loop3A_135 = arith.addi %parallel_loop3A_134, %parallel_loop3A_132 : vector<16xi32>
      %parallel_loop3A_136 = tpu.vector_load_idx %arg11[%parallel_loop3A_135] : memref<112xf32, #tpu.memory_space<vmem>>[vector<16xi32>], vector<16xf32>,
      %parallel_loop3A_137 = tpu.vector_load_idx %arg12[%parallel_loop3A_135] : memref<112xf32, #tpu.memory_space<vmem>>[vector<16xi32>], vector<16xf32>,
      %parallel_loop3A_138 = arith.subf %parallel_loop3A_96, %parallel_loop3A_136 : vector<16xf32>
      %parallel_loop3A_139 = math.absf %parallel_loop3A_138 : vector<16xf32>
      %parallel_loop3A_140 = arith.constant 1.909000e+01 : f32
      %parallel_loop3A_141 = vector.broadcast %parallel_loop3A_140 : f32 to vector<16xf32>
      %parallel_loop3A_142 = arith.addf %parallel_loop3A_139, %parallel_loop3A_141 : vector<16xf32>
      %parallel_loop3A_143 = arith.mulf %parallel_loop3A_142, %parallel_loop3A_142 : vector<16xf32>
      %parallel_loop3A_144 = arith.constant -0.00392834703 : f32
      %parallel_loop3A_145 = vector.broadcast %parallel_loop3A_144 : f32 to vector<16xf32>
      %parallel_loop3A_146 = arith.mulf %parallel_loop3A_143, %parallel_loop3A_145 : vector<16xf32>
      %parallel_loop3A_147 = math.exp %parallel_loop3A_146 : vector<16xf32>
      %parallel_loop3A_148 = arith.constant 2.050000e+00 : f32
      %parallel_loop3A_149 = vector.broadcast %parallel_loop3A_148 : f32 to vector<16xf32>
      %parallel_loop3A_150 = arith.mulf %parallel_loop3A_149, %parallel_loop3A_147 : vector<16xf32>
      %parallel_loop3A_151 = arith.constant 112 : i32
      %parallel_loop3A_152 = arith.muli %parallel_loop3A_94, %parallel_loop3A_151 : i32
      %parallel_loop3A_153 = arith.constant 16 : i32
      %parallel_loop3A_154 = arith.addi %parallel_loop3A_152, %parallel_loop3A_153 : i32
      %parallel_loop3A_155 = arith.index_cast %parallel_loop3A_154 : i32 to index
      %parallel_loop3A_156 = tpu.vector_load %arg14[%parallel_loop3A_155] {strides = array<i32>} : memref<11648xf32, #tpu.memory_space<vmem>>, vector<16xf32>,
      tpu.vector_store %arg14[%parallel_loop3A_155], %parallel_loop3A_150 {strides = array<i32>} : memref<11648xf32, #tpu.memory_space<vmem>>, vector<16xf32>,
      %parallel_loop3A_157 = arith.addf %parallel_loop3A_97, %parallel_loop3A_137 : vector<16xf32>
      %parallel_loop3A_158 = arith.constant 9.99999997E-7 : f32
      %parallel_loop3A_159 = vector.broadcast %parallel_loop3A_158 : f32 to vector<16xf32>
      %parallel_loop3A_160 = arith.addf %parallel_loop3A_157, %parallel_loop3A_159 : vector<16xf32>
      %parallel_loop3A_161 = arith.constant -7.500000e+00 : f32
      %parallel_loop3A_162 = vector.broadcast %parallel_loop3A_161 : f32 to vector<16xf32>
      %parallel_loop3A_163 = arith.divf %parallel_loop3A_162, %parallel_loop3A_160 : vector<16xf32>
      %parallel_loop3A_164 = arith.index_cast %parallel_loop3A_154 : i32 to index
      %parallel_loop3A_165 = tpu.vector_load %arg15[%parallel_loop3A_164] {strides = array<i32>} : memref<11648xf32, #tpu.memory_space<vmem>>, vector<16xf32>,
      tpu.vector_store %arg15[%parallel_loop3A_164], %parallel_loop3A_163 {strides = array<i32>} : memref<11648xf32, #tpu.memory_space<vmem>>, vector<16xf32>,
      %parallel_loop3A_166 = tpu.iota {dimensions = array<i32: 0>} : vector<16xi32>
      %parallel_loop3A_167 = arith.constant 32 : i32
      %parallel_loop3A_168 = vector.broadcast %parallel_loop3A_167 : i32 to vector<16xi32>
      %parallel_loop3A_169 = arith.addi %parallel_loop3A_168, %parallel_loop3A_166 : vector<16xi32>
      %parallel_loop3A_170 = tpu.vector_load_idx %arg11[%parallel_loop3A_169] : memref<112xf32, #tpu.memory_space<vmem>>[vector<16xi32>], vector<16xf32>,
      %parallel_loop3A_171 = tpu.vector_load_idx %arg12[%parallel_loop3A_169] : memref<112xf32, #tpu.memory_space<vmem>>[vector<16xi32>], vector<16xf32>,
      %parallel_loop3A_172 = arith.subf %parallel_loop3A_96, %parallel_loop3A_170 : vector<16xf32>
      %parallel_loop3A_173 = math.absf %parallel_loop3A_172 : vector<16xf32>
      %parallel_loop3A_174 = arith.constant 1.909000e+01 : f32
      %parallel_loop3A_175 = vector.broadcast %parallel_loop3A_174 : f32 to vector<16xf32>
      %parallel_loop3A_176 = arith.addf %parallel_loop3A_173, %parallel_loop3A_175 : vector<16xf32>
      %parallel_loop3A_177 = arith.mulf %parallel_loop3A_176, %parallel_loop3A_176 : vector<16xf32>
      %parallel_loop3A_178 = arith.constant -0.00392834703 : f32
      %parallel_loop3A_179 = vector.broadcast %parallel_loop3A_178 : f32 to vector<16xf32>
      %parallel_loop3A_180 = arith.mulf %parallel_loop3A_177, %parallel_loop3A_179 : vector<16xf32>
      %parallel_loop3A_181 = math.exp %parallel_loop3A_180 : vector<16xf32>
      %parallel_loop3A_182 = arith.constant 2.050000e+00 : f32
      %parallel_loop3A_183 = vector.broadcast %parallel_loop3A_182 : f32 to vector<16xf32>
      %parallel_loop3A_184 = arith.mulf %parallel_loop3A_183, %parallel_loop3A_181 : vector<16xf32>
      %parallel_loop3A_185 = arith.constant 112 : i32
      %parallel_loop3A_186 = arith.muli %parallel_loop3A_94, %parallel_loop3A_185 : i32
      %parallel_loop3A_187 = arith.constant 32 : i32
      %parallel_loop3A_188 = arith.addi %parallel_loop3A_186, %parallel_loop3A_187 : i32
      %parallel_loop3A_189 = arith.index_cast %parallel_loop3A_188 : i32 to index
      %parallel_loop3A_190 = tpu.vector_load %arg14[%parallel_loop3A_189] {strides = array<i32>} : memref<11648xf32, #tpu.memory_space<vmem>>, vector<16xf32>,
      tpu.vector_store %arg14[%parallel_loop3A_189], %parallel_loop3A_184 {strides = array<i32>} : memref<11648xf32, #tpu.memory_space<vmem>>, vector<16xf32>,
      %parallel_loop3A_191 = arith.addf %parallel_loop3A_97, %parallel_loop3A_171 : vector<16xf32>
      %parallel_loop3A_192 = arith.constant 9.99999997E-7 : f32
      %parallel_loop3A_193 = vector.broadcast %parallel_loop3A_192 : f32 to vector<16xf32>
      %parallel_loop3A_194 = arith.addf %parallel_loop3A_191, %parallel_loop3A_193 : vector<16xf32>
      %parallel_loop3A_195 = arith.constant -7.500000e+00 : f32
      %parallel_loop3A_196 = vector.broadcast %parallel_loop3A_195 : f32 to vector<16xf32>
      %parallel_loop3A_197 = arith.divf %parallel_loop3A_196, %parallel_loop3A_194 : vector<16xf32>
      %parallel_loop3A_198 = arith.index_cast %parallel_loop3A_188 : i32 to index
      %parallel_loop3A_199 = tpu.vector_load %arg15[%parallel_loop3A_198] {strides = array<i32>} : memref<11648xf32, #tpu.memory_space<vmem>>, vector<16xf32>,
      tpu.vector_store %arg15[%parallel_loop3A_198], %parallel_loop3A_197 {strides = array<i32>} : memref<11648xf32, #tpu.memory_space<vmem>>, vector<16xf32>,
      %parallel_loop3A_200 = tpu.iota {dimensions = array<i32: 0>} : vector<16xi32>
      %parallel_loop3A_201 = arith.constant 48 : i32
      %parallel_loop3A_202 = vector.broadcast %parallel_loop3A_201 : i32 to vector<16xi32>
      %parallel_loop3A_203 = arith.addi %parallel_loop3A_202, %parallel_loop3A_200 : vector<16xi32>
      %parallel_loop3A_204 = tpu.vector_load_idx %arg11[%parallel_loop3A_203] : memref<112xf32, #tpu.memory_space<vmem>>[vector<16xi32>], vector<16xf32>,
      %parallel_loop3A_205 = tpu.vector_load_idx %arg12[%parallel_loop3A_203] : memref<112xf32, #tpu.memory_space<vmem>>[vector<16xi32>], vector<16xf32>,
      %parallel_loop3A_206 = arith.subf %parallel_loop3A_96, %parallel_loop3A_204 : vector<16xf32>
      %parallel_loop3A_207 = math.absf %parallel_loop3A_206 : vector<16xf32>
      %parallel_loop3A_208 = arith.constant 1.909000e+01 : f32
      %parallel_loop3A_209 = vector.broadcast %parallel_loop3A_208 : f32 to vector<16xf32>
      %parallel_loop3A_210 = arith.addf %parallel_loop3A_207, %parallel_loop3A_209 : vector<16xf32>
      %parallel_loop3A_211 = arith.mulf %parallel_loop3A_210, %parallel_loop3A_210 : vector<16xf32>
      %parallel_loop3A_212 = arith.constant -0.00392834703 : f32
      %parallel_loop3A_213 = vector.broadcast %parallel_loop3A_212 : f32 to vector<16xf32>
      %parallel_loop3A_214 = arith.mulf %parallel_loop3A_211, %parallel_loop3A_213 : vector<16xf32>
      %parallel_loop3A_215 = math.exp %parallel_loop3A_214 : vector<16xf32>
      %parallel_loop3A_216 = arith.constant 2.050000e+00 : f32
      %parallel_loop3A_217 = vector.broadcast %parallel_loop3A_216 : f32 to vector<16xf32>
      %parallel_loop3A_218 = arith.mulf %parallel_loop3A_217, %parallel_loop3A_215 : vector<16xf32>
      %parallel_loop3A_219 = arith.constant 112 : i32
      %parallel_loop3A_220 = arith.muli %parallel_loop3A_94, %parallel_loop3A_219 : i32
      %parallel_loop3A_221 = arith.constant 48 : i32
      %parallel_loop3A_222 = arith.addi %parallel_loop3A_220, %parallel_loop3A_221 : i32
      %parallel_loop3A_223 = arith.index_cast %parallel_loop3A_222 : i32 to index
      %parallel_loop3A_224 = tpu.vector_load %arg14[%parallel_loop3A_223] {strides = array<i32>} : memref<11648xf32, #tpu.memory_space<vmem>>, vector<16xf32>,
      tpu.vector_store %arg14[%parallel_loop3A_223], %parallel_loop3A_218 {strides = array<i32>} : memref<11648xf32, #tpu.memory_space<vmem>>, vector<16xf32>,
      %parallel_loop3A_225 = arith.addf %parallel_loop3A_97, %parallel_loop3A_205 : vector<16xf32>
      %parallel_loop3A_226 = arith.constant 9.99999997E-7 : f32
      %parallel_loop3A_227 = vector.broadcast %parallel_loop3A_226 : f32 to vector<16xf32>
      %parallel_loop3A_228 = arith.addf %parallel_loop3A_225, %parallel_loop3A_227 : vector<16xf32>
      %parallel_loop3A_229 = arith.constant -7.500000e+00 : f32
      %parallel_loop3A_230 = vector.broadcast %parallel_loop3A_229 : f32 to vector<16xf32>
      %parallel_loop3A_231 = arith.divf %parallel_loop3A_230, %parallel_loop3A_228 : vector<16xf32>
      %parallel_loop3A_232 = arith.index_cast %parallel_loop3A_222 : i32 to index
      %parallel_loop3A_233 = tpu.vector_load %arg15[%parallel_loop3A_232] {strides = array<i32>} : memref<11648xf32, #tpu.memory_space<vmem>>, vector<16xf32>,
      tpu.vector_store %arg15[%parallel_loop3A_232], %parallel_loop3A_231 {strides = array<i32>} : memref<11648xf32, #tpu.memory_space<vmem>>, vector<16xf32>,
      %parallel_loop3A_234 = tpu.iota {dimensions = array<i32: 0>} : vector<16xi32>
      %parallel_loop3A_235 = arith.constant 64 : i32
      %parallel_loop3A_236 = vector.broadcast %parallel_loop3A_235 : i32 to vector<16xi32>
      %parallel_loop3A_237 = arith.addi %parallel_loop3A_236, %parallel_loop3A_234 : vector<16xi32>
      %parallel_loop3A_238 = tpu.vector_load_idx %arg11[%parallel_loop3A_237] : memref<112xf32, #tpu.memory_space<vmem>>[vector<16xi32>], vector<16xf32>,
      %parallel_loop3A_239 = tpu.vector_load_idx %arg12[%parallel_loop3A_237] : memref<112xf32, #tpu.memory_space<vmem>>[vector<16xi32>], vector<16xf32>,
      %parallel_loop3A_240 = arith.subf %parallel_loop3A_96, %parallel_loop3A_238 : vector<16xf32>
      %parallel_loop3A_241 = math.absf %parallel_loop3A_240 : vector<16xf32>
      %parallel_loop3A_242 = arith.constant 1.909000e+01 : f32
      %parallel_loop3A_243 = vector.broadcast %parallel_loop3A_242 : f32 to vector<16xf32>
      %parallel_loop3A_244 = arith.addf %parallel_loop3A_241, %parallel_loop3A_243 : vector<16xf32>
      %parallel_loop3A_245 = arith.mulf %parallel_loop3A_244, %parallel_loop3A_244 : vector<16xf32>
      %parallel_loop3A_246 = arith.constant -0.00392834703 : f32
      %parallel_loop3A_247 = vector.broadcast %parallel_loop3A_246 : f32 to vector<16xf32>
      %parallel_loop3A_248 = arith.mulf %parallel_loop3A_245, %parallel_loop3A_247 : vector<16xf32>
      %parallel_loop3A_249 = math.exp %parallel_loop3A_248 : vector<16xf32>
      %parallel_loop3A_250 = arith.constant 2.050000e+00 : f32
      %parallel_loop3A_251 = vector.broadcast %parallel_loop3A_250 : f32 to vector<16xf32>
      %parallel_loop3A_252 = arith.mulf %parallel_loop3A_251, %parallel_loop3A_249 : vector<16xf32>
      %parallel_loop3A_253 = arith.constant 112 : i32
      %parallel_loop3A_254 = arith.muli %parallel_loop3A_94, %parallel_loop3A_253 : i32
      %parallel_loop3A_255 = arith.constant 64 : i32
      %parallel_loop3A_256 = arith.addi %parallel_loop3A_254, %parallel_loop3A_255 : i32
      %parallel_loop3A_257 = arith.index_cast %parallel_loop3A_256 : i32 to index
      %parallel_loop3A_258 = tpu.vector_load %arg14[%parallel_loop3A_257] {strides = array<i32>} : memref<11648xf32, #tpu.memory_space<vmem>>, vector<16xf32>,
      tpu.vector_store %arg14[%parallel_loop3A_257], %parallel_loop3A_252 {strides = array<i32>} : memref<11648xf32, #tpu.memory_space<vmem>>, vector<16xf32>,
      %parallel_loop3A_259 = arith.addf %parallel_loop3A_97, %parallel_loop3A_239 : vector<16xf32>
      %parallel_loop3A_260 = arith.constant 9.99999997E-7 : f32
      %parallel_loop3A_261 = vector.broadcast %parallel_loop3A_260 : f32 to vector<16xf32>
      %parallel_loop3A_262 = arith.addf %parallel_loop3A_259, %parallel_loop3A_261 : vector<16xf32>
      %parallel_loop3A_263 = arith.constant -7.500000e+00 : f32
      %parallel_loop3A_264 = vector.broadcast %parallel_loop3A_263 : f32 to vector<16xf32>
      %parallel_loop3A_265 = arith.divf %parallel_loop3A_264, %parallel_loop3A_262 : vector<16xf32>
      %parallel_loop3A_266 = arith.index_cast %parallel_loop3A_256 : i32 to index
      %parallel_loop3A_267 = tpu.vector_load %arg15[%parallel_loop3A_266] {strides = array<i32>} : memref<11648xf32, #tpu.memory_space<vmem>>, vector<16xf32>,
      tpu.vector_store %arg15[%parallel_loop3A_266], %parallel_loop3A_265 {strides = array<i32>} : memref<11648xf32, #tpu.memory_space<vmem>>, vector<16xf32>,
      %parallel_loop3A_268 = tpu.iota {dimensions = array<i32: 0>} : vector<16xi32>
      %parallel_loop3A_269 = arith.constant 80 : i32
      %parallel_loop3A_270 = vector.broadcast %parallel_loop3A_269 : i32 to vector<16xi32>
      %parallel_loop3A_271 = arith.addi %parallel_loop3A_270, %parallel_loop3A_268 : vector<16xi32>
      %parallel_loop3A_272 = tpu.vector_load_idx %arg11[%parallel_loop3A_271] : memref<112xf32, #tpu.memory_space<vmem>>[vector<16xi32>], vector<16xf32>,
      %parallel_loop3A_273 = tpu.vector_load_idx %arg12[%parallel_loop3A_271] : memref<112xf32, #tpu.memory_space<vmem>>[vector<16xi32>], vector<16xf32>,
      %parallel_loop3A_274 = arith.subf %parallel_loop3A_96, %parallel_loop3A_272 : vector<16xf32>
      %parallel_loop3A_275 = math.absf %parallel_loop3A_274 : vector<16xf32>
      %parallel_loop3A_276 = arith.constant 1.909000e+01 : f32
      %parallel_loop3A_277 = vector.broadcast %parallel_loop3A_276 : f32 to vector<16xf32>
      %parallel_loop3A_278 = arith.addf %parallel_loop3A_275, %parallel_loop3A_277 : vector<16xf32>
      %parallel_loop3A_279 = arith.mulf %parallel_loop3A_278, %parallel_loop3A_278 : vector<16xf32>
      %parallel_loop3A_280 = arith.constant -0.00392834703 : f32
      %parallel_loop3A_281 = vector.broadcast %parallel_loop3A_280 : f32 to vector<16xf32>
      %parallel_loop3A_282 = arith.mulf %parallel_loop3A_279, %parallel_loop3A_281 : vector<16xf32>
      %parallel_loop3A_283 = math.exp %parallel_loop3A_282 : vector<16xf32>
      %parallel_loop3A_284 = arith.constant 2.050000e+00 : f32
      %parallel_loop3A_285 = vector.broadcast %parallel_loop3A_284 : f32 to vector<16xf32>
      %parallel_loop3A_286 = arith.mulf %parallel_loop3A_285, %parallel_loop3A_283 : vector<16xf32>
      %parallel_loop3A_287 = arith.constant 112 : i32
      %parallel_loop3A_288 = arith.muli %parallel_loop3A_94, %parallel_loop3A_287 : i32
      %parallel_loop3A_289 = arith.constant 80 : i32
      %parallel_loop3A_290 = arith.addi %parallel_loop3A_288, %parallel_loop3A_289 : i32
      %parallel_loop3A_291 = arith.index_cast %parallel_loop3A_290 : i32 to index
      %parallel_loop3A_292 = tpu.vector_load %arg14[%parallel_loop3A_291] {strides = array<i32>} : memref<11648xf32, #tpu.memory_space<vmem>>, vector<16xf32>,
      tpu.vector_store %arg14[%parallel_loop3A_291], %parallel_loop3A_286 {strides = array<i32>} : memref<11648xf32, #tpu.memory_space<vmem>>, vector<16xf32>,
      %parallel_loop3A_293 = arith.addf %parallel_loop3A_97, %parallel_loop3A_273 : vector<16xf32>
      %parallel_loop3A_294 = arith.constant 9.99999997E-7 : f32
      %parallel_loop3A_295 = vector.broadcast %parallel_loop3A_294 : f32 to vector<16xf32>
      %parallel_loop3A_296 = arith.addf %parallel_loop3A_293, %parallel_loop3A_295 : vector<16xf32>
      %parallel_loop3A_297 = arith.constant -7.500000e+00 : f32
      %parallel_loop3A_298 = vector.broadcast %parallel_loop3A_297 : f32 to vector<16xf32>
      %parallel_loop3A_299 = arith.divf %parallel_loop3A_298, %parallel_loop3A_296 : vector<16xf32>
      %parallel_loop3A_300 = arith.index_cast %parallel_loop3A_290 : i32 to index
      %parallel_loop3A_301 = tpu.vector_load %arg15[%parallel_loop3A_300] {strides = array<i32>} : memref<11648xf32, #tpu.memory_space<vmem>>, vector<16xf32>,
      tpu.vector_store %arg15[%parallel_loop3A_300], %parallel_loop3A_299 {strides = array<i32>} : memref<11648xf32, #tpu.memory_space<vmem>>, vector<16xf32>,
      %parallel_loop3A_302 = tpu.iota {dimensions = array<i32: 0>} : vector<16xi32>
      %parallel_loop3A_303 = arith.constant 96 : i32
      %parallel_loop3A_304 = vector.broadcast %parallel_loop3A_303 : i32 to vector<16xi32>
      %parallel_loop3A_305 = arith.addi %parallel_loop3A_304, %parallel_loop3A_302 : vector<16xi32>
      %parallel_loop3A_306 = tpu.vector_load_idx %arg11[%parallel_loop3A_305] : memref<112xf32, #tpu.memory_space<vmem>>[vector<16xi32>], vector<16xf32>,
      %parallel_loop3A_307 = tpu.vector_load_idx %arg12[%parallel_loop3A_305] : memref<112xf32, #tpu.memory_space<vmem>>[vector<16xi32>], vector<16xf32>,
      %parallel_loop3A_308 = arith.subf %parallel_loop3A_96, %parallel_loop3A_306 : vector<16xf32>
      %parallel_loop3A_309 = math.absf %parallel_loop3A_308 : vector<16xf32>
      %parallel_loop3A_310 = arith.constant 1.909000e+01 : f32
      %parallel_loop3A_311 = vector.broadcast %parallel_loop3A_310 : f32 to vector<16xf32>
      %parallel_loop3A_312 = arith.addf %parallel_loop3A_309, %parallel_loop3A_311 : vector<16xf32>
      %parallel_loop3A_313 = arith.mulf %parallel_loop3A_312, %parallel_loop3A_312 : vector<16xf32>
      %parallel_loop3A_314 = arith.constant -0.00392834703 : f32
      %parallel_loop3A_315 = vector.broadcast %parallel_loop3A_314 : f32 to vector<16xf32>
      %parallel_loop3A_316 = arith.mulf %parallel_loop3A_313, %parallel_loop3A_315 : vector<16xf32>
      %parallel_loop3A_317 = math.exp %parallel_loop3A_316 : vector<16xf32>
      %parallel_loop3A_318 = arith.constant 2.050000e+00 : f32
      %parallel_loop3A_319 = vector.broadcast %parallel_loop3A_318 : f32 to vector<16xf32>
      %parallel_loop3A_320 = arith.mulf %parallel_loop3A_319, %parallel_loop3A_317 : vector<16xf32>
      %parallel_loop3A_321 = arith.constant 112 : i32
      %parallel_loop3A_322 = arith.muli %parallel_loop3A_94, %parallel_loop3A_321 : i32
      %parallel_loop3A_323 = arith.constant 96 : i32
      %parallel_loop3A_324 = arith.addi %parallel_loop3A_322, %parallel_loop3A_323 : i32
      %parallel_loop3A_325 = arith.index_cast %parallel_loop3A_324 : i32 to index
      %parallel_loop3A_326 = tpu.vector_load %arg14[%parallel_loop3A_325] {strides = array<i32>} : memref<11648xf32, #tpu.memory_space<vmem>>, vector<16xf32>,
      tpu.vector_store %arg14[%parallel_loop3A_325], %parallel_loop3A_320 {strides = array<i32>} : memref<11648xf32, #tpu.memory_space<vmem>>, vector<16xf32>,
      %parallel_loop3A_327 = arith.addf %parallel_loop3A_97, %parallel_loop3A_307 : vector<16xf32>
      %parallel_loop3A_328 = arith.constant 9.99999997E-7 : f32
      %parallel_loop3A_329 = vector.broadcast %parallel_loop3A_328 : f32 to vector<16xf32>
      %parallel_loop3A_330 = arith.addf %parallel_loop3A_327, %parallel_loop3A_329 : vector<16xf32>
      %parallel_loop3A_331 = arith.constant -7.500000e+00 : f32
      %parallel_loop3A_332 = vector.broadcast %parallel_loop3A_331 : f32 to vector<16xf32>
      %parallel_loop3A_333 = arith.divf %parallel_loop3A_332, %parallel_loop3A_330 : vector<16xf32>
      %parallel_loop3A_334 = arith.index_cast %parallel_loop3A_324 : i32 to index
      %parallel_loop3A_335 = tpu.vector_load %arg15[%parallel_loop3A_334] {strides = array<i32>} : memref<11648xf32, #tpu.memory_space<vmem>>, vector<16xf32>,
      tpu.vector_store %arg15[%parallel_loop3A_334], %parallel_loop3A_333 {strides = array<i32>} : memref<11648xf32, #tpu.memory_space<vmem>>, vector<16xf32>,
    } {sc.loop_unroll_factor = 2 : i64, sc.parallel_access}
    %mul3A_50 = arith.constant 100000 : i32
    %mul3A_51 = arith.muli %add3A, %mul3A_50 : i32
    %add3A_52 = arith.constant 0 : i32
    %add3A_53 = arith.addi %mul3A_51, %add3A_52 : i32
    %dma_start3A = tpu.memref_slice %arg3[%add3A_53] : memref<3200000xi32, #tpu.memory_space<hbm>> -> memref<800xi32, #tpu.memory_space<hbm>>
    %dma_start3A_54 = tpu.memref_slice %arg3[%add3A_53] : memref<3200000xi32, #tpu.memory_space<hbm>> -> memref<800xi32, #tpu.memory_space<hbm>>
    tpu.enqueue_dma source(%dma_start3A_54 : memref<800xi32, #tpu.memory_space<hbm>>) target(%arg16 : memref<800xi32, #tpu.memory_space<vmem>>) target_semaphore(%arg25 : memref<!tpu.dma_semaphore, #tpu.memory_space<semaphore_mem>>)
    %dma_start3A_55 = tpu.memref_slice %arg4[%add3A_53] : memref<3200000xi32, #tpu.memory_space<hbm>> -> memref<800xi32, #tpu.memory_space<hbm>>
    %dma_start3A_56 = tpu.memref_slice %arg4[%add3A_53] : memref<3200000xi32, #tpu.memory_space<hbm>> -> memref<800xi32, #tpu.memory_space<hbm>>
    tpu.enqueue_dma source(%dma_start3A_56 : memref<800xi32, #tpu.memory_space<hbm>>) target(%arg18 : memref<800xi32, #tpu.memory_space<vmem>>) target_semaphore(%arg27 : memref<!tpu.dma_semaphore, #tpu.memory_space<semaphore_mem>>)
    %dma_start3A_57 = tpu.memref_slice %arg5[%add3A_53] : memref<3200000xf32, #tpu.memory_space<hbm>> -> memref<800xf32, #tpu.memory_space<hbm>>
    %dma_start3A_58 = tpu.memref_slice %arg5[%add3A_53] : memref<3200000xf32, #tpu.memory_space<hbm>> -> memref<800xf32, #tpu.memory_space<hbm>>
    tpu.enqueue_dma source(%dma_start3A_58 : memref<800xf32, #tpu.memory_space<hbm>>) target(%arg20 : memref<800xf32, #tpu.memory_space<vmem>>) target_semaphore(%arg29 : memref<!tpu.dma_semaphore, #tpu.memory_space<semaphore_mem>>)
    tpu.wait_dma2 semaphore(%arg24 : memref<!tpu.dma_semaphore, #tpu.memory_space<semaphore_mem>>) src(%arg2 : memref<100000xi32, #tpu.memory_space<hbm>>) dst(%arg10 : memref<100000xi32, #tpu.memory_space<vmem>>)
    %scan3A = arith.constant 0 : i32
    %scan3A_59 = arith.constant 0 : i32
    %scan3A_60 = arith.constant 62 : i32
    %scan3A_61 = arith.addi %scan3A_59, %scan3A_60 : i32
    %scan3A_62 = arith.constant 1 : i32
    scf.for %scan3A_94 = %scan3A_59 to %scan3A_61 step %scan3A_62  : i32 {
      %mul3A_95 = arith.constant 2 : i32
      %mul3A_96 = arith.muli %mul3A_95, %scan3A_94 : i32
      %add3A_97 = arith.constant 1 : i32
      %add3A_98 = arith.addi %mul3A_96, %add3A_97 : i32
      %mul3A_99 = arith.constant 800 : i32
      %mul3A_100 = arith.muli %add3A_98, %mul3A_99 : i32
      %add3A_101 = arith.addi %mul3A_51, %mul3A_100 : i32
      %dma_start3A_102 = tpu.memref_slice %arg3[%add3A_101] : memref<3200000xi32, #tpu.memory_space<hbm>> -> memref<800xi32, #tpu.memory_space<hbm>>
      %dma_start3A_103 = tpu.memref_slice %arg3[%add3A_101] : memref<3200000xi32, #tpu.memory_space<hbm>> -> memref<800xi32, #tpu.memory_space<hbm>>
      tpu.enqueue_dma source(%dma_start3A_103 : memref<800xi32, #tpu.memory_space<hbm>>) target(%arg17 : memref<800xi32, #tpu.memory_space<vmem>>) target_semaphore(%arg26 : memref<!tpu.dma_semaphore, #tpu.memory_space<semaphore_mem>>)
      %dma_start3A_104 = tpu.memref_slice %arg4[%add3A_101] : memref<3200000xi32, #tpu.memory_space<hbm>> -> memref<800xi32, #tpu.memory_space<hbm>>
      %dma_start3A_105 = tpu.memref_slice %arg4[%add3A_101] : memref<3200000xi32, #tpu.memory_space<hbm>> -> memref<800xi32, #tpu.memory_space<hbm>>
      tpu.enqueue_dma source(%dma_start3A_105 : memref<800xi32, #tpu.memory_space<hbm>>) target(%arg19 : memref<800xi32, #tpu.memory_space<vmem>>) target_semaphore(%arg28 : memref<!tpu.dma_semaphore, #tpu.memory_space<semaphore_mem>>)
      %dma_start3A_106 = tpu.memref_slice %arg5[%add3A_101] : memref<3200000xf32, #tpu.memory_space<hbm>> -> memref<800xf32, #tpu.memory_space<hbm>>
      %dma_start3A_107 = tpu.memref_slice %arg5[%add3A_101] : memref<3200000xf32, #tpu.memory_space<hbm>> -> memref<800xf32, #tpu.memory_space<hbm>>
      tpu.enqueue_dma source(%dma_start3A_107 : memref<800xf32, #tpu.memory_space<hbm>>) target(%arg21 : memref<800xf32, #tpu.memory_space<vmem>>) target_semaphore(%arg30 : memref<!tpu.dma_semaphore, #tpu.memory_space<semaphore_mem>>)
      %dma_wait3A_108 = arith.constant 0 : i32
      %dma_wait3A_109 = tpu.memref_slice %arg3[%dma_wait3A_108] : memref<3200000xi32, #tpu.memory_space<hbm>> -> memref<800xi32, #tpu.memory_space<hbm>>
      %dma_wait3A_110 = arith.constant 0 : i32
      %dma_wait3A_111 = tpu.memref_slice %arg3[%dma_wait3A_110] : memref<3200000xi32, #tpu.memory_space<hbm>> -> memref<800xi32, #tpu.memory_space<hbm>>
      tpu.wait_dma2 semaphore(%arg25 : memref<!tpu.dma_semaphore, #tpu.memory_space<semaphore_mem>>) src(%dma_wait3A_111 : memref<800xi32, #tpu.memory_space<hbm>>) dst(%arg16 : memref<800xi32, #tpu.memory_space<vmem>>)
      %dma_wait3A_112 = arith.constant 0 : i32
      %dma_wait3A_113 = tpu.memref_slice %arg4[%dma_wait3A_112] : memref<3200000xi32, #tpu.memory_space<hbm>> -> memref<800xi32, #tpu.memory_space<hbm>>
      %dma_wait3A_114 = arith.constant 0 : i32
      %dma_wait3A_115 = tpu.memref_slice %arg4[%dma_wait3A_114] : memref<3200000xi32, #tpu.memory_space<hbm>> -> memref<800xi32, #tpu.memory_space<hbm>>
      tpu.wait_dma2 semaphore(%arg27 : memref<!tpu.dma_semaphore, #tpu.memory_space<semaphore_mem>>) src(%dma_wait3A_115 : memref<800xi32, #tpu.memory_space<hbm>>) dst(%arg18 : memref<800xi32, #tpu.memory_space<vmem>>)
      %dma_wait3A_116 = arith.constant 0 : i32
      %dma_wait3A_117 = tpu.memref_slice %arg5[%dma_wait3A_116] : memref<3200000xf32, #tpu.memory_space<hbm>> -> memref<800xf32, #tpu.memory_space<hbm>>
      %dma_wait3A_118 = arith.constant 0 : i32
      %dma_wait3A_119 = tpu.memref_slice %arg5[%dma_wait3A_118] : memref<3200000xf32, #tpu.memory_space<hbm>> -> memref<800xf32, #tpu.memory_space<hbm>>
      tpu.wait_dma2 semaphore(%arg29 : memref<!tpu.dma_semaphore, #tpu.memory_space<semaphore_mem>>) src(%dma_wait3A_119 : memref<800xf32, #tpu.memory_space<hbm>>) dst(%arg20 : memref<800xf32, #tpu.memory_space<vmem>>)
      %gt3A = arith.constant 0 : i32
      %gt3A_120 = arith.cmpi sgt, %scan3A_94, %gt3A : i32
      %convert_element_type3A = arith.extui %gt3A_120 : i1 to i32
      %cond3A = arith.constant 0 : i32
      %cond3A_121 = arith.cmpi ne, %convert_element_type3A, %cond3A : i32
      scf.if %cond3A_121 {
        %dma_wait3A_168 = arith.constant 0 : i32
        %dma_wait3A_169 = tpu.memref_slice %arg9[%dma_wait3A_168] : memref<3200000xf32, #tpu.memory_space<hbm>> -> memref<800xf32, #tpu.memory_space<hbm>>
        %dma_wait3A_170 = arith.constant 0 : i32
        %dma_wait3A_171 = tpu.memref_slice %arg9[%dma_wait3A_170] : memref<3200000xf32, #tpu.memory_space<hbm>> -> memref<800xf32, #tpu.memory_space<hbm>>
        tpu.wait_dma2 semaphore(%arg31 : memref<!tpu.dma_semaphore, #tpu.memory_space<semaphore_mem>>) src(%arg22 : memref<800xf32, #tpu.memory_space<vmem>>) dst(%dma_wait3A_171 : memref<800xf32, #tpu.memory_space<hbm>>)
      } else {
      }
      %parallel_loop3A_122 = arith.constant 0 : i32
      %parallel_loop3A_123 = arith.constant 800 : i32
      %parallel_loop3A_124 = arith.constant 16 : i32
      scf.for %parallel_loop3A_168 = %parallel_loop3A_122 to %parallel_loop3A_123 step %parallel_loop3A_124  : i32 {
        %parallel_loop3A_169 = arith.index_cast %parallel_loop3A_168 : i32 to index
        %parallel_loop3A_170 = tpu.vector_load %arg16[%parallel_loop3A_169] {strides = array<i32>} : memref<800xi32, #tpu.memory_space<vmem>>, vector<16xi32>,
        %parallel_loop3A_171 = arith.index_cast %parallel_loop3A_168 : i32 to index
        %parallel_loop3A_172 = tpu.vector_load %arg18[%parallel_loop3A_171] {strides = array<i32>} : memref<800xi32, #tpu.memory_space<vmem>>, vector<16xi32>,
        %parallel_loop3A_173 = arith.index_cast %parallel_loop3A_168 : i32 to index
        %parallel_loop3A_174 = tpu.vector_load %arg20[%parallel_loop3A_173] {strides = array<i32>} : memref<800xf32, #tpu.memory_space<vmem>>, vector<16xf32>,
        %parallel_loop3A_175 = tpu.vector_load_idx %arg10[%parallel_loop3A_170] : memref<100000xi32, #tpu.memory_space<vmem>>[vector<16xi32>], vector<16xi32>,
        %parallel_loop3A_176 = tpu.vector_load_idx %arg10[%parallel_loop3A_172] : memref<100000xi32, #tpu.memory_space<vmem>>[vector<16xi32>], vector<16xi32>,
        %parallel_loop3A_177 = arith.constant 112 : i32
        %parallel_loop3A_178 = vector.broadcast %parallel_loop3A_177 : i32 to vector<16xi32>
        %parallel_loop3A_179 = arith.muli %parallel_loop3A_175, %parallel_loop3A_178 : vector<16xi32>
        %parallel_loop3A_180 = arith.addi %parallel_loop3A_179, %parallel_loop3A_176 : vector<16xi32>
        %parallel_loop3A_181 = tpu.vector_load_idx %arg14[%parallel_loop3A_180] : memref<11648xf32, #tpu.memory_space<vmem>>[vector<16xi32>], vector<16xf32>,
        %parallel_loop3A_182 = tpu.vector_load_idx %arg15[%parallel_loop3A_180] : memref<11648xf32, #tpu.memory_space<vmem>>[vector<16xi32>], vector<16xf32>,
        %parallel_loop3A_183 = arith.mulf %parallel_loop3A_182, %parallel_loop3A_174 : vector<16xf32>
        %parallel_loop3A_184 = arith.constant 7.500000e+00 : f32
        %parallel_loop3A_185 = vector.broadcast %parallel_loop3A_184 : f32 to vector<16xf32>
        %parallel_loop3A_186 = arith.addf %parallel_loop3A_183, %parallel_loop3A_185 : vector<16xf32>
        %parallel_loop3A_187 = math.absf %parallel_loop3A_186 : vector<16xf32>
        %parallel_loop3A_188 = arith.constant 4.704700e-01 : f32
        %parallel_loop3A_189 = vector.broadcast %parallel_loop3A_188 : f32 to vector<16xf32>
        %parallel_loop3A_190 = arith.mulf %parallel_loop3A_189, %parallel_loop3A_187 : vector<16xf32>
        %parallel_loop3A_191 = arith.constant 1.000000e+00 : f32
        %parallel_loop3A_192 = vector.broadcast %parallel_loop3A_191 : f32 to vector<16xf32>
        %parallel_loop3A_193 = arith.addf %parallel_loop3A_192, %parallel_loop3A_190 : vector<16xf32>
        %parallel_loop3A_194 = arith.constant 1.000000e+00 : f32
        %parallel_loop3A_195 = vector.broadcast %parallel_loop3A_194 : f32 to vector<16xf32>
        %parallel_loop3A_196 = arith.divf %parallel_loop3A_195, %parallel_loop3A_193 : vector<16xf32>
        %parallel_loop3A_197 = arith.constant 0.747855603 : f32
        %parallel_loop3A_198 = vector.broadcast %parallel_loop3A_197 : f32 to vector<16xf32>
        %parallel_loop3A_199 = arith.mulf %parallel_loop3A_198, %parallel_loop3A_196 : vector<16xf32>
        %parallel_loop3A_200 = arith.constant -9.587980e-02 : f32
        %parallel_loop3A_201 = vector.broadcast %parallel_loop3A_200 : f32 to vector<16xf32>
        %parallel_loop3A_202 = arith.addf %parallel_loop3A_199, %parallel_loop3A_201 : vector<16xf32>
        %parallel_loop3A_203 = arith.mulf %parallel_loop3A_202, %parallel_loop3A_196 : vector<16xf32>
        %parallel_loop3A_204 = arith.constant 0.348024189 : f32
        %parallel_loop3A_205 = vector.broadcast %parallel_loop3A_204 : f32 to vector<16xf32>
        %parallel_loop3A_206 = arith.addf %parallel_loop3A_203, %parallel_loop3A_205 : vector<16xf32>
        %parallel_loop3A_207 = arith.mulf %parallel_loop3A_206, %parallel_loop3A_196 : vector<16xf32>
        %parallel_loop3A_208 = arith.mulf %parallel_loop3A_186, %parallel_loop3A_186 : vector<16xf32>
        %parallel_loop3A_209 = arith.constant 0.000000e+00 : f32
        %parallel_loop3A_210 = vector.broadcast %parallel_loop3A_209 : f32 to vector<16xf32>
        %parallel_loop3A_211 = arith.subf %parallel_loop3A_210, %parallel_loop3A_208 : vector<16xf32>
        %parallel_loop3A_212 = math.exp %parallel_loop3A_211 : vector<16xf32>
        %parallel_loop3A_213 = arith.mulf %parallel_loop3A_207, %parallel_loop3A_212 : vector<16xf32>
        %parallel_loop3A_214 = arith.constant 1.000000e+00 : f32
        %parallel_loop3A_215 = vector.broadcast %parallel_loop3A_214 : f32 to vector<16xf32>
        %parallel_loop3A_216 = arith.subf %parallel_loop3A_215, %parallel_loop3A_213 : vector<16xf32>
        %parallel_loop3A_217 = tpu.bitcast %parallel_loop3A_186 : vector<16xf32> -> vector<16xi32>
        %parallel_loop3A_218 = arith.constant -2147483648 : i32
        %parallel_loop3A_219 = vector.broadcast %parallel_loop3A_218 : i32 to vector<16xi32>
        %parallel_loop3A_220 = arith.andi %parallel_loop3A_217, %parallel_loop3A_219 : vector<16xi32>
        %parallel_loop3A_221 = tpu.bitcast %parallel_loop3A_216 : vector<16xf32> -> vector<16xi32>
        %parallel_loop3A_222 = arith.xori %parallel_loop3A_221, %parallel_loop3A_220 : vector<16xi32>
        %parallel_loop3A_223 = tpu.bitcast %parallel_loop3A_222 : vector<16xi32> -> vector<16xf32>
        %parallel_loop3A_224 = arith.constant 1.000000e+00 : f32
        %parallel_loop3A_225 = vector.broadcast %parallel_loop3A_224 : f32 to vector<16xf32>
        %parallel_loop3A_226 = arith.addf %parallel_loop3A_225, %parallel_loop3A_223 : vector<16xf32>
        %parallel_loop3A_227 = arith.mulf %parallel_loop3A_181, %parallel_loop3A_226 : vector<16xf32>
        %parallel_loop3A_228 = arith.index_cast %parallel_loop3A_168 : i32 to index
        %parallel_loop3A_229 = tpu.vector_load %arg22[%parallel_loop3A_228] {strides = array<i32>} : memref<800xf32, #tpu.memory_space<vmem>>, vector<16xf32>,
        tpu.vector_store %arg22[%parallel_loop3A_228], %parallel_loop3A_227 {strides = array<i32>} : memref<800xf32, #tpu.memory_space<vmem>>, vector<16xf32>,
      } {sc.loop_unroll_factor = 5 : i64, sc.parallel_access}
      %mul3A_125 = arith.constant 800 : i32
      %mul3A_126 = arith.muli %mul3A_96, %mul3A_125 : i32
      %add3A_127 = arith.addi %mul3A_51, %mul3A_126 : i32
      %dma_start3A_128 = tpu.memref_slice %arg9[%add3A_127] : memref<3200000xf32, #tpu.memory_space<hbm>> -> memref<800xf32, #tpu.memory_space<hbm>>
      %dma_start3A_129 = tpu.memref_slice %arg9[%add3A_127] : memref<3200000xf32, #tpu.memory_space<hbm>> -> memref<800xf32, #tpu.memory_space<hbm>>
      tpu.enqueue_dma source(%arg22 : memref<800xf32, #tpu.memory_space<vmem>>) target(%dma_start3A_129 : memref<800xf32, #tpu.memory_space<hbm>>) target_semaphore(%arg31 : memref<!tpu.dma_semaphore, #tpu.memory_space<semaphore_mem>>)
      %add3A_130 = arith.constant 2 : i32
      %add3A_131 = arith.addi %mul3A_96, %add3A_130 : i32
      %mul3A_132 = arith.constant 800 : i32
      %mul3A_133 = arith.muli %add3A_131, %mul3A_132 : i32
      %add3A_134 = arith.addi %mul3A_51, %mul3A_133 : i32
      %dma_start3A_135 = tpu.memref_slice %arg3[%add3A_134] : memref<3200000xi32, #tpu.memory_space<hbm>> -> memref<800xi32, #tpu.memory_space<hbm>>
      %dma_start3A_136 = tpu.memref_slice %arg3[%add3A_134] : memref<3200000xi32, #tpu.memory_space<hbm>> -> memref<800xi32, #tpu.memory_space<hbm>>
      tpu.enqueue_dma source(%dma_start3A_136 : memref<800xi32, #tpu.memory_space<hbm>>) target(%arg16 : memref<800xi32, #tpu.memory_space<vmem>>) target_semaphore(%arg25 : memref<!tpu.dma_semaphore, #tpu.memory_space<semaphore_mem>>)
      %dma_start3A_137 = tpu.memref_slice %arg4[%add3A_134] : memref<3200000xi32, #tpu.memory_space<hbm>> -> memref<800xi32, #tpu.memory_space<hbm>>
      %dma_start3A_138 = tpu.memref_slice %arg4[%add3A_134] : memref<3200000xi32, #tpu.memory_space<hbm>> -> memref<800xi32, #tpu.memory_space<hbm>>
      tpu.enqueue_dma source(%dma_start3A_138 : memref<800xi32, #tpu.memory_space<hbm>>) target(%arg18 : memref<800xi32, #tpu.memory_space<vmem>>) target_semaphore(%arg27 : memref<!tpu.dma_semaphore, #tpu.memory_space<semaphore_mem>>)
      %dma_start3A_139 = tpu.memref_slice %arg5[%add3A_134] : memref<3200000xf32, #tpu.memory_space<hbm>> -> memref<800xf32, #tpu.memory_space<hbm>>
      %dma_start3A_140 = tpu.memref_slice %arg5[%add3A_134] : memref<3200000xf32, #tpu.memory_space<hbm>> -> memref<800xf32, #tpu.memory_space<hbm>>
      tpu.enqueue_dma source(%dma_start3A_140 : memref<800xf32, #tpu.memory_space<hbm>>) target(%arg20 : memref<800xf32, #tpu.memory_space<vmem>>) target_semaphore(%arg29 : memref<!tpu.dma_semaphore, #tpu.memory_space<semaphore_mem>>)
      %dma_wait3A_141 = arith.constant 0 : i32
      %dma_wait3A_142 = tpu.memref_slice %arg3[%dma_wait3A_141] : memref<3200000xi32, #tpu.memory_space<hbm>> -> memref<800xi32, #tpu.memory_space<hbm>>
      %dma_wait3A_143 = arith.constant 0 : i32
      %dma_wait3A_144 = tpu.memref_slice %arg3[%dma_wait3A_143] : memref<3200000xi32, #tpu.memory_space<hbm>> -> memref<800xi32, #tpu.memory_space<hbm>>
      tpu.wait_dma2 semaphore(%arg26 : memref<!tpu.dma_semaphore, #tpu.memory_space<semaphore_mem>>) src(%dma_wait3A_144 : memref<800xi32, #tpu.memory_space<hbm>>) dst(%arg17 : memref<800xi32, #tpu.memory_space<vmem>>)
      %dma_wait3A_145 = arith.constant 0 : i32
      %dma_wait3A_146 = tpu.memref_slice %arg4[%dma_wait3A_145] : memref<3200000xi32, #tpu.memory_space<hbm>> -> memref<800xi32, #tpu.memory_space<hbm>>
      %dma_wait3A_147 = arith.constant 0 : i32
      %dma_wait3A_148 = tpu.memref_slice %arg4[%dma_wait3A_147] : memref<3200000xi32, #tpu.memory_space<hbm>> -> memref<800xi32, #tpu.memory_space<hbm>>
      tpu.wait_dma2 semaphore(%arg28 : memref<!tpu.dma_semaphore, #tpu.memory_space<semaphore_mem>>) src(%dma_wait3A_148 : memref<800xi32, #tpu.memory_space<hbm>>) dst(%arg19 : memref<800xi32, #tpu.memory_space<vmem>>)
      %dma_wait3A_149 = arith.constant 0 : i32
      %dma_wait3A_150 = tpu.memref_slice %arg5[%dma_wait3A_149] : memref<3200000xf32, #tpu.memory_space<hbm>> -> memref<800xf32, #tpu.memory_space<hbm>>
      %dma_wait3A_151 = arith.constant 0 : i32
      %dma_wait3A_152 = tpu.memref_slice %arg5[%dma_wait3A_151] : memref<3200000xf32, #tpu.memory_space<hbm>> -> memref<800xf32, #tpu.memory_space<hbm>>
      tpu.wait_dma2 semaphore(%arg30 : memref<!tpu.dma_semaphore, #tpu.memory_space<semaphore_mem>>) src(%dma_wait3A_152 : memref<800xf32, #tpu.memory_space<hbm>>) dst(%arg21 : memref<800xf32, #tpu.memory_space<vmem>>)
      %gt3A_153 = arith.constant 0 : i32
      %gt3A_154 = arith.cmpi sgt, %scan3A_94, %gt3A_153 : i32
      %convert_element_type3A_155 = arith.extui %gt3A_154 : i1 to i32
      %cond3A_156 = arith.constant 0 : i32
      %cond3A_157 = arith.cmpi ne, %convert_element_type3A_155, %cond3A_156 : i32
      scf.if %cond3A_157 {
        %dma_wait3A_168 = arith.constant 0 : i32
        %dma_wait3A_169 = tpu.memref_slice %arg9[%dma_wait3A_168] : memref<3200000xf32, #tpu.memory_space<hbm>> -> memref<800xf32, #tpu.memory_space<hbm>>
        %dma_wait3A_170 = arith.constant 0 : i32
        %dma_wait3A_171 = tpu.memref_slice %arg9[%dma_wait3A_170] : memref<3200000xf32, #tpu.memory_space<hbm>> -> memref<800xf32, #tpu.memory_space<hbm>>
        tpu.wait_dma2 semaphore(%arg32 : memref<!tpu.dma_semaphore, #tpu.memory_space<semaphore_mem>>) src(%arg23 : memref<800xf32, #tpu.memory_space<vmem>>) dst(%dma_wait3A_171 : memref<800xf32, #tpu.memory_space<hbm>>)
      } else {
      }
      %parallel_loop3A_158 = arith.constant 0 : i32
      %parallel_loop3A_159 = arith.constant 800 : i32
      %parallel_loop3A_160 = arith.constant 16 : i32
      scf.for %parallel_loop3A_168 = %parallel_loop3A_158 to %parallel_loop3A_159 step %parallel_loop3A_160  : i32 {
        %parallel_loop3A_169 = arith.index_cast %parallel_loop3A_168 : i32 to index
        %parallel_loop3A_170 = tpu.vector_load %arg17[%parallel_loop3A_169] {strides = array<i32>} : memref<800xi32, #tpu.memory_space<vmem>>, vector<16xi32>,
        %parallel_loop3A_171 = arith.index_cast %parallel_loop3A_168 : i32 to index
        %parallel_loop3A_172 = tpu.vector_load %arg19[%parallel_loop3A_171] {strides = array<i32>} : memref<800xi32, #tpu.memory_space<vmem>>, vector<16xi32>,
        %parallel_loop3A_173 = arith.index_cast %parallel_loop3A_168 : i32 to index
        %parallel_loop3A_174 = tpu.vector_load %arg21[%parallel_loop3A_173] {strides = array<i32>} : memref<800xf32, #tpu.memory_space<vmem>>, vector<16xf32>,
        %parallel_loop3A_175 = tpu.vector_load_idx %arg10[%parallel_loop3A_170] : memref<100000xi32, #tpu.memory_space<vmem>>[vector<16xi32>], vector<16xi32>,
        %parallel_loop3A_176 = tpu.vector_load_idx %arg10[%parallel_loop3A_172] : memref<100000xi32, #tpu.memory_space<vmem>>[vector<16xi32>], vector<16xi32>,
        %parallel_loop3A_177 = arith.constant 112 : i32
        %parallel_loop3A_178 = vector.broadcast %parallel_loop3A_177 : i32 to vector<16xi32>
        %parallel_loop3A_179 = arith.muli %parallel_loop3A_175, %parallel_loop3A_178 : vector<16xi32>
        %parallel_loop3A_180 = arith.addi %parallel_loop3A_179, %parallel_loop3A_176 : vector<16xi32>
        %parallel_loop3A_181 = tpu.vector_load_idx %arg14[%parallel_loop3A_180] : memref<11648xf32, #tpu.memory_space<vmem>>[vector<16xi32>], vector<16xf32>,
        %parallel_loop3A_182 = tpu.vector_load_idx %arg15[%parallel_loop3A_180] : memref<11648xf32, #tpu.memory_space<vmem>>[vector<16xi32>], vector<16xf32>,
        %parallel_loop3A_183 = arith.mulf %parallel_loop3A_182, %parallel_loop3A_174 : vector<16xf32>
        %parallel_loop3A_184 = arith.constant 7.500000e+00 : f32
        %parallel_loop3A_185 = vector.broadcast %parallel_loop3A_184 : f32 to vector<16xf32>
        %parallel_loop3A_186 = arith.addf %parallel_loop3A_183, %parallel_loop3A_185 : vector<16xf32>
        %parallel_loop3A_187 = math.absf %parallel_loop3A_186 : vector<16xf32>
        %parallel_loop3A_188 = arith.constant 4.704700e-01 : f32
        %parallel_loop3A_189 = vector.broadcast %parallel_loop3A_188 : f32 to vector<16xf32>
        %parallel_loop3A_190 = arith.mulf %parallel_loop3A_189, %parallel_loop3A_187 : vector<16xf32>
        %parallel_loop3A_191 = arith.constant 1.000000e+00 : f32
        %parallel_loop3A_192 = vector.broadcast %parallel_loop3A_191 : f32 to vector<16xf32>
        %parallel_loop3A_193 = arith.addf %parallel_loop3A_192, %parallel_loop3A_190 : vector<16xf32>
        %parallel_loop3A_194 = arith.constant 1.000000e+00 : f32
        %parallel_loop3A_195 = vector.broadcast %parallel_loop3A_194 : f32 to vector<16xf32>
        %parallel_loop3A_196 = arith.divf %parallel_loop3A_195, %parallel_loop3A_193 : vector<16xf32>
        %parallel_loop3A_197 = arith.constant 0.747855603 : f32
        %parallel_loop3A_198 = vector.broadcast %parallel_loop3A_197 : f32 to vector<16xf32>
        %parallel_loop3A_199 = arith.mulf %parallel_loop3A_198, %parallel_loop3A_196 : vector<16xf32>
        %parallel_loop3A_200 = arith.constant -9.587980e-02 : f32
        %parallel_loop3A_201 = vector.broadcast %parallel_loop3A_200 : f32 to vector<16xf32>
        %parallel_loop3A_202 = arith.addf %parallel_loop3A_199, %parallel_loop3A_201 : vector<16xf32>
        %parallel_loop3A_203 = arith.mulf %parallel_loop3A_202, %parallel_loop3A_196 : vector<16xf32>
        %parallel_loop3A_204 = arith.constant 0.348024189 : f32
        %parallel_loop3A_205 = vector.broadcast %parallel_loop3A_204 : f32 to vector<16xf32>
        %parallel_loop3A_206 = arith.addf %parallel_loop3A_203, %parallel_loop3A_205 : vector<16xf32>
        %parallel_loop3A_207 = arith.mulf %parallel_loop3A_206, %parallel_loop3A_196 : vector<16xf32>
        %parallel_loop3A_208 = arith.mulf %parallel_loop3A_186, %parallel_loop3A_186 : vector<16xf32>
        %parallel_loop3A_209 = arith.constant 0.000000e+00 : f32
        %parallel_loop3A_210 = vector.broadcast %parallel_loop3A_209 : f32 to vector<16xf32>
        %parallel_loop3A_211 = arith.subf %parallel_loop3A_210, %parallel_loop3A_208 : vector<16xf32>
        %parallel_loop3A_212 = math.exp %parallel_loop3A_211 : vector<16xf32>
        %parallel_loop3A_213 = arith.mulf %parallel_loop3A_207, %parallel_loop3A_212 : vector<16xf32>
        %parallel_loop3A_214 = arith.constant 1.000000e+00 : f32
        %parallel_loop3A_215 = vector.broadcast %parallel_loop3A_214 : f32 to vector<16xf32>
        %parallel_loop3A_216 = arith.subf %parallel_loop3A_215, %parallel_loop3A_213 : vector<16xf32>
        %parallel_loop3A_217 = tpu.bitcast %parallel_loop3A_186 : vector<16xf32> -> vector<16xi32>
        %parallel_loop3A_218 = arith.constant -2147483648 : i32
        %parallel_loop3A_219 = vector.broadcast %parallel_loop3A_218 : i32 to vector<16xi32>
        %parallel_loop3A_220 = arith.andi %parallel_loop3A_217, %parallel_loop3A_219 : vector<16xi32>
        %parallel_loop3A_221 = tpu.bitcast %parallel_loop3A_216 : vector<16xf32> -> vector<16xi32>
        %parallel_loop3A_222 = arith.xori %parallel_loop3A_221, %parallel_loop3A_220 : vector<16xi32>
        %parallel_loop3A_223 = tpu.bitcast %parallel_loop3A_222 : vector<16xi32> -> vector<16xf32>
        %parallel_loop3A_224 = arith.constant 1.000000e+00 : f32
        %parallel_loop3A_225 = vector.broadcast %parallel_loop3A_224 : f32 to vector<16xf32>
        %parallel_loop3A_226 = arith.addf %parallel_loop3A_225, %parallel_loop3A_223 : vector<16xf32>
        %parallel_loop3A_227 = arith.mulf %parallel_loop3A_181, %parallel_loop3A_226 : vector<16xf32>
        %parallel_loop3A_228 = arith.index_cast %parallel_loop3A_168 : i32 to index
        %parallel_loop3A_229 = tpu.vector_load %arg23[%parallel_loop3A_228] {strides = array<i32>} : memref<800xf32, #tpu.memory_space<vmem>>, vector<16xf32>,
        tpu.vector_store %arg23[%parallel_loop3A_228], %parallel_loop3A_227 {strides = array<i32>} : memref<800xf32, #tpu.memory_space<vmem>>, vector<16xf32>,
      } {sc.loop_unroll_factor = 5 : i64, sc.parallel_access}
      %add3A_161 = arith.constant 1 : i32
      %add3A_162 = arith.addi %mul3A_96, %add3A_161 : i32
      %mul3A_163 = arith.constant 800 : i32
      %mul3A_164 = arith.muli %add3A_162, %mul3A_163 : i32
      %add3A_165 = arith.addi %mul3A_51, %mul3A_164 : i32
      %dma_start3A_166 = tpu.memref_slice %arg9[%add3A_165] : memref<3200000xf32, #tpu.memory_space<hbm>> -> memref<800xf32, #tpu.memory_space<hbm>>
      %dma_start3A_167 = tpu.memref_slice %arg9[%add3A_165] : memref<3200000xf32, #tpu.memory_space<hbm>> -> memref<800xf32, #tpu.memory_space<hbm>>
      tpu.enqueue_dma source(%arg23 : memref<800xf32, #tpu.memory_space<vmem>>) target(%dma_start3A_167 : memref<800xf32, #tpu.memory_space<hbm>>) target_semaphore(%arg32 : memref<!tpu.dma_semaphore, #tpu.memory_space<semaphore_mem>>)
    }
    %scan3A_63 = arith.constant 62 : i32
    %dma_wait3A = arith.constant 0 : i32
    %dma_wait3A_64 = tpu.memref_slice %arg3[%dma_wait3A] : memref<3200000xi32, #tpu.memory_space<hbm>> -> memref<800xi32, #tpu.memory_space<hbm>>
    %dma_wait3A_65 = arith.constant 0 : i32
    %dma_wait3A_66 = tpu.memref_slice %arg3[%dma_wait3A_65] : memref<3200000xi32, #tpu.memory_space<hbm>> -> memref<800xi32, #tpu.memory_space<hbm>>
    tpu.wait_dma2 semaphore(%arg25 : memref<!tpu.dma_semaphore, #tpu.memory_space<semaphore_mem>>) src(%dma_wait3A_66 : memref<800xi32, #tpu.memory_space<hbm>>) dst(%arg16 : memref<800xi32, #tpu.memory_space<vmem>>)
    %dma_wait3A_67 = arith.constant 0 : i32
    %dma_wait3A_68 = tpu.memref_slice %arg4[%dma_wait3A_67] : memref<3200000xi32, #tpu.memory_space<hbm>> -> memref<800xi32, #tpu.memory_space<hbm>>
    %dma_wait3A_69 = arith.constant 0 : i32
    %dma_wait3A_70 = tpu.memref_slice %arg4[%dma_wait3A_69] : memref<3200000xi32, #tpu.memory_space<hbm>> -> memref<800xi32, #tpu.memory_space<hbm>>
    tpu.wait_dma2 semaphore(%arg27 : memref<!tpu.dma_semaphore, #tpu.memory_space<semaphore_mem>>) src(%dma_wait3A_70 : memref<800xi32, #tpu.memory_space<hbm>>) dst(%arg18 : memref<800xi32, #tpu.memory_space<vmem>>)
    %dma_wait3A_71 = arith.constant 0 : i32
    %dma_wait3A_72 = tpu.memref_slice %arg5[%dma_wait3A_71] : memref<3200000xf32, #tpu.memory_space<hbm>> -> memref<800xf32, #tpu.memory_space<hbm>>
    %dma_wait3A_73 = arith.constant 0 : i32
    %dma_wait3A_74 = tpu.memref_slice %arg5[%dma_wait3A_73] : memref<3200000xf32, #tpu.memory_space<hbm>> -> memref<800xf32, #tpu.memory_space<hbm>>
    tpu.wait_dma2 semaphore(%arg29 : memref<!tpu.dma_semaphore, #tpu.memory_space<semaphore_mem>>) src(%dma_wait3A_74 : memref<800xf32, #tpu.memory_space<hbm>>) dst(%arg20 : memref<800xf32, #tpu.memory_space<vmem>>)
    %dma_wait3A_75 = arith.constant 0 : i32
    %dma_wait3A_76 = tpu.memref_slice %arg9[%dma_wait3A_75] : memref<3200000xf32, #tpu.memory_space<hbm>> -> memref<800xf32, #tpu.memory_space<hbm>>
    %dma_wait3A_77 = arith.constant 0 : i32
    %dma_wait3A_78 = tpu.memref_slice %arg9[%dma_wait3A_77] : memref<3200000xf32, #tpu.memory_space<hbm>> -> memref<800xf32, #tpu.memory_space<hbm>>
    tpu.wait_dma2 semaphore(%arg31 : memref<!tpu.dma_semaphore, #tpu.memory_space<semaphore_mem>>) src(%arg22 : memref<800xf32, #tpu.memory_space<vmem>>) dst(%dma_wait3A_78 : memref<800xf32, #tpu.memory_space<hbm>>)
    %parallel_loop3A_79 = arith.constant 0 : i32
    %parallel_loop3A_80 = arith.constant 800 : i32
    %parallel_loop3A_81 = arith.constant 16 : i32
    scf.for %parallel_loop3A_94 = %parallel_loop3A_79 to %parallel_loop3A_80 step %parallel_loop3A_81  : i32 {
      %parallel_loop3A_95 = arith.index_cast %parallel_loop3A_94 : i32 to index
      %parallel_loop3A_96 = tpu.vector_load %arg16[%parallel_loop3A_95] {strides = array<i32>} : memref<800xi32, #tpu.memory_space<vmem>>, vector<16xi32>,
      %parallel_loop3A_97 = arith.index_cast %parallel_loop3A_94 : i32 to index
      %parallel_loop3A_98 = tpu.vector_load %arg18[%parallel_loop3A_97] {strides = array<i32>} : memref<800xi32, #tpu.memory_space<vmem>>, vector<16xi32>,
      %parallel_loop3A_99 = arith.index_cast %parallel_loop3A_94 : i32 to index
      %parallel_loop3A_100 = tpu.vector_load %arg20[%parallel_loop3A_99] {strides = array<i32>} : memref<800xf32, #tpu.memory_space<vmem>>, vector<16xf32>,
      %parallel_loop3A_101 = tpu.vector_load_idx %arg10[%parallel_loop3A_96] : memref<100000xi32, #tpu.memory_space<vmem>>[vector<16xi32>], vector<16xi32>,
      %parallel_loop3A_102 = tpu.vector_load_idx %arg10[%parallel_loop3A_98] : memref<100000xi32, #tpu.memory_space<vmem>>[vector<16xi32>], vector<16xi32>,
      %parallel_loop3A_103 = arith.constant 112 : i32
      %parallel_loop3A_104 = vector.broadcast %parallel_loop3A_103 : i32 to vector<16xi32>
      %parallel_loop3A_105 = arith.muli %parallel_loop3A_101, %parallel_loop3A_104 : vector<16xi32>
      %parallel_loop3A_106 = arith.addi %parallel_loop3A_105, %parallel_loop3A_102 : vector<16xi32>
      %parallel_loop3A_107 = tpu.vector_load_idx %arg14[%parallel_loop3A_106] : memref<11648xf32, #tpu.memory_space<vmem>>[vector<16xi32>], vector<16xf32>,
      %parallel_loop3A_108 = tpu.vector_load_idx %arg15[%parallel_loop3A_106] : memref<11648xf32, #tpu.memory_space<vmem>>[vector<16xi32>], vector<16xf32>,
      %parallel_loop3A_109 = arith.mulf %parallel_loop3A_108, %parallel_loop3A_100 : vector<16xf32>
      %parallel_loop3A_110 = arith.constant 7.500000e+00 : f32
      %parallel_loop3A_111 = vector.broadcast %parallel_loop3A_110 : f32 to vector<16xf32>
      %parallel_loop3A_112 = arith.addf %parallel_loop3A_109, %parallel_loop3A_111 : vector<16xf32>
      %parallel_loop3A_113 = math.absf %parallel_loop3A_112 : vector<16xf32>
      %parallel_loop3A_114 = arith.constant 4.704700e-01 : f32
      %parallel_loop3A_115 = vector.broadcast %parallel_loop3A_114 : f32 to vector<16xf32>
      %parallel_loop3A_116 = arith.mulf %parallel_loop3A_115, %parallel_loop3A_113 : vector<16xf32>
      %parallel_loop3A_117 = arith.constant 1.000000e+00 : f32
      %parallel_loop3A_118 = vector.broadcast %parallel_loop3A_117 : f32 to vector<16xf32>
      %parallel_loop3A_119 = arith.addf %parallel_loop3A_118, %parallel_loop3A_116 : vector<16xf32>
      %parallel_loop3A_120 = arith.constant 1.000000e+00 : f32
      %parallel_loop3A_121 = vector.broadcast %parallel_loop3A_120 : f32 to vector<16xf32>
      %parallel_loop3A_122 = arith.divf %parallel_loop3A_121, %parallel_loop3A_119 : vector<16xf32>
      %parallel_loop3A_123 = arith.constant 0.747855603 : f32
      %parallel_loop3A_124 = vector.broadcast %parallel_loop3A_123 : f32 to vector<16xf32>
      %parallel_loop3A_125 = arith.mulf %parallel_loop3A_124, %parallel_loop3A_122 : vector<16xf32>
      %parallel_loop3A_126 = arith.constant -9.587980e-02 : f32
      %parallel_loop3A_127 = vector.broadcast %parallel_loop3A_126 : f32 to vector<16xf32>
      %parallel_loop3A_128 = arith.addf %parallel_loop3A_125, %parallel_loop3A_127 : vector<16xf32>
      %parallel_loop3A_129 = arith.mulf %parallel_loop3A_128, %parallel_loop3A_122 : vector<16xf32>
      %parallel_loop3A_130 = arith.constant 0.348024189 : f32
      %parallel_loop3A_131 = vector.broadcast %parallel_loop3A_130 : f32 to vector<16xf32>
      %parallel_loop3A_132 = arith.addf %parallel_loop3A_129, %parallel_loop3A_131 : vector<16xf32>
      %parallel_loop3A_133 = arith.mulf %parallel_loop3A_132, %parallel_loop3A_122 : vector<16xf32>
      %parallel_loop3A_134 = arith.mulf %parallel_loop3A_112, %parallel_loop3A_112 : vector<16xf32>
      %parallel_loop3A_135 = arith.constant 0.000000e+00 : f32
      %parallel_loop3A_136 = vector.broadcast %parallel_loop3A_135 : f32 to vector<16xf32>
      %parallel_loop3A_137 = arith.subf %parallel_loop3A_136, %parallel_loop3A_134 : vector<16xf32>
      %parallel_loop3A_138 = math.exp %parallel_loop3A_137 : vector<16xf32>
      %parallel_loop3A_139 = arith.mulf %parallel_loop3A_133, %parallel_loop3A_138 : vector<16xf32>
      %parallel_loop3A_140 = arith.constant 1.000000e+00 : f32
      %parallel_loop3A_141 = vector.broadcast %parallel_loop3A_140 : f32 to vector<16xf32>
      %parallel_loop3A_142 = arith.subf %parallel_loop3A_141, %parallel_loop3A_139 : vector<16xf32>
      %parallel_loop3A_143 = tpu.bitcast %parallel_loop3A_112 : vector<16xf32> -> vector<16xi32>
      %parallel_loop3A_144 = arith.constant -2147483648 : i32
      %parallel_loop3A_145 = vector.broadcast %parallel_loop3A_144 : i32 to vector<16xi32>
      %parallel_loop3A_146 = arith.andi %parallel_loop3A_143, %parallel_loop3A_145 : vector<16xi32>
      %parallel_loop3A_147 = tpu.bitcast %parallel_loop3A_142 : vector<16xf32> -> vector<16xi32>
      %parallel_loop3A_148 = arith.xori %parallel_loop3A_147, %parallel_loop3A_146 : vector<16xi32>
      %parallel_loop3A_149 = tpu.bitcast %parallel_loop3A_148 : vector<16xi32> -> vector<16xf32>
      %parallel_loop3A_150 = arith.constant 1.000000e+00 : f32
      %parallel_loop3A_151 = vector.broadcast %parallel_loop3A_150 : f32 to vector<16xf32>
      %parallel_loop3A_152 = arith.addf %parallel_loop3A_151, %parallel_loop3A_149 : vector<16xf32>
      %parallel_loop3A_153 = arith.mulf %parallel_loop3A_107, %parallel_loop3A_152 : vector<16xf32>
      %parallel_loop3A_154 = arith.index_cast %parallel_loop3A_94 : i32 to index
      %parallel_loop3A_155 = tpu.vector_load %arg22[%parallel_loop3A_154] {strides = array<i32>} : memref<800xf32, #tpu.memory_space<vmem>>, vector<16xf32>,
      tpu.vector_store %arg22[%parallel_loop3A_154], %parallel_loop3A_153 {strides = array<i32>} : memref<800xf32, #tpu.memory_space<vmem>>, vector<16xf32>,
    } {sc.loop_unroll_factor = 5 : i64, sc.parallel_access}
    %add3A_82 = arith.constant 99200 : i32
    %add3A_83 = arith.addi %mul3A_51, %add3A_82 : i32
    %dma_start3A_84 = tpu.memref_slice %arg9[%add3A_83] : memref<3200000xf32, #tpu.memory_space<hbm>> -> memref<800xf32, #tpu.memory_space<hbm>>
    %dma_start3A_85 = tpu.memref_slice %arg9[%add3A_83] : memref<3200000xf32, #tpu.memory_space<hbm>> -> memref<800xf32, #tpu.memory_space<hbm>>
    tpu.enqueue_dma source(%arg22 : memref<800xf32, #tpu.memory_space<vmem>>) target(%dma_start3A_85 : memref<800xf32, #tpu.memory_space<hbm>>) target_semaphore(%arg31 : memref<!tpu.dma_semaphore, #tpu.memory_space<semaphore_mem>>)
    %dma_wait3A_86 = arith.constant 0 : i32
    %dma_wait3A_87 = tpu.memref_slice %arg9[%dma_wait3A_86] : memref<3200000xf32, #tpu.memory_space<hbm>> -> memref<800xf32, #tpu.memory_space<hbm>>
    %dma_wait3A_88 = arith.constant 0 : i32
    %dma_wait3A_89 = tpu.memref_slice %arg9[%dma_wait3A_88] : memref<3200000xf32, #tpu.memory_space<hbm>> -> memref<800xf32, #tpu.memory_space<hbm>>
    tpu.wait_dma2 semaphore(%arg31 : memref<!tpu.dma_semaphore, #tpu.memory_space<semaphore_mem>>) src(%arg22 : memref<800xf32, #tpu.memory_space<vmem>>) dst(%dma_wait3A_89 : memref<800xf32, #tpu.memory_space<hbm>>)
    %dma_wait3A_90 = arith.constant 0 : i32
    %dma_wait3A_91 = tpu.memref_slice %arg9[%dma_wait3A_90] : memref<3200000xf32, #tpu.memory_space<hbm>> -> memref<800xf32, #tpu.memory_space<hbm>>
    %dma_wait3A_92 = arith.constant 0 : i32
    %dma_wait3A_93 = tpu.memref_slice %arg9[%dma_wait3A_92] : memref<3200000xf32, #tpu.memory_space<hbm>> -> memref<800xf32, #tpu.memory_space<hbm>>
    tpu.wait_dma2 semaphore(%arg32 : memref<!tpu.dma_semaphore, #tpu.memory_space<semaphore_mem>>) src(%arg23 : memref<800xf32, #tpu.memory_space<vmem>>) dst(%dma_wait3A_93 : memref<800xf32, #tpu.memory_space<hbm>>)
    return
  }
}

</mosaic_0001>

<sc_bundles>
// kernel: kernel.3.cloned.1.call-start
scs
__scs_entry_jumppad:
0x0: {  	(pc) =	sbr.rel $0x88, $3  }
0x1: {  	(tag) =	ssettag $0x0;
	lr =	simm.s32 $0x1  }
0x2: {  	[smem:$0x3F9B] =	sst lr;
	_ =	strace $0xD0000000  }
0x3: {  	_ = 	snop  }
0x4: {  	_ = 	snop  }
0x5: {  	_ = 	snop  }
0x6: {  	_ = 	snop  }
0x7: {  	_ = 	snop  }
__scs_overlays_trampoline_lowered:
0x8: {  	[smem:$0x3FAA] =	sst s0  }
0x9: {  	[smem:$0x3FAB] =	sst s1  }
0xa: {  	[smem:$0x3FAC] =	sst s2  }
0xb: {  	[smem:$0x3FAD] =	sst s3  }
0xc: {  	[smem:$0x3FAE] =	sst s4  }
0xd: {  	[smem:$0x3FAF] =	sst s5  }
0xe: {  	[smem:$0x3FB0] =	sst s6  }
0xf: {  	[smem:$0x3FB1] =	sst s7  }
0x10: {  	[smem:$0x3FB2] =	sst s8  }
0x11: {  	[smem:$0x3FB3] =	sst s9;
	s0 =	simm.s32 @!p0 $0x0  }
0x12: {  	s1 =	sld [smem:$0x3F99];
	s0 =	simm.s32 @p0 $0x1  }
0x13: {  	[smem:$0x3FB4] =	sst s0;
	s0 =	simm.s32 @!p1 $0x0  }
0x14: {  	s2 =	sld [smem:$0x3F98];
	s0 =	simm.s32 @p1 $0x1  }
0x15: {  	[smem:$0x3FB5] =	sst s0;
	s0 =	simm.s32 @!p2 $0x0  }
0x16: {  	s3 =	sld [smem:$0x3FDB];
	s0 =	simm.s32 @p2 $0x1  }
0x17: {  	s4 =	simm.s32 $0x1BF5;
	[smem:$0x3FB7] =	sst s0  }
0x18: {  	s0 =	sld [smem:$0x3F9A];
	_ =	swait.ge [sflag:s4], $0x0  }
0x19: {  	s7 =	sld [smem:$0x3F9B]  }
0x1a: {  	s8 =	sadd.s32 $0xFFFFE003, lr  }
0x1b: {  	s9 =	sadd.s32 $0xFFFFFEF7, lr;
	s5 =	simm.s32 $0xFFFFFFFF;
	p2 =	slt.u32 s8, $0xFFFFF086  }
0x1c: {  	p1 =	slt.u32 s9, $0xF7A;
	s5 =	simm.s32 @!p2 $0x0  }
0x1d: {  	s5 =	simm.s32 @p1 $0x1;
	p0 =	seq.s32 s7, s2  }
0x1e: {  	s7 =	smul.u32 @!p0 $0xF7A, s2;
	p2 =	seq.s32 @!p0 s5, $0x0  }
0x1f: {  	s9 =	smul.u32 $0xF7A, s1;
	s8 =	simm.s32 @!p0 $0x1BF5;
	p2 =	por !p2, p0  }
0x20: {  	[sflag:s8] =	ssyncset.s32 @!p0 $0xFFFFF086;
	s6 =	sadd.s32 @!p0 s3, s7;
	s7 =	simm.s32 @!p0 $0x108  }
0x21: {  	s3 =	sadd.s32 s3, s9;
	s6 =	sadd.s32 @!p0 $0x88, s6;
	s7 =	simm.s32 @p2 $0x1082  }
0x22: {  	[simem:s7], [sflag:s8] =	dma.local @!p0 [hbm:s6], $0xF7A  }
0x23: {  	s9 =	sor.u32 $0xD0000000, s2;
	s6 =	simm.s32 $0x108;
	_ =	swait.ge @!p0 [sflag:s8], $0x0  }
0x24: {  	s3 =	sadd.s32 $0x88, s3;
	s6 =	simm.s32 @!p1 $0x1082;
	[sflag:s4] =	ssyncset.s32 $0xFFFFF086  }
0x25: {  	[simem:s6], [sflag:s4] =	dma.local [hbm:s3], $0xF7A  }
0x26: {  	[smem:$0x3F9B] =	sst s1;
	(tag) =	ssettag s2;
	_ =	strace s9  }
0x27: {  	s1 =	sld [smem:$0x3FAB]  }
0x28: {  	s2 =	sld [smem:$0x3FAC]  }
0x29: {  	s4 =	sld [smem:$0x3FAE]  }
0x2a: {  	p0 =	seq.s32 s5, $0x0;
	s5 =	sld [smem:$0x3FAF]  }
0x2b: {  	s6 =	sld [smem:$0x3FB0]  }
0x2c: {  	s7 =	sld [smem:$0x3FB1]  }
0x2d: {  	s3 =	simm.s32 $0x108;
	s8 =	sld [smem:$0x3FB2]  }
0x2e: {  	s3 =	simm.s32 @!p0 $0x1082;
	s9 =	sld [smem:$0x3FB3]  }
0x2f: {  	lr =	sadd.s32 s0, s3;
	s0 =	sld [smem:$0x3FAA]  }
0x30: {  	s3 =	sld [smem:$0x3FAD]  }
0x31: {  	[smem:$0x3FB6] =	sst s10  }
0x32: {  	s10 =	sld [smem:$0x3FB4];
	_ =	sdelay $0x3  }
0x33: {  	p0 =	seq.s32 s10, $0x1;
	s10 =	sld [smem:$0x3FB6];
	_ =	sdelay $0x3  }
0x34: {  	[smem:$0x3FB6] =	sst s10  }
0x35: {  	s10 =	sld [smem:$0x3FB5];
	_ =	sdelay $0x3  }
0x36: {  	p1 =	seq.s32 s10, $0x1;
	s10 =	sld [smem:$0x3FB6];
	_ =	sdelay $0x3  }
0x37: {  	[smem:$0x3FB6] =	sst s10  }
0x38: {  	s10 =	sld [smem:$0x3FB7]  }
0x39: {  	_ = 	snop;
	(pc) =	sbr.ind lr, $3  }
0x3a: {  	_ = 	snop  }
0x3b: {  	_ = 	snop  }
0x3c: {  	p2 =	seq.s32 s10, $0x1;
	s10 =	sld [smem:$0x3FB6]  }
0x3d: {  	_ =	shalt  }
0x3e: {  	_ =	shalt  }
0x3f: {  	_ =	shalt  }
0x40: {  	_ =	shalt  }
0x41: {  	_ =	shalt  }
0x42: {  	_ =	shalt  }
0x43: {  	_ =	shalt  }
0x44: {  	_ =	shalt  }
0x45: {  	_ =	shalt  }
0x46: {  	_ =	shalt  }
0x47: {  	_ =	shalt  }
0x48: {  	_ =	shalt  }
0x49: {  	_ =	shalt  }
0x4a: {  	_ =	shalt  }
0x4b: {  	_ =	shalt  }
0x4c: {  	_ =	shalt  }
0x4d: {  	_ =	shalt  }
0x4e: {  	_ =	shalt  }
0x4f: {  	_ =	shalt  }
0x50: {  	_ =	shalt  }
0x51: {  	_ =	shalt  }
0x52: {  	_ =	shalt  }
0x53: {  	_ =	shalt  }
0x54: {  	_ =	shalt  }
0x55: {  	_ =	shalt  }
0x56: {  	_ =	shalt  }
0x57: {  	_ =	shalt  }
0x58: {  	_ =	shalt  }
0x59: {  	_ =	shalt  }
0x5a: {  	_ =	shalt  }
0x5b: {  	_ =	shalt  }
0x5c: {  	_ =	shalt  }
0x5d: {  	_ =	shalt  }
0x5e: {  	_ =	shalt  }
0x5f: {  	_ =	shalt  }
0x60: {  	_ =	shalt  }
0x61: {  	_ =	shalt  }
0x62: {  	_ =	shalt  }
0x63: {  	_ =	shalt  }
0x64: {  	_ =	shalt  }
0x65: {  	_ =	shalt  }
0x66: {  	_ =	shalt  }
0x67: {  	_ =	shalt  }
0x68: {  	_ =	shalt  }
0x69: {  	_ =	shalt  }
0x6a: {  	_ =	shalt  }
0x6b: {  	_ =	shalt  }
0x6c: {  	_ =	shalt  }
0x6d: {  	_ =	shalt  }
0x6e: {  	_ =	shalt  }
0x6f: {  	_ =	shalt  }
0x70: {  	_ =	shalt  }
0x71: {  	_ =	shalt  }
0x72: {  	_ =	shalt  }
0x73: {  	_ =	shalt  }
0x74: {  	_ =	shalt  }
0x75: {  	_ =	shalt  }
0x76: {  	_ =	shalt  }
0x77: {  	_ =	shalt  }
0x78: {  	_ =	shalt  }
0x79: {  	_ =	shalt  }
0x7a: {  	_ =	shalt  }
0x7b: {  	_ =	shalt  }
0x7c: {  	_ =	shalt  }
0x7d: {  	_ =	shalt  }
0x7e: {  	_ =	shalt  }
0x7f: {  	_ =	shalt  }
0x80: {  	_ =	shalt  }
0x81: {  	_ =	shalt  }
0x82: {  	_ =	shalt  }
0x83: {  	_ =	shalt  }
0x84: {  	_ =	shalt  }
0x85: {  	_ =	shalt  }
0x86: {  	_ =	shalt  }
0x87: {  	_ =	shalt  }
.Lfunc_end0:
.L_simem_size_0:
called_computation_lowered:
.L_overlay_start_0:
0x88: {  	s2 =	sld [smem:$0x3FD9]  }
0x89: {  	s3 =	sld [smem:$0x3FFE];
	_ =	sdelay $0x1  }
0x8a: {  	s1 =	srdreg.scid  }
0x8b: {  	s0 =	sand.u32 $0x1, s1  }
0x8c: {  	s17 =	sshll.u32 s0, $0xA;
	s2 =	sadd.s32 s3, s2  }
0x8d: {  	s2 =	sadd.s32 s2, s17  }
0x8e: {  	[smem:$0x3FC2] =	sst s2  }
0x8f: {  	_ = 	snop  }
0x90: {  	s2 =	sld [smem:$0x3FC9]  }
0x91: {  	s18 =	sld [smem:$0x3FC8]  }
0x92: {  	s4 =	sld [smem:$0x3FD0];
	(tm) =	ssettm $0x1  }
0x93: {  	s5 =	sld [smem:$0x3FFB];
	_ =	sdelay $0x3  }
0x94: {  	_ =	strace s5  }
0x95: {  	s5 =	sld [smem:$0x3FFC];
	_ =	sdelay $0x3  }
0x96: {  	_ =	strace s5  }
0x97: {  	s5 =	sld [smem:$0x3FFD];
	_ =	sdelay $0x3  }
0x98: {  	_ =	strace s5  }
0x99: {  	_ =	strace $0x8FFFFFFF  }
0x9a: {  	s19 =	sld [smem:$0x3FDB];
	_ =	sdelay $0x1  }
0x9b: {  	s6 =	simm.s32 $_scs_section_size  }
0x9c: {  	s7 =	simm.s32 $_size__tile_overlayer_lowered;
	s8 =	simm.s32 $_tile_overlayer_lowered  }
0x9d: {  	s22 =	simm.s32 $0x1BFF;
	s21 =	sshll.u32 s8, $0x1;
	s5 =	sadd.s32 s6, s19  }
0x9e: {  	s9 =	simm.s32 $0x0;
	s20 =	sshll.u32 s7, $0x1;
	s7 =	sadd.s32 s21, s5  }
0x9f: {  	[timem:s9], [sflag:s22] =	dma.local [hbm:s7], s20  }
0xa0: {  	_ =	swait.ge [sflag:s22], s20  }
0xa1: {  	s6 =	ssub.s32 $0x0, s20;
	[sflag:s22] =	ssyncset.done $0x0  }
0xa2: {  	[sflag:s22] =	ssyncadd.s32 s6;
	_ =	sdelay $0x1  }
0xa3: {  	s23 =	simm.s32 $0x1B8B  }
0xa4: {  	_ =	swait.ge [sflag:s23], $0x1  }
0xa5: {  	[sflag:s23] =	ssyncset.done $0x0  }
0xa6: {  	s25 =	simm.s32 $0x1B8E;
	s24 =	sld [smem:$0x3FFE];
	[sflag:s23] =	ssyncadd.s32 $0xFFFFFFFF  }
0xa7: {  	s26 =	simm.s32 $execute0_lowered;
	[smem:$0x3FD2] =	sst s25  }
0xa8: {  	s7 =	sshll.u32 s26, $0x1;
	_ =	strace $0x80000046;
	[dreg:$0x1] =	wrdreg $0xFFFFFFFF  }
0xa9: {  	s28 =	simm.s32 $_size_execute0_lowered;
	s5 =	sadd.s32 s5, s7;
	[dreg:$0x0] =	wrdreg $0x0  }
0xaa: {  	s7 =	sshll.u32 s28, $0x1;
	[dreg:$0x2] =	wrdreg s5  }
0xab: {  	[dreg:$0x3] =	wrdreg s7  }
0xac: {  	[dreg:$0x4] =	wrdreg $0xC0  }
0xad: {  	_ =	task [dreg:s9], $0x5FFFF  }
0xae: {  	[dreg:$0x1] =	wrdreg $0xFFFFFFFF  }
0xaf: {  	[dreg:$0x0] =	wrdreg $0x60  }
0xb0: {  	[dreg:$0x2] =	wrdreg s2  }
0xb1: {  	[dreg:$0x3] =	wrdreg s24  }
0xb2: {  	[dreg:$0x4] =	wrdreg s18  }
0xb3: {  	[dreg:$0x5] =	wrdreg s4  }
0xb4: {  	[dreg:$0x6] =	wrdreg $0x9  }
0xb5: {  	_ =	task.clear_ibuf [dreg:s9], $0x7FFFF;
	_ =	strace $0x90000046  }
0xb6: {  	s29 =	simm.s32 $0x9;
	_ =	strace $0x80000048  }
0xb7: {  	_ =	swait.ge [sflag:s29], $0x1  }
0xb8: {  	[sflag:s29] =	ssyncadd.s32 $0xFFFFFFFF  }
0xb9: {  	_ =	strace $0x90000048  }
0xba: {  	_ =	sfence  }
0xbb: {  	s30 =	sld [smem:$0x0];
	_ =	sdelay $0x2  }
0xbc: {  	s31 =	sshll.u32 s1, $0xD;
	s1 =	sshrl.u32 s1, $0x2  }
0xbd: {  	s3 =	sand.u32 $0x4000, s31;
	s1 =	sadd.s32 s1, s30  }
0xbe: {  	s0 =	sor.u32 s3, s0;
	s1 =	sshll.u32 s1, $0x11  }
0xbf: {  	s0 =	sor.u32 s1, s0  }
0xc0: {  	s0 =	sadd.s32 $0x8F2B, s0  }
0xc1: {  	[sflag:s0] =	ssyncadd.remote.s32 $0x1  }
0xc2: {  	_ =	sfence.sel $0xFFFF  }
0xc3: {  	[dreg:$0x0] =	wrdreg $0xFFFFFFFF;
	(pc) =	sbr.abs _section_cstart, $3  }
0xc4: {  	[dreg:$0x1] =	wrdreg $0xFFFFFFFF  }
0xc5: {  	_ =	task.clear_ibuf [dreg:s9], $0x2FFFF;
	_ =	strace $0x9FFFFFFF  }
0xc6: {  	(tm) =	ssettm $0x7FFFFFFF  }
0xc7: {  	_ =	shalt  }
tec
execute0_lowered:
.L_overlay_start_1:
0x0: {  	(tag) =	ssettag $0x1  }
0x1: {  	s0 =	rddreg [dreg:$0x1]  }
0x2: {  	s2 =	rddreg [dreg:$0x2]  }
0x3: {  	s4 =	rddreg [dreg:$0x3];
	s5 =	simm.s32 $0x0  }
0x4: {  	s1 =	srdreg.scid;
	s3 =	stileid.u32;
	s19 =	simm.s32 $0x18700  }
0x5: {  	s21 =	simm.s32 $0x18780;
	s31 =	simm.s32 $0x2;
	s9 =	simm.s32 $0x1F880  }
0x6: {  	s10 =	simm.s32 $0x3;
	s11 =	simm.s32 $0x5;
	s12 =	simm.s32 $0x7  }
0x7: {  	[smem:$0x7FF] =	sst s5;
	s1 =	sand.u32 $0x1, s1;
	s3 =	sshll.u32 s3, $0x1  }
0x8: {  	s6 =	sadd.s32 $0x62800, s0;
	s7 =	sadd.s32 $0xC00, s0;
	s22 =	sadd.s32 $0x800, s0  }
0x9: {  	s23 =	sadd.s32 $0xA00, s0;
	s0 =	sadd.s32 $0xC4400, s0;
	_ =	strace $0x80000047  }
0xa: {  	s3 =	sor.u32 s1, s3;
	[dreg:$0x5] =	wrdreg s22;
	s1 =	ssub.s32 $0x2, s1  }
0xb: {  	[dreg:$0x6] =	wrdreg s23;
	s8 =	smul.u32 $0x186A0, s3;
	s24 =	sshrl.u32 s1, $0x1  }
0xc: {  	s17 =	simm.s32 $0x0;
	[dreg:$0x7] =	wrdreg s0;
	s0 =	ssub.s32 s1, s24  }
0xd: {  	s22 =	simm.s32 $0x1B600;
	s25 =	sshrl.u32 s8, $0x3;
	s0 =	smax.u32 s0, $0x1  }
0xe: {  	v0 =	vlaneseq.u32;
	s3 =	simm.s32 $0x6;
	s26 =	sadd.s32 s6, s25;
	[dreg:$0xc] =	wrdreg s0  }
0xf: {  	v4 =	vor.u32 $0x40, v0;
	s15 =	sadd.s32 $0x320, s8;
	s28 =	sadd.s32 s7, s25;
	[dreg:$0x8] =	wrdreg s26  }
0x10: {  	s29 =	sadd.s32 s2, s25;
	s30 =	sadd.s32 s4, s25;
	[dreg:$0x9] =	wrdreg s28  }
0x11: {  	v1 =	vor.u32 $0x10, v0;
	v6 =	vor.u32 $0x60, v0;
	s16 =	sadd.s32 $0x640, s8;
	[dreg:$0xa] =	wrdreg s29;
	s1 =	sadd.s32 $0x3070, s30  }
0x12: {  	v2 =	vor.u32 $0x20, v0;
	v3 =	vor.u32 $0x30, v0;
	v5 =	vor.u32 $0x50, v0;
	s0 =	simm.s32 $0x4;
	[dreg:$0xb] =	wrdreg s1;
	s1 =	simm.s32 $0x18880  }
.LBB2_1:
0x13: {  	[dreg:$0xd] =	wrdreg s17  }
0x14: {  	s13 =	rddreg [dreg:$0x0]  }
0x15: {  	[tilespmem:s5], [sflag:$0x1] =	stream.linear.gather [hbm4b:s13+s5], $0x18700, $0x38;
	[tilespmem:$0x1FF80] =	vst v63  }
0x16: {  	s17 =	rddreg [dreg:$0x5];
	s14 =	simm.s32 $0xA  }
0x17: {  	[tilespmem:s19], [sflag:$0xA] =	stream.linear.gather [hbm4b:s17+s5], $0x80, $0x38;
	[tilespmem:$0x1FF80] =	vst v63  }
0x18: {  	_ =	swait.ge [sflag:s14], $0x80  }
0x19: {  	[sflag:s14] =	ssyncset.done $0x0  }
0x1a: {  	s18 =	rddreg [dreg:$0x6];
	[sflag:s14] =	ssyncadd.s32 $0xFFFFFF80  }
0x1b: {  	[tilespmem:s21], [sflag:$0xA] =	stream.linear.gather [hbm4b:s18+s5], $0x80, $0x38;
	[tilespmem:$0x1FF80] =	vst v63  }
0x1c: {  	_ =	swait.ge [sflag:s14], $0x80  }
0x1d: {  	[sflag:s14] =	ssyncset.done $0x0  }
0x1e: {  	s23 =	simm.s32 $0x18800;
	s20 =	rddreg [dreg:$0x7];
	[sflag:s14] =	ssyncadd.s32 $0xFFFFFF80  }
0x1f: {  	[tilespmem:s23], [sflag:$0xA] =	stream.linear.gather [hbm4b:s20+s5], $0x80, $0x38;
	[tilespmem:$0x1FF80] =	vst v63  }
0x20: {  	_ =	swait.ge [sflag:s14], $0x80  }
0x21: {  	[sflag:s14] =	ssyncset.done $0x0  }
0x22: {  	[sflag:s14] =	ssyncadd.s32 $0xFFFFFF80  }
0x23: {  	v7 =	vld [tilespmem:$0x18780]  }
0x24: {  	v8 =	vld [tilespmem:$0x18800]  }
0x25: {  	v9 =	vld [tilespmem:$0x18790]  }
0x26: {  	v10 =	vld [tilespmem:$0x18810]  }
0x27: {  	v11 =	vld [tilespmem:$0x187A0]  }
0x28: {  	v12 =	vld [tilespmem:$0x18820]  }
0x29: {  	v13 =	vld [tilespmem:$0x187B0]  }
0x2a: {  	v14 =	vld [tilespmem:$0x18830]  }
0x2b: {  	v15 =	vld [tilespmem:$0x187C0]  }
0x2c: {  	v16 =	vld [tilespmem:$0x18840]  }
0x2d: {  	v17 =	vld [tilespmem:$0x187D0]  }
0x2e: {  	v18 =	vld [tilespmem:$0x18850]  }
0x2f: {  	v7 =	vadd.f32 v8, v7;
	v8 =	vld [tilespmem:$0x187E0]  }
0x30: {  	v9 =	vadd.f32 v10, v9;
	v10 =	vld [tilespmem:$0x18860]  }
0x31: {  	[tilespmem:$0x18780] =	vst v7;
	v7 =	vadd.f32 v12, v11;
	v11 =	vmov s5  }
0x32: {  	[tilespmem:$0x18790] =	vst v9;
	v9 =	vadd.f32 v14, v13;
	v11 =	vand.u32 $0xFFFFFFFE, v11  }
0x33: {  	[tilespmem:$0x187A0] =	vst v7;
	v7 =	vadd.f32 v16, v15;
	v11 =	vbroadcast v11, $0x0  }
0x34: {  	[tilespmem:$0x187B0] =	vst v9;
	v9 =	vadd.f32 v18, v17  }
0x35: {  	[tilespmem:$0x187C0] =	vst v7;
	v7 =	vadd.f32 v10, v8  }
0x36: {  	[tilespmem:$0x187D0] =	vst v9  }
0x37: {  	[tilespmem:$0x187E0] =	vst v7  }
0x38: {  	v7 =	vld.idx.msk [tilespmem:v0+s19+$0x0], $0xffff  }
0x39: {  	v14 =	vld.idx.msk [tilespmem:v11+s19+$0x0], $0xffff;
	_ =	sdelay $0x4  }
0x3a: {  	v8 =	vld.idx.msk [tilespmem:v0+s21+$0x0], $0xffff;
	v9 =	vsub.f32 v14, v7  }
0x3b: {  	v13 =	vld.idx.msk [tilespmem:v11+s21+$0x0], $0xffff  }
0x3c: {  	v9 =	vand.u32 $0x7FFFFFFF, v9  }
0x3d: {  	v9 =	vadd.f32 $1.909000020e+01, v9;
	_ =	sdelay $0x1  }
0x3e: {  	v9 =	vmul.f32 v9, v9  }
0x3f: {  	v10 =	vadd.f32 v8, v13  }
0x40: {  	v9 =	vmul.f32 $-3.928347030e-03, v9  }
0x41: {  	v10 =	vadd.f32 $9.999999970e-07, v10  }
0x42: {  	s24 =	simm.s32 $0x1;
	v9 =	vmul.f32 $1.442695020e+00, v9  }
0x43: {  	v11 =	vmov s24;
	(erf) = vrcp.f32 v10  }
0x44: {  	(erf) = vpow2.f32 v9;
	_ =	sdelay $0x3  }
0x45: {  	v22 =	vld.idx.msk [tilespmem:v11+s19+$0x0], $0xffff;
	_ =	sdelay $0x3  }
0x46: {  	v9 =	vpop (erf)  }
0x47: {  	v7 =	vsub.f32 v22, v7;
	v10 =	vpop (erf)  }
0x48: {  	v10 =	vmul.f32 $2.049999950e+00, v10  }
0x49: {  	s26 =	simm.s32 $0x188F0;
	v7 =	vand.u32 $0x7FFFFFFF, v7;
	v9 =	vmul.f32 $-7.500000000e+00, v9  }
0x4a: {  	s17 =	simm.s32 $0x1B670;
	v21 =	vld.idx.msk [tilespmem:v11+s21+$0x0], $0xffff;
	v7 =	vadd.f32 $1.909000020e+01, v7;
	[tilespmem:s26+$0xFFFFFF90] =	vst v10  }
0x4b: {  	[tilespmem:s17+$0xFFFFFF90] =	vst v9  }
0x4c: {  	v7 =	vmul.f32 v7, v7;
	v9 =	vld.idx.msk [tilespmem:v1+s19+$0x0], $0xffff;
	_ =	sdelay $0x1  }
0x4d: {  	v7 =	vmul.f32 $-3.928347030e-03, v7  }
0x4e: {  	v8 =	vadd.f32 v21, v8  }
0x4f: {  	v7 =	vmul.f32 $1.442695020e+00, v7  }
0x50: {  	v8 =	vadd.f32 $9.999999970e-07, v8;
	v9 =	vsub.f32 v14, v9  }
0x51: {  	(erf) = vpow2.f32 v7;
	v7 =	vld.idx.msk [tilespmem:v1+s21+$0x0], $0xffff  }
0x52: {  	(erf) = vrcp.f32 v8;
	v8 =	vand.u32 $0x7FFFFFFF, v9  }
0x53: {  	v8 =	vadd.f32 $1.909000020e+01, v8;
	_ =	sdelay $0x1  }
0x54: {  	v8 =	vmul.f32 v8, v8  }
0x55: {  	v7 =	vadd.f32 v7, v13  }
0x56: {  	v8 =	vmul.f32 $-3.928347030e-03, v8  }
0x57: {  	v7 =	vadd.f32 $9.999999970e-07, v7  }
0x58: {  	v8 =	vmul.f32 $1.442695020e+00, v8  }
0x59: {  	v9 =	vpop (erf);
	(erf) = vrcp.f32 v7  }
0x5a: {  	v7 =	vmul.f32 $2.049999950e+00, v9;
	v9 =	vpop (erf);
	(erf) = vpow2.f32 v8  }
0x5b: {  	v8 =	vmul.f32 $-7.500000000e+00, v9  }
0x5c: {  	s25 =	simm.s32 $0x2;
	[tilespmem:s26+$0x0] =	vst v7  }
0x5d: {  	v7 =	vmov s25;
	[tilespmem:s17+$0x0] =	vst v8  }
0x5e: {  	v7 =	vand.u32 $0xFFFFFFFE, v7;
	v8 =	vld.idx.msk [tilespmem:v1+s19+$0x0], $0xffff  }
0x5f: {  	v7 =	vbroadcast v7, $0x0;
	_ =	sdelay $0x2  }
0x60: {  	v9 =	vpop (erf)  }
0x61: {  	v12 =	vld.idx.msk [tilespmem:v0+s19+$0x0], $0xffff;
	v8 =	vsub.f32 v22, v8;
	v11 =	vpop (erf)  }
0x62: {  	v10 =	vld.idx.msk [tilespmem:v1+s21+$0x0], $0xffff;
	v11 =	vmul.f32 $2.049999950e+00, v11  }
0x63: {  	v9 =	vmul.f32 $-7.500000000e+00, v9;
	v24 =	vld.idx.msk [tilespmem:v7+s19+$0x0], $0xffff;
	v8 =	vand.u32 $0x7FFFFFFF, v8  }
0x64: {  	v8 =	vadd.f32 $1.909000020e+01, v8;
	[tilespmem:s26+$0xFFFFFFA0] =	vst v11  }
0x65: {  	s14 =	simm.s32 $0x3;
	[tilespmem:s17+$0xFFFFFFA0] =	vst v9  }
0x66: {  	v11 =	vmov s14;
	v8 =	vmul.f32 v8, v8;
	v9 =	vld.idx.msk [tilespmem:v2+s19+$0x0], $0xffff  }
0x67: {  	v10 =	vadd.f32 v10, v21  }
0x68: {  	v15 =	vld.idx.msk [tilespmem:v0+s21+$0x0], $0xffff;
	v16 =	vsub.f32 v24, v12;
	v8 =	vmul.f32 $-3.928347030e-03, v8  }
0x69: {  	v23 =	vld.idx.msk [tilespmem:v7+s21+$0x0], $0xffff;
	v10 =	vadd.f32 $9.999999970e-07, v10  }
0x6a: {  	v7 =	vmul.f32 $1.442695020e+00, v8;
	v8 =	vand.u32 $0x7FFFFFFF, v16  }
0x6b: {  	(erf) = vrcp.f32 v10;
	v10 =	vld.idx.msk [tilespmem:v11+s19+$0x0], $0xffff;
	v8 =	vadd.f32 $1.909000020e+01, v8;
	v9 =	vsub.f32 v14, v9  }
0x6c: {  	(erf) = vpow2.f32 v7  }
0x6d: {  	v7 =	vmul.f32 v8, v8;
	v8 =	vand.u32 $0x7FFFFFFF, v9  }
0x6e: {  	v16 =	vadd.f32 v15, v23;
	v9 =	vld.idx.msk [tilespmem:v2+s21+$0x0], $0xffff;
	v8 =	vadd.f32 $1.909000020e+01, v8  }
0x6f: {  	v7 =	vmul.f32 $-3.928347030e-03, v7  }
0x70: {  	v16 =	vadd.f32 $9.999999970e-07, v16;
	v12 =	vsub.f32 v10, v12;
	v8 =	vmul.f32 v8, v8  }
0x71: {  	v7 =	vmul.f32 $1.442695020e+00, v7  }
0x72: {  	(erf) = vrcp.f32 v16;
	v16 =	vand.u32 $0x7FFFFFFF, v12;
	v8 =	vmul.f32 $-3.928347030e-03, v8  }
0x73: {  	(erf) = vpow2.f32 v7;
	v7 =	vadd.f32 v9, v13  }
0x74: {  	v9 =	vpop (erf);
	v8 =	vmul.f32 $1.442695020e+00, v8  }
0x75: {  	v12 =	vld.idx.msk [tilespmem:v11+s21+$0x0], $0xffff;
	v11 =	vadd.f32 $1.909000020e+01, v16;
	v9 =	vmul.f32 $-7.500000000e+00, v9;
	v16 =	vpop (erf);
	v7 =	vadd.f32 $9.999999970e-07, v7  }
0x76: {  	v16 =	vmul.f32 $2.049999950e+00, v16;
	(erf) = vpow2.f32 v8  }
0x77: {  	v8 =	vmul.f32 v11, v11;
	(erf) = vrcp.f32 v7  }
0x78: {  	[tilespmem:s26+$0x10] =	vst v16  }
0x79: {  	v7 =	vmul.f32 $-3.928347030e-03, v8;
	[tilespmem:s17+$0x10] =	vst v9  }
0x7a: {  	v8 =	vadd.f32 v12, v15;
	v9 =	vld.idx.msk [tilespmem:v2+s19+$0x0], $0xffff  }
0x7b: {  	v11 =	vpop (erf);
	v7 =	vmul.f32 $1.442695020e+00, v7  }
0x7c: {  	v8 =	vadd.f32 $9.999999970e-07, v8;
	v15 =	vpop (erf)  }
0x7d: {  	(erf) = vpow2.f32 v7;
	v7 =	vmul.f32 $2.049999950e+00, v15  }
0x7e: {  	s14 =	simm.s32 $0x189D0;
	(erf) = vrcp.f32 v8;
	v8 =	vmul.f32 $-7.500000000e+00, v11  }
0x7f: {  	s20 =	simm.s32 $0x1B750;
	v9 =	vsub.f32 v22, v9;
	[tilespmem:s14+$0xFFFFFF90] =	vst v7;
	v11 =	vpop (erf)  }
0x80: {  	v7 =	vld.idx.msk [tilespmem:v2+s21+$0x0], $0xffff;
	[tilespmem:s20+$0xFFFFFF90] =	vst v8;
	v11 =	vmul.f32 $2.049999950e+00, v11;
	v15 =	vpop (erf)  }
0x81: {  	v8 =	vand.u32 $0x7FFFFFFF, v9;
	v9 =	vmul.f32 $-7.500000000e+00, v15;
	v15 =	vld.idx.msk [tilespmem:v1+s19+$0x0], $0xffff  }
0x82: {  	[tilespmem:s26+$0xFFFFFFB0] =	vst v11  }
0x83: {  	[tilespmem:s17+$0xFFFFFFB0] =	vst v9  }
0x84: {  	v8 =	vadd.f32 $1.909000020e+01, v8;
	v9 =	vld.idx.msk [tilespmem:v3+s19+$0x0], $0xffff  }
0x85: {  	v7 =	vadd.f32 v7, v21  }
0x86: {  	v8 =	vmul.f32 v8, v8;
	v15 =	vsub.f32 v24, v15  }
0x87: {  	v16 =	vld.idx.msk [tilespmem:v1+s21+$0x0], $0xffff;
	v7 =	vadd.f32 $9.999999970e-07, v7  }
0x88: {  	v8 =	vmul.f32 $-3.928347030e-03, v8;
	v15 =	vand.u32 $0x7FFFFFFF, v15  }
0x89: {  	v11 =	vpop (erf);
	(erf) = vrcp.f32 v7;
	v7 =	vadd.f32 $1.909000020e+01, v15;
	v9 =	vsub.f32 v14, v9  }
0x8a: {  	v11 =	vmul.f32 $2.049999950e+00, v11;
	v17 =	vpop (erf);
	v8 =	vmul.f32 $1.442695020e+00, v8  }
0x8b: {  	v17 =	vmul.f32 $-7.500000000e+00, v17;
	v7 =	vmul.f32 v7, v7;
	v9 =	vand.u32 $0x7FFFFFFF, v9  }
0x8c: {  	[tilespmem:s14+$0x0] =	vst v11;
	v11 =	vadd.f32 v16, v23;
	v15 =	vld.idx.msk [tilespmem:v3+s21+$0x0], $0xffff;
	v9 =	vadd.f32 $1.909000020e+01, v9  }
0x8d: {  	(erf) = vpow2.f32 v8;
	[tilespmem:s20+$0x0] =	vst v17;
	v7 =	vmul.f32 $-3.928347030e-03, v7  }
0x8e: {  	v8 =	vld.idx.msk [tilespmem:v1+s19+$0x0], $0xffff;
	v11 =	vadd.f32 $9.999999970e-07, v11;
	v9 =	vmul.f32 v9, v9  }
0x8f: {  	v7 =	vmul.f32 $1.442695020e+00, v7  }
0x90: {  	(erf) = vrcp.f32 v11;
	v11 =	vld.idx.msk [tilespmem:v1+s21+$0x0], $0xffff;
	v9 =	vmul.f32 $-3.928347030e-03, v9  }
0x91: {  	(erf) = vpow2.f32 v7;
	v7 =	vadd.f32 v15, v13  }
0x92: {  	v9 =	vmul.f32 $1.442695020e+00, v9  }
0x93: {  	v8 =	vsub.f32 v10, v8;
	v7 =	vadd.f32 $9.999999970e-07, v7  }
0x94: {  	(erf) = vpow2.f32 v9  }
0x95: {  	v15 =	vpop (erf);
	v8 =	vand.u32 $0x7FFFFFFF, v8;
	(erf) = vrcp.f32 v7;
	v7 =	vadd.f32 v11, v12  }
0x96: {  	s18 =	simm.s32 $0x4;
	v15 =	vmul.f32 $-7.500000000e+00, v15;
	v16 =	vpop (erf);
	v8 =	vadd.f32 $1.909000020e+01, v8  }
0x97: {  	v16 =	vmul.f32 $2.049999950e+00, v16;
	v9 =	vmov s18;
	v7 =	vadd.f32 $9.999999970e-07, v7  }
0x98: {  	v8 =	vmul.f32 v8, v8;
	v9 =	vand.u32 $0xFFFFFFFE, v9  }
0x99: {  	[tilespmem:s26+$0x20] =	vst v16;
	v9 =	vbroadcast v9, $0x0  }
0x9a: {  	[tilespmem:s17+$0x20] =	vst v15;
	v8 =	vmul.f32 $-3.928347030e-03, v8;
	v15 =	vpop (erf)  }
0x9b: {  	(erf) = vrcp.f32 v7;
	v7 =	vpop (erf)  }
0x9c: {  	v11 =	vld.idx.msk [tilespmem:v3+s19+$0x0], $0xffff;
	v8 =	vmul.f32 $1.442695020e+00, v8;
	v7 =	vmul.f32 $2.049999950e+00, v7;
	_ =	sdelay $0x1  }
0x9d: {  	(erf) = vpow2.f32 v8;
	v8 =	vld.idx.msk [tilespmem:v0+s19+$0x0], $0xffff  }
0x9e: {  	s23 =	simm.s32 $0x5;
	v15 =	vmul.f32 $-7.500000000e+00, v15;
	v18 =	vld.idx.msk [tilespmem:v9+s19+$0x0], $0xffff  }
0x9f: {  	v16 =	vmov s23;
	v17 =	vld.idx.msk [tilespmem:v3+s21+$0x0], $0xffff;
	[tilespmem:s14+$0xFFFFFFA0] =	vst v7;
	v7 =	vpop (erf)  }
0xa0: {  	v11 =	vsub.f32 v22, v11;
	[tilespmem:s20+$0xFFFFFFA0] =	vst v15;
	v15 =	vmul.f32 $2.049999950e+00, v7;
	v7 =	vpop (erf)  }
0xa1: {  	v20 =	vmul.f32 $-7.500000000e+00, v7  }
0xa2: {  	v11 =	vand.u32 $0x7FFFFFFF, v11;
	v19 =	vld.idx.msk [tilespmem:v2+s19+$0x0], $0xffff;
	[tilespmem:s26+$0xFFFFFFC0] =	vst v15  }
0xa3: {  	v25 =	vld.idx.msk [tilespmem:v0+s21+$0x0], $0xffff;
	v11 =	vadd.f32 $1.909000020e+01, v11;
	[tilespmem:s17+$0xFFFFFFC0] =	vst v20;
	v20 =	vsub.f32 v18, v8  }
0xa4: {  	v7 =	vld.idx.msk [tilespmem:v16+s19+$0x0], $0xffff;
	v15 =	vadd.f32 v17, v21  }
0xa5: {  	v11 =	vmul.f32 v11, v11;
	v26 =	vld.idx.msk [tilespmem:v4+s19+$0x0], $0xffff  }
0xa6: {  	v27 =	vpop (erf);
	v17 =	vld.idx.msk [tilespmem:v9+s21+$0x0], $0xffff;
	v15 =	vadd.f32 $9.999999970e-07, v15  }
0xa7: {  	v9 =	vmul.f32 $-3.928347030e-03, v11;
	v19 =	vsub.f32 v24, v19;
	v11 =	vand.u32 $0x7FFFFFFF, v20;
	v20 =	vpop (erf)  }
0xa8: {  	(erf) = vrcp.f32 v15;
	v11 =	vadd.f32 $1.909000020e+01, v11;
	v15 =	vmul.f32 $2.049999950e+00, v20  }
0xa9: {  	v9 =	vmul.f32 $1.442695020e+00, v9;
	v19 =	vand.u32 $0x7FFFFFFF, v19;
	v20 =	vmul.f32 $-7.500000000e+00, v27  }
0xaa: {  	v11 =	vmul.f32 v11, v11;
	[tilespmem:s14+$0x10] =	vst v15;
	v15 =	vadd.f32 $1.909000020e+01, v19;
	v19 =	vsub.f32 v14, v26  }
0xab: {  	v8 =	vsub.f32 v7, v8;
	(erf) = vpow2.f32 v9;
	v9 =	vld.idx.msk [tilespmem:v2+s21+$0x0], $0xffff;
	[tilespmem:s20+$0x10] =	vst v20;
	v20 =	vadd.f32 v25, v17  }
0xac: {  	v11 =	vmul.f32 $-3.928347030e-03, v11;
	v26 =	vld.idx.msk [tilespmem:v2+s19+$0x0], $0xffff;
	v15 =	vmul.f32 v15, v15;
	v19 =	vand.u32 $0x7FFFFFFF, v19  }
0xad: {  	v27 =	vld.idx.msk [tilespmem:v4+s21+$0x0], $0xffff;
	v20 =	vadd.f32 $9.999999970e-07, v20;
	v19 =	vadd.f32 $1.909000020e+01, v19  }
0xae: {  	v11 =	vmul.f32 $1.442695020e+00, v11;
	v15 =	vmul.f32 $-3.928347030e-03, v15  }
0xaf: {  	v8 =	vand.u32 $0x7FFFFFFF, v8;
	(erf) = vrcp.f32 v20;
	v19 =	vmul.f32 v19, v19  }
0xb0: {  	v28 =	vadd.f32 $1.909000020e+01, v8;
	v8 =	vld.idx.msk [tilespmem:v16+s21+$0x0], $0xffff;
	v9 =	vadd.f32 v9, v23;
	(erf) = vpow2.f32 v11  }
0xb1: {  	v11 =	vmul.f32 $1.442695020e+00, v15;
	v15 =	vsub.f32 v10, v26;
	v19 =	vmul.f32 $-3.928347030e-03, v19  }
0xb2: {  	v16 =	vmul.f32 v28, v28;
	v9 =	vadd.f32 $9.999999970e-07, v9;
	v20 =	vadd.f32 v27, v13  }
0xb3: {  	v26 =	vld.idx.msk [tilespmem:v2+s21+$0x0], $0xffff;
	(erf) = vpow2.f32 v11;
	v11 =	vand.u32 $0x7FFFFFFF, v15;
	v15 =	vmul.f32 $1.442695020e+00, v19  }
0xb4: {  	v16 =	vmul.f32 $-3.928347030e-03, v16;
	(erf) = vrcp.f32 v9;
	v9 =	vadd.f32 $9.999999970e-07, v20  }
0xb5: {  	v20 =	vadd.f32 v8, v25;
	v11 =	vadd.f32 $1.909000020e+01, v11  }
0xb6: {  	v16 =	vmul.f32 $1.442695020e+00, v16;
	v19 =	vpop (erf);
	(erf) = vpow2.f32 v15  }
0xb7: {  	(erf) = vrcp.f32 v9;
	v9 =	vmul.f32 v11, v11;
	v11 =	vadd.f32 $9.999999970e-07, v20;
	v15 =	vpop (erf)  }
0xb8: {  	v20 =	vadd.f32 v26, v12;
	(erf) = vpow2.f32 v16;
	v15 =	vmul.f32 $2.049999950e+00, v15  }
0xb9: {  	v25 =	vpop (erf);
	(erf) = vrcp.f32 v11;
	v11 =	vmul.f32 $-7.500000000e+00, v19  }
0xba: {  	v19 =	vadd.f32 $9.999999970e-07, v20;
	v16 =	vpop (erf)  }
0xbb: {  	[tilespmem:s26+$0x30] =	vst v15;
	v15 =	vmul.f32 $2.049999950e+00, v16  }
0xbc: {  	s18 =	simm.s32 $0x18AB0;
	v16 =	vmul.f32 $-7.500000000e+00, v25;
	[tilespmem:s17+$0x30] =	vst v11  }
0xbd: {  	s28 =	simm.s32 $0x1B830;
	v9 =	vmul.f32 $-3.928347030e-03, v9;
	v11 =	vpop (erf);
	[tilespmem:s18+$0xFFFFFF90] =	vst v15  }
0xbe: {  	(erf) = vrcp.f32 v19;
	v11 =	vmul.f32 $2.049999950e+00, v11;
	v19 =	vpop (erf);
	[tilespmem:s28+$0xFFFFFF90] =	vst v16  }
0xbf: {  	v9 =	vmul.f32 $1.442695020e+00, v9;
	v16 =	vmul.f32 $-7.500000000e+00, v19;
	v19 =	vpop (erf);
	v20 =	vld.idx.msk [tilespmem:v1+s19+$0x0], $0xffff  }
0xc0: {  	v15 =	vld.idx.msk [tilespmem:v4+s19+$0x0], $0xffff;
	[tilespmem:s14+$0xFFFFFFB0] =	vst v11;
	v11 =	vmul.f32 $2.049999950e+00, v19;
	v19 =	vpop (erf)  }
0xc1: {  	(erf) = vpow2.f32 v9;
	v9 =	vld.idx.msk [tilespmem:v4+s21+$0x0], $0xffff;
	[tilespmem:s20+$0xFFFFFFB0] =	vst v16;
	v16 =	vmul.f32 $-7.500000000e+00, v19  }
0xc2: {  	[tilespmem:s26+$0xFFFFFFD0] =	vst v11;
	v19 =	vld.idx.msk [tilespmem:v3+s19+$0x0], $0xffff  }
0xc3: {  	[tilespmem:s17+$0xFFFFFFD0] =	vst v16;
	v16 =	vld.idx.msk [tilespmem:v1+s21+$0x0], $0xffff  }
0xc4: {  	v26 =	vld.idx.msk [tilespmem:v5+s19+$0x0], $0xffff;
	v20 =	vsub.f32 v18, v20  }
0xc5: {  	v15 =	vsub.f32 v22, v15;
	v11 =	vpop (erf)  }
0xc6: {  	v9 =	vadd.f32 v9, v21;
	v11 =	vmul.f32 $2.049999950e+00, v11;
	v25 =	vpop (erf);
	v20 =	vand.u32 $0x7FFFFFFF, v20  }
0xc7: {  	v25 =	vmul.f32 $-7.500000000e+00, v25;
	v20 =	vadd.f32 $1.909000020e+01, v20;
	v19 =	vsub.f32 v24, v19  }
0xc8: {  	v9 =	vadd.f32 $9.999999970e-07, v9;
	[tilespmem:s18+$0x0] =	vst v11;
	v16 =	vadd.f32 v16, v17  }
0xc9: {  	[tilespmem:s28+$0x0] =	vst v25;
	v20 =	vmul.f32 v20, v20;
	v19 =	vand.u32 $0x7FFFFFFF, v19;
	v26 =	vsub.f32 v14, v26  }
0xca: {  	(erf) = vrcp.f32 v9;
	v11 =	vand.u32 $0x7FFFFFFF, v15;
	v27 =	vld.idx.msk [tilespmem:v1+s19+$0x0], $0xffff;
	v19 =	vadd.f32 $1.909000020e+01, v19  }
0xcb: {  	v15 =	vpop (erf);
	v16 =	vadd.f32 $9.999999970e-07, v16;
	v20 =	vmul.f32 $-3.928347030e-03, v20;
	v26 =	vand.u32 $0x7FFFFFFF, v26  }
0xcc: {  	v9 =	vld.idx.msk [tilespmem:v3+s21+$0x0], $0xffff;
	v15 =	vmul.f32 $-7.500000000e+00, v15;
	v19 =	vmul.f32 v19, v19;
	v26 =	vadd.f32 $1.909000020e+01, v26  }
0xcd: {  	(erf) = vrcp.f32 v16;
	v20 =	vmul.f32 $1.442695020e+00, v20  }
0xce: {  	v29 =	vld.idx.msk [tilespmem:v5+s21+$0x0], $0xffff;
	v11 =	vadd.f32 $1.909000020e+01, v11;
	v25 =	vpop (erf);
	v19 =	vmul.f32 $-3.928347030e-03, v19;
	v26 =	vmul.f32 v26, v26  }
0xcf: {  	v28 =	vld.idx.msk [tilespmem:v1+s21+$0x0], $0xffff;
	v25 =	vmul.f32 $2.049999950e+00, v25;
	v27 =	vsub.f32 v7, v27;
	(erf) = vpow2.f32 v20  }
0xd0: {  	v19 =	vmul.f32 $1.442695020e+00, v19;
	v26 =	vmul.f32 $-3.928347030e-03, v26  }
0xd1: {  	v11 =	vmul.f32 v11, v11;
	v9 =	vadd.f32 v9, v23;
	[tilespmem:s14+$0x20] =	vst v25;
	v16 =	vand.u32 $0x7FFFFFFF, v27  }
0xd2: {  	s24 =	simm.s32 $0x6;
	[tilespmem:s20+$0x20] =	vst v15;
	v16 =	vadd.f32 $1.909000020e+01, v16;
	(erf) = vpow2.f32 v19;
	v19 =	vmul.f32 $1.442695020e+00, v26  }
0xd3: {  	v9 =	vadd.f32 $9.999999970e-07, v9;
	v25 =	vadd.f32 v29, v13;
	v15 =	vmov s24;
	v26 =	vld.idx.msk [tilespmem:v3+s19+$0x0], $0xffff  }
0xd4: {  	v20 =	vadd.f32 v28, v8;
	v15 =	vand.u32 $0xFFFFFFFE, v15;
	v16 =	vmul.f32 v16, v16  }
0xd5: {  	(erf) = vrcp.f32 v9;
	v9 =	vadd.f32 $9.999999970e-07, v25;
	v25 =	vbroadcast v15, $0x0  }
0xd6: {  	v15 =	vadd.f32 $9.999999970e-07, v20;
	(erf) = vpow2.f32 v19;
	v16 =	vmul.f32 $-3.928347030e-03, v16;
	v19 =	vpop (erf)  }
0xd7: {  	v11 =	vmul.f32 $-3.928347030e-03, v11;
	(erf) = vrcp.f32 v9;
	v27 =	vpop (erf)  }
0xd8: {  	s25 =	simm.s32 $0x7;
	(erf) = vrcp.f32 v15;
	v15 =	vmul.f32 $1.442695020e+00, v16;
	v16 =	vsub.f32 v10, v26;
	v26 =	vpop (erf)  }
0xd9: {  	v11 =	vmul.f32 $1.442695020e+00, v11;
	v9 =	vmov s25;
	v26 =	vmul.f32 $2.049999950e+00, v26  }
0xda: {  	v20 =	vld.idx.msk [tilespmem:v3+s21+$0x0], $0xffff  }
0xdb: {  	v28 =	vld.idx.msk [tilespmem:v0+s19+$0x0], $0xffff;
	(erf) = vpow2.f32 v11  }
0xdc: {  	(erf) = vpow2.f32 v15;
	v11 =	vand.u32 $0x7FFFFFFF, v16;
	v15 =	vld.idx.msk [tilespmem:v25+s19+$0x0], $0xffff;
	v16 =	vmul.f32 $-7.500000000e+00, v27  }
0xdd: {  	[tilespmem:s18+$0xFFFFFFA0] =	vst v26;
	v26 =	vpop (erf)  }
0xde: {  	v27 =	vadd.f32 $1.909000020e+01, v11;
	v11 =	vld.idx.msk [tilespmem:v9+s19+$0x0], $0xffff;
	[tilespmem:s28+$0xFFFFFFA0] =	vst v16;
	v16 =	vmul.f32 $2.049999950e+00, v26;
	v26 =	vpop (erf)  }
0xdf: {  	v20 =	vadd.f32 v20, v12;
	v26 =	vmul.f32 $-7.500000000e+00, v26;
	v30 =	vpop (erf)  }
0xe0: {  	v27 =	vmul.f32 v27, v27;
	v29 =	vld.idx.msk [tilespmem:v2+s19+$0x0], $0xffff;
	[tilespmem:s14+$0xFFFFFFC0] =	vst v16;
	v16 =	vmul.f32 $2.049999950e+00, v30;
	v30 =	vpop (erf)  }
0xe1: {  	v31 =	vld.idx.msk [tilespmem:v0+s21+$0x0], $0xffff;
	v20 =	vadd.f32 $9.999999970e-07, v20;
	[tilespmem:s20+$0xFFFFFFC0] =	vst v26;
	v26 =	vmul.f32 $-7.500000000e+00, v30;
	v30 =	vsub.f32 v15, v28  }
0xe2: {  	v9 =	vld.idx.msk [tilespmem:v9+s21+$0x0], $0xffff;
	v27 =	vmul.f32 $-3.928347030e-03, v27  }
0xe3: {  	(erf) = vrcp.f32 v20;
	v20 =	vsub.f32 v11, v28;
	v28 =	vpop (erf);
	v32 =	vld.idx.msk [tilespmem:v4+s19+$0x0], $0xffff;
	[tilespmem:s26+$0xFFFFFFE0] =	vst v16  }
0xe4: {  	v19 =	vmul.f32 $-7.500000000e+00, v19;
	v27 =	vmul.f32 $1.442695020e+00, v27;
	v16 =	vld.idx.msk [tilespmem:v25+s21+$0x0], $0xffff;
	v25 =	vpop (erf);
	[tilespmem:s17+$0xFFFFFFE0] =	vst v26;
	v26 =	vand.u32 $0x7FFFFFFF, v30  }
0xe5: {  	v28 =	vmul.f32 $-7.500000000e+00, v28;
	v29 =	vsub.f32 v18, v29;
	v33 =	vld.idx.msk [tilespmem:v6+s19+$0x0], $0xffff;
	v26 =	vadd.f32 $1.909000020e+01, v26;
	v30 =	vpop (erf)  }
0xe6: {  	v20 =	vand.u32 $0x7FFFFFFF, v20;
	(erf) = vpow2.f32 v27;
	v27 =	vmul.f32 $2.049999950e+00, v30  }
0xe7: {  	v20 =	vadd.f32 $1.909000020e+01, v20;
	v29 =	vand.u32 $0x7FFFFFFF, v29;
	v26 =	vmul.f32 v26, v26  }
0xe8: {  	v25 =	vmul.f32 $2.049999950e+00, v25;
	[tilespmem:s18+$0x10] =	vst v27;
	v27 =	vadd.f32 $1.909000020e+01, v29;
	v29 =	vsub.f32 v24, v32  }
0xe9: {  	v43 =	vld.idx.msk [tilespmem:v2+s21+$0x0], $0xffff;
	v30 =	vadd.f32 v9, v31;
	v26 =	vmul.f32 $-3.928347030e-03, v26;
	[tilespmem:s28+$0x10] =	vst v28;
	v28 =	vadd.f32 v31, v16  }
0xea: {  	v14 =	vsub.f32 v14, v33;
	v31 =	vld.idx.msk [tilespmem:v2+s19+$0x0], $0xffff;
	v27 =	vmul.f32 v27, v27;
	v29 =	vand.u32 $0x7FFFFFFF, v29  }
0xeb: {  	v44 =	vld.idx.msk [tilespmem:v4+s21+$0x0], $0xffff;
	v20 =	vmul.f32 v20, v20;
	v28 =	vadd.f32 $9.999999970e-07, v28;
	v29 =	vadd.f32 $1.909000020e+01, v29  }
0xec: {  	v34 =	vld.idx.msk [tilespmem:v6+s21+$0x0], $0xffff;
	v26 =	vmul.f32 $1.442695020e+00, v26;
	v14 =	vand.u32 $0x7FFFFFFF, v14;
	v27 =	vmul.f32 $-3.928347030e-03, v27  }
0xed: {  	v14 =	vadd.f32 $1.909000020e+01, v14;
	(erf) = vrcp.f32 v28;
	v28 =	vmul.f32 v29, v29  }
0xee: {  	(erf) = vpow2.f32 v26;
	v26 =	vmul.f32 $1.442695020e+00, v27;
	v27 =	vadd.f32 v43, v17  }
0xef: {  	[tilespmem:s26+$0x40] =	vst v25;
	v14 =	vmul.f32 v14, v14;
	v25 =	vsub.f32 v7, v31;
	v28 =	vmul.f32 $-3.928347030e-03, v28  }
0xf0: {  	[tilespmem:s17+$0x40] =	vst v19;
	v19 =	vadd.f32 $9.999999970e-07, v27;
	(erf) = vpow2.f32 v26;
	v26 =	vadd.f32 v44, v23  }
0xf1: {  	v13 =	vadd.f32 v34, v13;
	v27 =	vld.idx.msk [tilespmem:v2+s21+$0x0], $0xffff;
	v14 =	vmul.f32 $-3.928347030e-03, v14;
	v28 =	vmul.f32 $1.442695020e+00, v28  }
0xf2: {  	v29 =	vld.idx.msk [tilespmem:v5+s19+$0x0], $0xffff;
	v25 =	vand.u32 $0x7FFFFFFF, v25;
	(erf) = vrcp.f32 v19;
	v19 =	vadd.f32 $9.999999970e-07, v26  }
0xf3: {  	v25 =	vadd.f32 $1.909000020e+01, v25;
	v14 =	vmul.f32 $1.442695020e+00, v14;
	(erf) = vpow2.f32 v28  }
0xf4: {  	v20 =	vmul.f32 $-3.928347030e-03, v20;
	v13 =	vadd.f32 $9.999999970e-07, v13;
	v26 =	vpop (erf);
	(erf) = vrcp.f32 v19  }
0xf5: {  	v25 =	vmul.f32 v25, v25;
	(erf) = vpow2.f32 v14  }
0xf6: {  	v20 =	vmul.f32 $1.442695020e+00, v20;
	v28 =	vpop (erf);
	v14 =	vadd.f32 v27, v8;
	(erf) = vrcp.f32 v13;
	v13 =	vld.idx.msk [tilespmem:v5+s21+$0x0], $0xffff  }
0xf7: {  	v19 =	vadd.f32 $9.999999970e-07, v30;
	v27 =	vmul.f32 $2.049999950e+00, v28;
	v28 =	vsub.f32 v22, v29  }
0xf8: {  	v29 =	vpop (erf);
	(erf) = vpow2.f32 v20;
	v20 =	vmul.f32 $-3.928347030e-03, v25;
	v14 =	vadd.f32 $9.999999970e-07, v14  }
0xf9: {  	v25 =	vpop (erf);
	(erf) = vrcp.f32 v19;
	v19 =	vmul.f32 $-7.500000000e+00, v26  }
0xfa: {  	v26 =	vand.u32 $0x7FFFFFFF, v28;
	[tilespmem:s14+$0x30] =	vst v27;
	v25 =	vmul.f32 $2.049999950e+00, v25  }
0xfb: {  	s29 =	simm.s32 $0x18B90;
	v28 =	vmul.f32 $-7.500000000e+00, v29;
	v20 =	vmul.f32 $1.442695020e+00, v20;
	v27 =	vpop (erf);
	[tilespmem:s20+$0x30] =	vst v19;
	v13 =	vadd.f32 v13, v21  }
0xfc: {  	s30 =	simm.s32 $0x1B910;
	v19 =	vadd.f32 $1.909000020e+01, v26;
	(erf) = vrcp.f32 v14;
	[tilespmem:s29+$0xFFFFFF90] =	vst v25;
	v14 =	vpop (erf);
	v25 =	vld.idx.msk [tilespmem:v4+s19+$0x0], $0xffff;
	v26 =	vmul.f32 $2.049999950e+00, v27  }
0xfd: {  	(erf) = vpow2.f32 v20;
	v20 =	vld.idx.msk [tilespmem:v4+s21+$0x0], $0xffff;
	[tilespmem:s30+$0xFFFFFF90] =	vst v28;
	v27 =	vpop (erf);
	v14 =	vmul.f32 $-7.500000000e+00, v14;
	v13 =	vadd.f32 $9.999999970e-07, v13  }
0xfe: {  	v19 =	vmul.f32 v19, v19;
	v28 =	vld.idx.msk [tilespmem:v1+s19+$0x0], $0xffff;
	v29 =	vpop (erf);
	[tilespmem:s18+$0xFFFFFFB0] =	vst v26;
	v26 =	vmul.f32 $2.049999950e+00, v27  }
0xff: {  	v27 =	vpop (erf);
	[tilespmem:s28+$0xFFFFFFB0] =	vst v14  }
0x100: {  	v14 =	vmul.f32 $-7.500000000e+00, v29;
	v19 =	vmul.f32 $-3.928347030e-03, v19;
	v29 =	vpop (erf);
	[tilespmem:s14+$0xFFFFFFD0] =	vst v26;
	v26 =	vld.idx.msk [tilespmem:v3+s19+$0x0], $0xffff  }
0x101: {  	(erf) = vrcp.f32 v13;
	v13 =	vpop (erf)  }
0x102: {  	[tilespmem:s20+$0xFFFFFFD0] =	vst v14;
	v14 =	vmul.f32 $1.442695020e+00, v19;
	v19 =	vld.idx.msk [tilespmem:v1+s21+$0x0], $0xffff;
	v20 =	vadd.f32 v20, v12;
	v13 =	vmul.f32 $2.049999950e+00, v13;
	v30 =	vpop (erf)  }
0x103: {  	v25 =	vsub.f32 v10, v25;
	v31 =	vld.idx.msk [tilespmem:v5+s19+$0x0], $0xffff;
	v28 =	vsub.f32 v15, v28;
	v30 =	vmul.f32 $-7.500000000e+00, v30  }
0x104: {  	v20 =	vadd.f32 $9.999999970e-07, v20;
	[tilespmem:s29+$0x0] =	vst v13  }
0x105: {  	v13 =	vand.u32 $0x7FFFFFFF, v25;
	v25 =	vand.u32 $0x7FFFFFFF, v28;
	v26 =	vsub.f32 v18, v26;
	[tilespmem:s30+$0x0] =	vst v30  }
0x106: {  	(erf) = vpow2.f32 v14;
	v25 =	vadd.f32 $1.909000020e+01, v25;
	v30 =	vld.idx.msk [tilespmem:v1+s19+$0x0], $0xffff  }
0x107: {  	v14 =	vpop (erf);
	(erf) = vrcp.f32 v20;
	v19 =	vadd.f32 v19, v16;
	v26 =	vand.u32 $0x7FFFFFFF, v26  }
0x108: {  	v20 =	vld.idx.msk [tilespmem:v3+s21+$0x0], $0xffff;
	v28 =	vpop (erf);
	v31 =	vsub.f32 v24, v31;
	v25 =	vmul.f32 v25, v25;
	v26 =	vadd.f32 $1.909000020e+01, v26  }
0x109: {  	v14 =	vmul.f32 $-7.500000000e+00, v14;
	v28 =	vmul.f32 $2.049999950e+00, v28;
	v19 =	vadd.f32 $9.999999970e-07, v19  }
0x10a: {  	v46 =	vld.idx.msk [tilespmem:v5+s21+$0x0], $0xffff;
	v31 =	vand.u32 $0x7FFFFFFF, v31;
	v25 =	vmul.f32 $-3.928347030e-03, v25;
	v26 =	vmul.f32 v26, v26  }
0x10b: {  	v31 =	vadd.f32 $1.909000020e+01, v31;
	(erf) = vrcp.f32 v19;
	v30 =	vsub.f32 v11, v30  }
0x10c: {  	v45 =	vld.idx.msk [tilespmem:v1+s21+$0x0], $0xffff;
	v25 =	vmul.f32 $1.442695020e+00, v25;
	v26 =	vmul.f32 $-3.928347030e-03, v26  }
0x10d: {  	v20 =	vadd.f32 v20, v17;
	v19 =	vand.u32 $0x7FFFFFFF, v30;
	v30 =	vmul.f32 v31, v31  }
0x10e: {  	v13 =	vadd.f32 $1.909000020e+01, v13;
	(erf) = vpow2.f32 v25;
	v25 =	vmul.f32 $1.442695020e+00, v26  }
0x10f: {  	[tilespmem:s18+$0x20] =	vst v28;
	v20 =	vadd.f32 $9.999999970e-07, v20;
	v26 =	vmul.f32 $-3.928347030e-03, v30;
	v30 =	vadd.f32 v46, v23  }
0x110: {  	v13 =	vmul.f32 v13, v13;
	[tilespmem:s28+$0x20] =	vst v14;
	(erf) = vpow2.f32 v25  }
0x111: {  	v14 =	vadd.f32 v45, v9;
	v28 =	vld.idx.msk [tilespmem:v3+s19+$0x0], $0xffff;
	(erf) = vrcp.f32 v20;
	v20 =	vadd.f32 $9.999999970e-07, v30  }
0x112: {  	s24 =	simm.s32 $0x8;
	v19 =	vadd.f32 $1.909000020e+01, v19;
	v25 =	vmul.f32 $1.442695020e+00, v26  }
0x113: {  	v13 =	vmul.f32 $-3.928347030e-03, v13;
	v31 =	vmov s24;
	v14 =	vadd.f32 $9.999999970e-07, v14;
	v30 =	vpop (erf)  }
0x114: {  	s23 =	simm.s32 $0x9;
	v48 =	vld.idx.msk [tilespmem:v3+s21+$0x0], $0xffff;
	v19 =	vmul.f32 v19, v19;
	v26 =	vand.u32 $0xFFFFFFFE, v31;
	(erf) = vpow2.f32 v25;
	v49 =	vpop (erf)  }
0x115: {  	v47 =	vmov s23;
	v31 =	vbroadcast v26, $0x0;
	(erf) = vrcp.f32 v20;
	v20 =	vpop (erf)  }
0x116: {  	v26 =	vsub.f32 v7, v28;
	(erf) = vrcp.f32 v14;
	v14 =	vmul.f32 $1.442695020e+00, v13;
	v28 =	vpop (erf)  }
0x117: {  	v19 =	vmul.f32 $-3.928347030e-03, v19;
	v25 =	vmul.f32 $2.049999950e+00, v27;
	v27 =	vpop (erf)  }
0x118: {  	v26 =	vand.u32 $0x7FFFFFFF, v26;
	(erf) = vpow2.f32 v14;
	v27 =	vmul.f32 $2.049999950e+00, v27  }
0x119: {  	v14 =	vadd.f32 $1.909000020e+01, v26;
	v26 =	vmul.f32 $-7.500000000e+00, v29;
	v29 =	vadd.f32 v48, v8  }
0x11a: {  	v35 =	vld.idx.msk [tilespmem:v0+s19+$0x0], $0xffff;
	v19 =	vmul.f32 $1.442695020e+00, v19  }
0x11b: {  	v13 =	vld.idx.msk [tilespmem:v47+s19+$0x0], $0xffff;
	v50 =	vmul.f32 $-7.500000000e+00, v20;
	v29 =	vadd.f32 $9.999999970e-07, v29  }
0x11c: {  	v28 =	vmul.f32 $-7.500000000e+00, v28;
	(erf) = vpow2.f32 v19;
	v19 =	vld.idx.msk [tilespmem:v31+s19+$0x0], $0xffff;
	[tilespmem:s29+$0xFFFFFFA0] =	vst v27;
	v27 =	vpop (erf)  }
0x11d: {  	v14 =	vmul.f32 v14, v14;
	v20 =	vmul.f32 $2.049999950e+00, v27;
	v27 =	vpop (erf)  }
0x11e: {  	v52 =	vld.idx.msk [tilespmem:v0+s21+$0x0], $0xffff;
	[tilespmem:s30+$0xFFFFFFA0] =	vst v28;
	v27 =	vmul.f32 $-7.500000000e+00, v27;
	v37 =	vpop (erf)  }
0x11f: {  	v28 =	vmul.f32 $-3.928347030e-03, v14;
	v36 =	vld.idx.msk [tilespmem:v2+s19+$0x0], $0xffff;
	(erf) = vrcp.f32 v29;
	[tilespmem:s18+$0xFFFFFFC0] =	vst v20;
	v29 =	vpop (erf)  }
0x120: {  	v51 =	vsub.f32 v13, v35;
	v14 =	vld.idx.msk [tilespmem:v47+s21+$0x0], $0xffff;
	v20 =	vmul.f32 $2.049999950e+00, v37;
	[tilespmem:s28+$0xFFFFFFC0] =	vst v27;
	v27 =	vmul.f32 $-7.500000000e+00, v29  }
0x121: {  	v28 =	vmul.f32 $1.442695020e+00, v28;
	v29 =	vsub.f32 v19, v35;
	v54 =	vld.idx.msk [tilespmem:v4+s19+$0x0], $0xffff  }
0x122: {  	v34 =	vand.u32 $0x7FFFFFFF, v51;
	[tilespmem:s14+$0xFFFFFFE0] =	vst v20;
	v20 =	vld.idx.msk [tilespmem:v31+s21+$0x0], $0xffff  }
0x123: {  	v38 =	vpop (erf);
	(erf) = vpow2.f32 v28;
	v28 =	vand.u32 $0x7FFFFFFF, v29;
	v29 =	vadd.f32 $1.909000020e+01, v34  }
0x124: {  	v30 =	vmul.f32 $-7.500000000e+00, v30;
	v33 =	vmul.f32 $2.049999950e+00, v49;
	v36 =	vsub.f32 v15, v36;
	[tilespmem:s20+$0xFFFFFFE0] =	vst v27;
	v27 =	vpop (erf)  }
0x125: {  	v39 =	vadd.f32 v14, v52;
	v55 =	vld.idx.msk [tilespmem:v6+s19+$0x0], $0xffff;
	v28 =	vadd.f32 $1.909000020e+01, v28;
	v29 =	vmul.f32 v29, v29;
	v31 =	vpop (erf)  }
0x126: {  	v36 =	vand.u32 $0x7FFFFFFF, v36;
	v27 =	vmul.f32 $2.049999950e+00, v27;
	v31 =	vmul.f32 $2.049999950e+00, v31  }
0x127: {  	v28 =	vmul.f32 v28, v28;
	v56 =	vsub.f32 v18, v54;
	v58 =	vadd.f32 v52, v20  }
0x128: {  	v57 =	vld.idx.msk [tilespmem:v2+s21+$0x0], $0xffff;
	v53 =	vmul.f32 $-7.500000000e+00, v38;
	v29 =	vmul.f32 $-3.928347030e-03, v29;
	[tilespmem:s29+$0x10] =	vst v31;
	v31 =	vadd.f32 $1.909000020e+01, v36  }
0x129: {  	v62 =	vld.idx.msk [tilespmem:v6+s21+$0x0], $0xffff;
	v28 =	vmul.f32 $-3.928347030e-03, v28;
	v36 =	vand.u32 $0x7FFFFFFF, v56;
	v35 =	vadd.f32 $9.999999970e-07, v58  }
0x12a: {  	v61 =	vld.idx.msk [tilespmem:v4+s21+$0x0], $0xffff;
	v24 =	vsub.f32 v24, v55;
	[tilespmem:s30+$0x10] =	vst v53;
	v36 =	vadd.f32 $1.909000020e+01, v36;
	v31 =	vmul.f32 v31, v31  }
0x12b: {  	v59 =	vadd.f32 $9.999999970e-07, v39;
	v28 =	vmul.f32 $1.442695020e+00, v28;
	v60 =	vld.idx.msk [tilespmem:v2+s19+$0x0], $0xffff;
	(erf) = vrcp.f32 v35  }
0x12c: {  	v24 =	vand.u32 $0x7FFFFFFF, v24;
	v36 =	vmul.f32 v36, v36;
	v31 =	vmul.f32 $-3.928347030e-03, v31  }
0x12d: {  	v24 =	vadd.f32 $1.909000020e+01, v24;
	(erf) = vpow2.f32 v28;
	v28 =	vadd.f32 v57, v16  }
0x12e: {  	[tilespmem:s14+$0x40] =	vst v27;
	v29 =	vmul.f32 $1.442695020e+00, v29;
	v23 =	vadd.f32 v62, v23;
	v27 =	vmul.f32 $1.442695020e+00, v31  }
0x12f: {  	[tilespmem:s20+$0x40] =	vst v50;
	v36 =	vmul.f32 $-3.928347030e-03, v36;
	v24 =	vmul.f32 v24, v24;
	v28 =	vadd.f32 $9.999999970e-07, v28;
	v31 =	vld.idx.msk [tilespmem:v2+s21+$0x0], $0xffff  }
0x130: {  	v40 =	vld.idx.msk [tilespmem:v5+s19+$0x0], $0xffff;
	v63 =	vsub.f32 v11, v60;
	(erf) = vpow2.f32 v27;
	v27 =	vadd.f32 v61, v17  }
0x131: {  	v23 =	vadd.f32 $9.999999970e-07, v23;
	v41 =	vmul.f32 $1.442695020e+00, v36;
	v24 =	vmul.f32 $-3.928347030e-03, v24  }
0x132: {  	[tilespmem:s26+$0x50] =	vst v33;
	v32 =	vand.u32 $0x7FFFFFFF, v63;
	(erf) = vrcp.f32 v28;
	v27 =	vadd.f32 $9.999999970e-07, v27  }
0x133: {  	[tilespmem:s17+$0x50] =	vst v30;
	v30 =	vpop (erf);
	v24 =	vmul.f32 $1.442695020e+00, v24;
	v28 =	vadd.f32 $1.909000020e+01, v32;
	(erf) = vpow2.f32 v41  }
0x134: {  	v30 =	vmul.f32 $-7.500000000e+00, v30;
	v42 =	vld.idx.msk [tilespmem:v5+s21+$0x0], $0xffff;
	v31 =	vadd.f32 v31, v9;
	(erf) = vrcp.f32 v27  }
0x135: {  	v43 =	vpop (erf);
	v44 =	vsub.f32 v10, v40;
	v27 =	vld.idx.msk [tilespmem:v6+s19+$0x0], $0xffff;
	v28 =	vmul.f32 v28, v28;
	(erf) = vpow2.f32 v24  }
0x136: {  	v46 =	vld.idx.msk [tilespmem:v6+s21+$0x0], $0xffff;
	v24 =	vadd.f32 $9.999999970e-07, v31;
	v31 =	vmul.f32 $2.049999950e+00, v43;
	(erf) = vrcp.f32 v23  }
0x137: {  	v23 =	vpop (erf);
	v28 =	vmul.f32 $-3.928347030e-03, v28;
	(erf) = vpow2.f32 v29  }
0x138: {  	v29 =	vand.u32 $0x7FFFFFFF, v44;
	v45 =	vpop (erf);
	[tilespmem:s18+$0x30] =	vst v31;
	v23 =	vmul.f32 $-7.500000000e+00, v23;
	(erf) = vrcp.f32 v59  }
0x139: {  	v32 =	vadd.f32 v42, v12;
	v33 =	vmul.f32 $2.049999950e+00, v45;
	v28 =	vmul.f32 $1.442695020e+00, v28;
	[tilespmem:s28+$0x30] =	vst v30  }
0x13a: {  	s13 =	simm.s32 $0x18C70;
	v29 =	vadd.f32 $1.909000020e+01, v29;
	v31 =	vpop (erf);
	(erf) = vrcp.f32 v24;
	v22 =	vsub.f32 v22, v27;
	v30 =	vld.idx.msk [tilespmem:v4+s19+$0x0], $0xffff  }
0x13b: {  	s23 =	simm.s32 $0x1B9F0;
	v21 =	vadd.f32 v46, v21;
	v27 =	vpop (erf);
	(erf) = vpow2.f32 v28;
	[tilespmem:s13+$0xFFFFFF90] =	vst v33  }
0x13c: {  	v28 =	vadd.f32 $9.999999970e-07, v32;
	v29 =	vmul.f32 v29, v29;
	v22 =	vand.u32 $0x7FFFFFFF, v22;
	[tilespmem:s23+$0xFFFFFF90] =	vst v23;
	v23 =	vld.idx.msk [tilespmem:v4+s21+$0x0], $0xffff  }
0x13d: {  	v24 =	vmul.f32 $2.049999950e+00, v31;
	v27 =	vmul.f32 $-7.500000000e+00, v27;
	v31 =	vpop (erf);
	v22 =	vadd.f32 $1.909000020e+01, v22  }
0x13e: {  	v21 =	vadd.f32 $9.999999970e-07, v21;
	v29 =	vmul.f32 $-3.928347030e-03, v29;
	v47 =	vpop (erf);
	(erf) = vrcp.f32 v28;
	v28 =	vld.idx.msk [tilespmem:v1+s19+$0x0], $0xffff  }
0x13f: {  	s24 =	simm.s32 $0xB;
	v31 =	vmul.f32 $2.049999950e+00, v31;
	[tilespmem:s29+$0xFFFFFFB0] =	vst v24;
	v48 =	vpop (erf);
	v22 =	vmul.f32 v22, v22;
	v30 =	vsub.f32 v7, v30  }
0x140: {  	v56 =	vmov s24;
	[tilespmem:s30+$0xFFFFFFB0] =	vst v27;
	v32 =	vmul.f32 $-7.500000000e+00, v47;
	v29 =	vmul.f32 $1.442695020e+00, v29;
	v49 =	vpop (erf)  }
0x141: {  	[tilespmem:s18+$0xFFFFFFD0] =	vst v31;
	v31 =	vld.idx.msk [tilespmem:v3+s19+$0x0], $0xffff;
	v27 =	vpop (erf);
	v22 =	vmul.f32 $-3.928347030e-03, v22;
	v23 =	vadd.f32 v23, v8;
	v30 =	vand.u32 $0x7FFFFFFF, v30  }
0x142: {  	v51 =	vld.idx.msk [tilespmem:v1+s21+$0x0], $0xffff;
	[tilespmem:s28+$0xFFFFFFD0] =	vst v32;
	(erf) = vpow2.f32 v29;
	v27 =	vmul.f32 $2.049999950e+00, v27;
	v50 =	vpop (erf);
	v30 =	vadd.f32 $1.909000020e+01, v30  }
0x143: {  	v29 =	vld.idx.msk [tilespmem:v5+s19+$0x0], $0xffff;
	v34 =	vmul.f32 $-7.500000000e+00, v50;
	v28 =	vsub.f32 v19, v28;
	v52 =	vpop (erf);
	v22 =	vmul.f32 $1.442695020e+00, v22  }
0x144: {  	v24 =	vmul.f32 $2.049999950e+00, v48;
	v23 =	vadd.f32 $9.999999970e-07, v23;
	[tilespmem:s13+$0x0] =	vst v27;
	v35 =	vmul.f32 $-7.500000000e+00, v52  }
0x145: {  	v30 =	vmul.f32 v30, v30;
	[tilespmem:s23+$0x0] =	vst v34;
	v28 =	vand.u32 $0x7FFFFFFF, v28;
	(erf) = vpow2.f32 v22  }
0x146: {  	v31 =	vsub.f32 v15, v31;
	v27 =	vpop (erf);
	v22 =	vld.idx.msk [tilespmem:v1+s19+$0x0], $0xffff;
	v28 =	vadd.f32 $1.909000020e+01, v28;
	(erf) = vrcp.f32 v23  }
0x147: {  	v32 =	vadd.f32 v51, v20;
	v30 =	vmul.f32 $-3.928347030e-03, v30;
	v55 =	vld.idx.msk [tilespmem:v1+s21+$0x0], $0xffff;
	v53 =	vmul.f32 $2.049999950e+00, v27  }
0x148: {  	v29 =	vsub.f32 v18, v29;
	v23 =	vmul.f32 v28, v28;
	v28 =	vand.u32 $0x7FFFFFFF, v31  }
0x149: {  	(erf) = vrcp.f32 v21;
	v31 =	vld.idx.msk [tilespmem:v3+s21+$0x0], $0xffff;
	v30 =	vmul.f32 $1.442695020e+00, v30;
	v28 =	vadd.f32 $1.909000020e+01, v28  }
0x14a: {  	v54 =	vld.idx.msk [tilespmem:v5+s21+$0x0], $0xffff;
	v29 =	vand.u32 $0x7FFFFFFF, v29;
	v21 =	vmul.f32 $-3.928347030e-03, v23;
	v23 =	vadd.f32 $9.999999970e-07, v32  }
0x14b: {  	v29 =	vadd.f32 $1.909000020e+01, v29;
	v22 =	vsub.f32 v13, v22;
	v28 =	vmul.f32 v28, v28  }
0x14c: {  	[tilespmem:s29+$0x20] =	vst v53;
	v57 =	vadd.f32 v55, v14;
	v21 =	vmul.f32 $1.442695020e+00, v21;
	(erf) = vrcp.f32 v23  }
0x14d: {  	[tilespmem:s30+$0x20] =	vst v35;
	v22 =	vand.u32 $0x7FFFFFFF, v22;
	v23 =	vmul.f32 $-3.928347030e-03, v28;
	v28 =	vmul.f32 v29, v29  }
0x14e: {  	v29 =	vld.idx.msk [tilespmem:v3+s19+$0x0], $0xffff;
	v22 =	vadd.f32 $1.909000020e+01, v22;
	(erf) = vpow2.f32 v21;
	v21 =	vadd.f32 v31, v16  }
0x14f: {  	v32 =	vadd.f32 v54, v17;
	v31 =	vld.idx.msk [tilespmem:v3+s21+$0x0], $0xffff;
	v23 =	vmul.f32 $1.442695020e+00, v23;
	v28 =	vmul.f32 $-3.928347030e-03, v28  }
0x150: {  	s25 =	simm.s32 $0xA;
	v35 =	vadd.f32 $9.999999970e-07, v57;
	v22 =	vmul.f32 v22, v22;
	v21 =	vadd.f32 $9.999999970e-07, v21  }
0x151: {  	v27 =	vpop (erf);
	(erf) = vpow2.f32 v23;
	v23 =	vmul.f32 $1.442695020e+00, v28;
	v28 =	vmov s25  }
0x152: {  	v58 =	vpop (erf);
	(erf) = vrcp.f32 v21;
	v21 =	vadd.f32 $9.999999970e-07, v32;
	v28 =	vand.u32 $0xFFFFFFFE, v28  }
0x153: {  	v59 =	vpop (erf);
	v61 =	vsub.f32 v11, v29;
	v22 =	vmul.f32 $-3.928347030e-03, v22;
	(erf) = vpow2.f32 v23  }
0x154: {  	v60 =	vpop (erf);
	v29 =	vbroadcast v28, $0x0;
	(erf) = vrcp.f32 v21;
	v21 =	vadd.f32 v31, v9  }
0x155: {  	[tilespmem:s26+$0xFFFFFFF0] =	vst v25;
	v28 =	vand.u32 $0x7FFFFFFF, v61;
	v22 =	vmul.f32 $1.442695020e+00, v22;
	v23 =	vpop (erf);
	(erf) = vrcp.f32 v35  }
0x156: {  	[tilespmem:s17+$0xFFFFFFF0] =	vst v26;
	v33 =	vmul.f32 $-7.500000000e+00, v49;
	v26 =	vadd.f32 $1.909000020e+01, v28;
	v25 =	vpop (erf);
	(erf) = vpow2.f32 v30  }
0x157: {  	v21 =	vadd.f32 $9.999999970e-07, v21;
	v31 =	vpop (erf);
	(erf) = vpow2.f32 v22;
	v25 =	vmul.f32 $-7.500000000e+00, v25  }
0x158: {  	[tilespmem:s14+$0xFFFFFFF0] =	vst v24;
	v30 =	vld.idx.msk [tilespmem:v0+s19+$0x0], $0xffff;
	v26 =	vmul.f32 v26, v26;
	v24 =	vmul.f32 $2.049999950e+00, v31  }
0x159: {  	[tilespmem:s20+$0xFFFFFFF0] =	vst v33;
	v27 =	vmul.f32 $-7.500000000e+00, v27;
	v22 =	vld.idx.msk [tilespmem:v56+s19+$0x0], $0xffff;
	(erf) = vrcp.f32 v21  }
0x15a: {  	v21 =	vmul.f32 $2.049999950e+00, v58;
	v26 =	vmul.f32 $-3.928347030e-03, v26;
	[tilespmem:s13+$0xFFFFFFA0] =	vst v24;
	v31 =	vpop (erf);
	v24 =	vld.idx.msk [tilespmem:v29+s19+$0x0], $0xffff  }
0x15b: {  	v28 =	vmul.f32 $-7.500000000e+00, v60;
	[tilespmem:s23+$0xFFFFFFA0] =	vst v25;
	v62 =	vmul.f32 $2.049999950e+00, v31;
	v25 =	vpop (erf)  }
0x15c: {  	[tilespmem:s14+$0x50] =	vst v21;
	v21 =	vld.idx.msk [tilespmem:v56+s21+$0x0], $0xffff;
	v32 =	vmul.f32 $1.442695020e+00, v26;
	v33 =	vmul.f32 $-7.500000000e+00, v25;
	v63 =	vpop (erf)  }
0x15d: {  	s24 =	simm.s32 $0xC;
	v31 =	vld.idx.msk [tilespmem:v2+s19+$0x0], $0xffff;
	v25 =	vmul.f32 $2.049999950e+00, v59;
	[tilespmem:s29+$0xFFFFFFC0] =	vst v62;
	v34 =	vmul.f32 $2.049999950e+00, v63;
	v35 =	vpop (erf)  }
.LBB2_2:
0x15e: {  	p0 =	slt.u32 s24, $0x66;
	v26 =	vld.idx.msk [tilespmem:v0+s21+$0x0], $0xffff;
	v36 =	vsub.f32 v22, v30;
	v37 =	vpop (erf);
	[tilespmem:s30+$0xFFFFFFC0] =	vst v33;
	v38 =	vmul.f32 $-7.500000000e+00, v35;
	v35 =	vmul.f32 $-7.500000000e+00, v23  }
0x15f: {  	v23 =	vsub.f32 v24, v30;
	v30 =	vmul.f32 $-7.500000000e+00, v37;
	v37 =	vld.idx.msk [tilespmem:v4+s19+$0x0], $0xffff;
	(erf) = vpow2.f32 v32;
	[tilespmem:s18+$0xFFFFFFE0] =	vst v34  }
0x160: {  	v29 =	vld.idx.msk [tilespmem:v29+s21+$0x0], $0xffff;
	v32 =	vand.u32 $0x7FFFFFFF, v36;
	[tilespmem:s28+$0xFFFFFFE0] =	vst v38;
	v33 =	vpop (erf)  }
0x161: {  	v23 =	vand.u32 $0x7FFFFFFF, v23;
	v38 =	vadd.f32 $1.909000020e+01, v32;
	v34 =	vpop (erf);
	v36 =	vld.idx.msk [tilespmem:v6+s19+$0x0], $0xffff;
	v33 =	vmul.f32 $2.049999950e+00, v33  }
0x162: {  	v23 =	vadd.f32 $1.909000020e+01, v23;
	v31 =	vsub.f32 v19, v31;
	v34 =	vmul.f32 $2.049999950e+00, v34;
	[tilespmem:s20+$0x50] =	vst v27  }
0x163: {  	v27 =	vmul.f32 v38, v38;
	v32 =	vpop (erf);
	[tilespmem:s18+$0x40] =	vst v33;
	v33 =	vld.idx.msk [tilespmem:v6+s19+$0x0], $0xffff  }
0x164: {  	v38 =	vmul.f32 v23, v23;
	v39 =	vadd.f32 v21, v26;
	v31 =	vand.u32 $0x7FFFFFFF, v31;
	[tilespmem:s13+$0x10] =	vst v34;
	v23 =	vld.idx.msk [tilespmem:v6+s21+$0x0], $0xffff  }
0x165: {  	v31 =	vadd.f32 $1.909000020e+01, v31;
	v27 =	vmul.f32 $-3.928347030e-03, v27;
	v34 =	vld.idx.msk [tilespmem:v2+s21+$0x0], $0xffff;
	[tilespmem:s23+$0x10] =	vst v30;
	v30 =	vsub.f32 v15, v37  }
0x166: {  	v37 =	vmul.f32 $-3.928347030e-03, v38;
	v26 =	vadd.f32 v26, v29;
	v38 =	vadd.f32 $9.999999970e-07, v39;
	v39 =	vld.idx.msk [tilespmem:v2+s19+$0x0], $0xffff;
	[tilespmem:s28+$0x40] =	vst v28  }
0x167: {  	v28 =	vmul.f32 v31, v31;
	v42 =	vsub.f32 v18, v36;
	v31 =	vld.idx.msk [tilespmem:v4+s21+$0x0], $0xffff;
	v30 =	vand.u32 $0x7FFFFFFF, v30;
	[tilespmem:s26+$0x60] =	vst v25;
	s26 =	smov.u32 s14;
	s14 =	smov.u32 s18;
	s18 =	smov.u32 s29  }
0x168: {  	v25 =	vadd.f32 $9.999999970e-07, v26;
	v26 =	vmul.f32 $1.442695020e+00, v27;
	s29 =	smov.u32 s13;
	v27 =	vld.idx.msk [tilespmem:v2+s21+$0x0], $0xffff;
	v30 =	vadd.f32 $1.909000020e+01, v30;
	v36 =	vpop (erf)  }
0x169: {  	v18 =	vmovc v15;
	v15 =	vmovc v19;
	v37 =	vmul.f32 $1.442695020e+00, v37;
	v28 =	vmul.f32 $-3.928347030e-03, v28;
	v41 =	vand.u32 $0x7FFFFFFF, v42;
	v40 =	vld.idx.msk [tilespmem:v6+s21+$0x0], $0xffff  }
0x16a: {  	v19 =	vmovc v24;
	(erf) = vrcp.f32 v25;
	v25 =	vmul.f32 v30, v30;
	v30 =	vadd.f32 $1.909000020e+01, v41;
	v41 =	vld.idx.msk [tilespmem:v5+s19+$0x0], $0xffff;
	[tilespmem:s17+$0x60] =	vst v35;
	s17 =	smov.u32 s20;
	s20 =	smov.u32 s28;
	s28 =	smov.u32 s30  }
0x16b: {  	v24 =	vmul.f32 $1.442695020e+00, v28;
	v28 =	vadd.f32 v34, v20;
	s30 =	smov.u32 s23;
	(erf) = vpow2.f32 v37;
	v34 =	vld.idx.msk [tilespmem:v5+s21+$0x0], $0xffff  }
0x16c: {  	v35 =	vsub.f32 v13, v39;
	v25 =	vmul.f32 $-3.928347030e-03, v25;
	v30 =	vmul.f32 v30, v30  }
0x16d: {  	v28 =	vadd.f32 $9.999999970e-07, v28;
	(erf) = vpow2.f32 v24;
	v24 =	vadd.f32 v31, v16  }
0x16e: {  	v31 =	vand.u32 $0x7FFFFFFF, v35;
	v25 =	vmul.f32 $1.442695020e+00, v25;
	v30 =	vmul.f32 $-3.928347030e-03, v30  }
0x16f: {  	(erf) = vrcp.f32 v28;
	v24 =	vadd.f32 $9.999999970e-07, v24;
	v28 =	vadd.f32 v40, v17;
	v17 =	vmovc v16;
	v16 =	vmovc v20  }
0x170: {  	v31 =	vadd.f32 $1.909000020e+01, v31;
	v20 =	vmovc v29;
	(erf) = vpow2.f32 v25;
	v30 =	vmul.f32 $1.442695020e+00, v30  }
0x171: {  	v27 =	vadd.f32 v27, v14;
	(erf) = vrcp.f32 v24;
	v35 =	vadd.f32 $9.999999970e-07, v28  }
0x172: {  	v29 =	vsub.f32 v7, v41;
	v28 =	vmul.f32 v31, v31;
	(erf) = vpow2.f32 v30  }
0x173: {  	v27 =	vadd.f32 $9.999999970e-07, v27;
	v31 =	vmul.f32 $2.049999950e+00, v36;
	v25 =	vpop (erf);
	(erf) = vrcp.f32 v35  }
0x174: {  	v24 =	vpop (erf);
	(erf) = vpow2.f32 v26;
	v26 =	vmul.f32 $-3.928347030e-03, v28;
	v28 =	vand.u32 $0x7FFFFFFF, v29  }
0x175: {  	v29 =	vmul.f32 $-7.500000000e+00, v32;
	(erf) = vrcp.f32 v38;
	[tilespmem:s18+$0x30] =	vst v31;
	v28 =	vadd.f32 $1.909000020e+01, v28  }
0x176: {  	v32 =	vmul.f32 $2.049999950e+00, v24;
	v31 =	vadd.f32 v34, v8;
	v26 =	vmul.f32 $1.442695020e+00, v26;
	v30 =	vpop (erf)  }
0x177: {  	s13 =	sadd.s32 $0xE0, s13;
	v25 =	vmul.f32 $-7.500000000e+00, v25;
	(erf) = vrcp.f32 v27;
	[tilespmem:s28+$0x30] =	vst v29;
	v27 =	vsub.f32 v10, v33;
	v10 =	vmovc v7;
	v7 =	vmovc v11  }
0x178: {  	s23 =	sadd.s32 $0xE0, s23;
	v11 =	vmul.f32 $2.049999950e+00, v30;
	[tilespmem:s13+$0xFFFFFF90] =	vst v32;
	v24 =	vpop (erf);
	(erf) = vpow2.f32 v26;
	v29 =	vld.idx.msk [tilespmem:v4+s19+$0x0], $0xffff;
	v26 =	vadd.f32 $9.999999970e-07, v31  }
0x179: {  	v28 =	vmul.f32 v28, v28;
	[tilespmem:s23+$0xFFFFFF90] =	vst v25;
	v24 =	vmul.f32 $-7.500000000e+00, v24;
	v25 =	vld.idx.msk [tilespmem:v4+s21+$0x0], $0xffff;
	v30 =	vpop (erf);
	v27 =	vand.u32 $0x7FFFFFFF, v27  }
0x17a: {  	v31 =	vld.idx.msk [tilespmem:v1+s19+$0x0], $0xffff;
	[tilespmem:s29+$0xFFFFFFB0] =	vst v11;
	v11 =	vmul.f32 $2.049999950e+00, v30;
	v30 =	vpop (erf);
	(erf) = vrcp.f32 v26;
	v27 =	vadd.f32 $1.909000020e+01, v27  }
0x17b: {  	s25 =	sadd.s32 $0x1, s24;
	v12 =	vadd.f32 v23, v12;
	v28 =	vmul.f32 $-3.928347030e-03, v28;
	[tilespmem:s30+$0xFFFFFFB0] =	vst v24;
	v24 =	vmul.f32 $-7.500000000e+00, v30;
	v30 =	vpop (erf)  }
0x17c: {  	v26 =	vmov s25;
	[tilespmem:s18+$0xFFFFFFD0] =	vst v11;
	v35 =	vmul.f32 $2.049999950e+00, v30;
	v23 =	vpop (erf);
	v27 =	vmul.f32 v27, v27  }
0x17d: {  	v30 =	vpop (erf);
	v32 =	vld.idx.msk [tilespmem:v3+s19+$0x0], $0xffff;
	[tilespmem:s28+$0xFFFFFFD0] =	vst v24;
	v23 =	vmul.f32 $-7.500000000e+00, v23;
	v24 =	vmul.f32 $1.442695020e+00, v28;
	v28 =	vadd.f32 $9.999999970e-07, v12  }
0x17e: {  	v29 =	vsub.f32 v7, v29;
	v33 =	vld.idx.msk [tilespmem:v1+s21+$0x0], $0xffff;
	v36 =	vmul.f32 $2.049999950e+00, v30;
	v30 =	vpop (erf);
	[tilespmem:s14+$0xFFFFFFF0] =	vst v35;
	v27 =	vmul.f32 $-3.928347030e-03, v27  }
0x17f: {  	v25 =	vadd.f32 v25, v9;
	v11 =	vmovc v13;
	v30 =	vmul.f32 $-7.500000000e+00, v30;
	v34 =	vld.idx.msk [tilespmem:v5+s19+$0x0], $0xffff;
	[tilespmem:s20+$0xFFFFFFF0] =	vst v23;
	(erf) = vpow2.f32 v24  }
0x180: {  	v35 =	vsub.f32 v19, v31;
	v23 =	vand.u32 $0x7FFFFFFF, v29;
	[tilespmem:s13+$0x0] =	vst v36;
	v12 =	vpop (erf);
	v24 =	vmul.f32 $1.442695020e+00, v27  }
0x181: {  	v23 =	vadd.f32 $1.909000020e+01, v23;
	v25 =	vadd.f32 $9.999999970e-07, v25;
	[tilespmem:s23+$0x0] =	vst v30;
	v29 =	vmul.f32 $-7.500000000e+00, v12;
	v12 =	vpop (erf)  }
0x182: {  	v13 =	vmovc v22;
	v27 =	vand.u32 $0x7FFFFFFF, v35;
	v30 =	vld.idx.msk [tilespmem:v1+s19+$0x0], $0xffff;
	v31 =	vmul.f32 $2.049999950e+00, v12;
	(erf) = vpow2.f32 v24;
	v12 =	vmovc v8  }
0x183: {  	v22 =	vadd.f32 $1.909000020e+01, v27;
	v32 =	vsub.f32 v15, v32;
	v23 =	vmul.f32 v23, v23;
	v24 =	vld.idx.msk [tilespmem:v1+s21+$0x0], $0xffff;
	v8 =	vpop (erf)  }
0x184: {  	v33 =	vadd.f32 v33, v20;
	[tilespmem:s29+$0x20] =	vst v31;
	(erf) = vrcp.f32 v25;
	v27 =	vmul.f32 $-7.500000000e+00, v8;
	v8 =	vmovc v9;
	v9 =	vmovc v14  }
0x185: {  	v22 =	vmul.f32 v22, v22;
	v35 =	vand.u32 $0x7FFFFFFF, v32;
	v25 =	vld.idx.msk [tilespmem:v3+s21+$0x0], $0xffff;
	[tilespmem:s30+$0x20] =	vst v29;
	v29 =	vsub.f32 v18, v34  }
0x186: {  	v14 =	vmovc v21;
	v31 =	vadd.f32 $1.909000020e+01, v35;
	v34 =	vmul.f32 $-3.928347030e-03, v23;
	v32 =	vld.idx.msk [tilespmem:v3+s19+$0x0], $0xffff;
	(erf) = vrcp.f32 v28  }
0x187: {  	v21 =	vmul.f32 $-3.928347030e-03, v22;
	v22 =	vadd.f32 $9.999999970e-07, v33;
	v23 =	vld.idx.msk [tilespmem:v5+s21+$0x0], $0xffff;
	v28 =	vand.u32 $0x7FFFFFFF, v29  }
0x188: {  	v29 =	vsub.f32 v13, v30;
	v30 =	vmul.f32 v31, v31;
	v31 =	vld.idx.msk [tilespmem:v3+s21+$0x0], $0xffff;
	v28 =	vadd.f32 $1.909000020e+01, v28;
	v33 =	vpop (erf)  }
0x189: {  	v21 =	vmul.f32 $1.442695020e+00, v21;
	v24 =	vadd.f32 v24, v14;
	(erf) = vrcp.f32 v22  }
0x18a: {  	v22 =	vand.u32 $0x7FFFFFFF, v29;
	v29 =	vmul.f32 $-3.928347030e-03, v30;
	v28 =	vmul.f32 v28, v28  }
0x18b: {  	v22 =	vadd.f32 $1.909000020e+01, v22;
	(erf) = vpow2.f32 v21;
	v21 =	vadd.f32 v25, v16;
	v25 =	vpop (erf)  }
0x18c: {  	v24 =	vadd.f32 $9.999999970e-07, v24;
	v29 =	vmul.f32 $1.442695020e+00, v29;
	v28 =	vmul.f32 $-3.928347030e-03, v28  }
0x18d: {  	v22 =	vmul.f32 v22, v22;
	v36 =	vadd.f32 v23, v17;
	v21 =	vadd.f32 $9.999999970e-07, v21;
	v30 =	vpop (erf)  }
0x18e: {  	v35 =	vmov s24;
	(erf) = vpow2.f32 v29;
	v28 =	vmul.f32 $1.442695020e+00, v28  }
0x18f: {  	v29 =	vand.u32 $0xFFFFFFFE, v35;
	v35 =	vadd.f32 $9.999999970e-07, v36;
	(erf) = vrcp.f32 v21;
	v23 =	vpop (erf)  }
0x190: {  	v32 =	vsub.f32 v11, v32;
	v29 =	vbroadcast v29, $0x0;
	(erf) = vpow2.f32 v28  }
0x191: {  	v22 =	vmul.f32 $-3.928347030e-03, v22;
	v28 =	vadd.f32 v31, v9;
	(erf) = vrcp.f32 v35  }
0x192: {  	v36 =	vand.u32 $0x7FFFFFFF, v32;
	v31 =	vmul.f32 $1.442695020e+00, v34;
	v21 =	vpop (erf);
	(erf) = vrcp.f32 v24  }
0x193: {  	v32 =	vmul.f32 $1.442695020e+00, v22;
	v34 =	vadd.f32 $1.909000020e+01, v36;
	v35 =	vadd.f32 $9.999999970e-07, v28  }
0x194: {  	v28 =	vmul.f32 $-7.500000000e+00, v30;
	v22 =	vld.idx.msk [tilespmem:v26+s19+$0x0], $0xffff;
	v24 =	vpop (erf);
	(erf) = vpow2.f32 v31  }
0x195: {  	v30 =	vld.idx.msk [tilespmem:v0+s19+$0x0], $0xffff;
	v36 =	vmul.f32 $2.049999950e+00, v24;
	(erf) = vpow2.f32 v32  }
.Ltmp0:
0x196: {  	v37 =	vmul.f32 $-7.500000000e+00, v21;
	v32 =	vmul.f32 v34, v34;
	v24 =	vld.idx.msk [tilespmem:v29+s19+$0x0], $0xffff;
	(pc) =	sbr.rel @p0 .LBB2_2-.Ltmp0, $4  }
0x197: {  	v34 =	vmul.f32 $2.049999950e+00, v33;
	[tilespmem:s13+$0xFFFFFFA0] =	vst v36;
	v31 =	vpop (erf);
	(erf) = vrcp.f32 v35  }
0x198: {  	v32 =	vmul.f32 $-3.928347030e-03, v32;
	[tilespmem:s23+$0xFFFFFFA0] =	vst v37;
	v37 =	vmul.f32 $2.049999950e+00, v31;
	v21 =	vpop (erf)  }
0x199: {  	v25 =	vmul.f32 $2.049999950e+00, v25;
	v31 =	vld.idx.msk [tilespmem:v2+s19+$0x0], $0xffff;
	v33 =	vmul.f32 $-7.500000000e+00, v21;
	v36 =	vpop (erf);
	[tilespmem:s14+$0x50] =	vst v34  }
0x19a: {  	s24 =	sadd.s32 $0x2, s24;
	v32 =	vmul.f32 $1.442695020e+00, v32;
	v21 =	vld.idx.msk [tilespmem:v26+s21+$0x0], $0xffff;
	[tilespmem:s29+$0xFFFFFFC0] =	vst v37;
	v34 =	vmul.f32 $2.049999950e+00, v36;
	v35 =	vpop (erf)  }
0x19b: {  	_ =	sdelay $0x3  }
0x19c: {  	v36 =	vld.idx.msk [tilespmem:v0+s21+$0x0], $0xffff;
	v37 =	vsub.f32 v24, v30  }
0x19d: {  	v26 =	vld.idx.msk [tilespmem:v29+s21+$0x0], $0xffff  }
0x19e: {  	v52 =	vand.u32 $0x7FFFFFFF, v37  }
0x19f: {  	v29 =	vadd.f32 $1.909000020e+01, v52;
	_ =	sdelay $0x1  }
0x1a0: {  	v29 =	vmul.f32 v29, v29  }
0x1a1: {  	[tilespmem:s30+$0xFFFFFFC0] =	vst v33;
	v59 =	vadd.f32 v36, v26  }
0x1a2: {  	v53 =	vmul.f32 $-7.500000000e+00, v35;
	v54 =	vpop (erf);
	v56 =	vsub.f32 v22, v30;
	[tilespmem:s20+$0x50] =	vst v27;
	v55 =	vld.idx.msk [tilespmem:v4+s19+$0x0], $0xffff;
	v29 =	vmul.f32 $-3.928347030e-03, v29  }
0x1a3: {  	[tilespmem:s18+$0xFFFFFFE0] =	vst v34;
	v57 =	vmul.f32 $-7.500000000e+00, v54;
	(erf) = vpow2.f32 v32;
	v41 =	vld.idx.msk [tilespmem:v4+s21+$0x0], $0xffff;
	v35 =	vadd.f32 $9.999999970e-07, v59  }
0x1a4: {  	v51 =	vld.idx.msk [tilespmem:v6+s19+$0x0], $0xffff;
	[tilespmem:s28+$0xFFFFFFE0] =	vst v53;
	v58 =	vpop (erf);
	v30 =	vand.u32 $0x7FFFFFFF, v56;
	v31 =	vsub.f32 v19, v31;
	v29 =	vmul.f32 $1.442695020e+00, v29  }
0x1a5: {  	v60 =	vpop (erf);
	v38 =	vld.idx.msk [tilespmem:v6+s19+$0x0], $0xffff;
	v30 =	vadd.f32 $1.909000020e+01, v30;
	v33 =	vmul.f32 $2.049999950e+00, v58;
	(erf) = vrcp.f32 v35  }
0x1a6: {  	v42 =	vld.idx.msk [tilespmem:v6+s21+$0x0], $0xffff;
	v32 =	vmul.f32 $2.049999950e+00, v60;
	v31 =	vand.u32 $0x7FFFFFFF, v31;
	(erf) = vpow2.f32 v29  }
0x1a7: {  	v62 =	vld.idx.msk [tilespmem:v2+s21+$0x0], $0xffff;
	v30 =	vmul.f32 v30, v30;
	v40 =	vadd.f32 v21, v36;
	v43 =	vpop (erf);
	v31 =	vadd.f32 $1.909000020e+01, v31  }
0x1a8: {  	v61 =	vsub.f32 v15, v55;
	v46 =	vadd.f32 v41, v16;
	v60 =	vmul.f32 $-7.500000000e+00, v43  }
0x1a9: {  	[tilespmem:s13+$0x10] =	vst v32;
	v10 =	vsub.f32 v10, v51;
	v30 =	vmul.f32 $-3.928347030e-03, v30;
	v34 =	vadd.f32 $9.999999970e-07, v40  }
0x1aa: {  	[tilespmem:s23+$0x10] =	vst v57;
	v31 =	vmul.f32 v31, v31;
	v32 =	vand.u32 $0x7FFFFFFF, v61;
	v18 =	vsub.f32 v18, v38  }
0x1ab: {  	v63 =	vld.idx.msk [tilespmem:v2+s19+$0x0], $0xffff;
	v17 =	vadd.f32 v42, v17;
	v10 =	vand.u32 $0x7FFFFFFF, v10;
	v32 =	vadd.f32 $1.909000020e+01, v32  }
0x1ac: {  	[tilespmem:s18+$0x40] =	vst v33;
	v30 =	vmul.f32 $1.442695020e+00, v30;
	v35 =	vadd.f32 v62, v20;
	v10 =	vadd.f32 $1.909000020e+01, v10  }
0x1ad: {  	[tilespmem:s28+$0x40] =	vst v28;
	v31 =	vmul.f32 $-3.928347030e-03, v31;
	v18 =	vand.u32 $0x7FFFFFFF, v18;
	v44 =	vpop (erf);
	v32 =	vmul.f32 v32, v32  }
0x1ae: {  	v47 =	vld.idx.msk [tilespmem:v5+s19+$0x0], $0xffff;
	v18 =	vadd.f32 $1.909000020e+01, v18;
	v56 =	vmul.f32 $2.049999950e+00, v44;
	v10 =	vmul.f32 v10, v10;
	v48 =	vpop (erf)  }
0x1af: {  	v49 =	vld.idx.msk [tilespmem:v2+s21+$0x0], $0xffff;
	v45 =	vadd.f32 $9.999999970e-07, v35;
	v31 =	vmul.f32 $1.442695020e+00, v31;
	v32 =	vmul.f32 $-3.928347030e-03, v32;
	v50 =	vpop (erf)  }
0x1b0: {  	v29 =	vsub.f32 v13, v63;
	v18 =	vmul.f32 v18, v18;
	v52 =	vmul.f32 $2.049999950e+00, v50  }
0x1b1: {  	s24 =	sadd.s32 $0xE0, s13;
	s25 =	sadd.s32 $0xE0, s23;
	v17 =	vadd.f32 $9.999999970e-07, v17;
	(erf) = vpow2.f32 v31;
	v53 =	vmul.f32 $-7.500000000e+00, v48  }
0x1b2: {  	v54 =	vld.idx.msk [tilespmem:v5+s21+$0x0], $0xffff;
	v29 =	vand.u32 $0x7FFFFFFF, v29;
	v18 =	vmul.f32 $-3.928347030e-03, v18;
	(erf) = vrcp.f32 v45;
	[tilespmem:s24+$0xFFFFFF90] =	vst v52  }
0x1b3: {  	v55 =	vsub.f32 v7, v47;
	v32 =	vmul.f32 $1.442695020e+00, v32;
	v29 =	vadd.f32 $1.909000020e+01, v29;
	[tilespmem:s25+$0xFFFFFF90] =	vst v53  }
0x1b4: {  	v27 =	vadd.f32 v49, v14;
	v31 =	vadd.f32 $9.999999970e-07, v46;
	v18 =	vmul.f32 $1.442695020e+00, v18;
	v58 =	vld.idx.msk [tilespmem:v1+s19+$0x0], $0xffff  }
0x1b5: {  	v59 =	vand.u32 $0x7FFFFFFF, v55;
	(erf) = vpow2.f32 v32;
	v29 =	vmul.f32 v29, v29  }
0x1b6: {  	[tilespmem:s29+$0x30] =	vst v56;
	v10 =	vmul.f32 $-3.928347030e-03, v10;
	v61 =	vadd.f32 $1.909000020e+01, v59;
	(erf) = vrcp.f32 v31  }
0x1b7: {  	v63 =	vadd.f32 v54, v8;
	[tilespmem:s30+$0x30] =	vst v60;
	(erf) = vpow2.f32 v18;
	v57 =	vmul.f32 $-3.928347030e-03, v29  }
0x1b8: {  	v27 =	vadd.f32 $9.999999970e-07, v27;
	v36 =	vld.idx.msk [tilespmem:v4+s21+$0x0], $0xffff;
	v18 =	vmul.f32 v61, v61;
	(erf) = vrcp.f32 v17  }
0x1b9: {  	v37 =	vld.idx.msk [tilespmem:v6+s21+$0x0], $0xffff;
	v10 =	vmul.f32 $1.442695020e+00, v10;
	(erf) = vpow2.f32 v30;
	v28 =	vsub.f32 v24, v58  }
0x1ba: {  	v39 =	vadd.f32 $9.999999970e-07, v63;
	v17 =	vmul.f32 $1.442695020e+00, v57;
	v18 =	vmul.f32 $-3.928347030e-03, v18;
	v62 =	vpop (erf);
	v40 =	vld.idx.msk [tilespmem:v1+s21+$0x0], $0xffff  }
0x1bb: {  	(erf) = vrcp.f32 v34;
	v29 =	vmul.f32 $2.049999950e+00, v62;
	v38 =	vpop (erf);
	v28 =	vand.u32 $0x7FFFFFFF, v28  }
0x1bc: {  	(erf) = vrcp.f32 v27;
	v32 =	vmul.f32 $-7.500000000e+00, v38;
	v28 =	vadd.f32 $1.909000020e+01, v28  }
0x1bd: {  	v43 =	vadd.f32 v36, v9;
	v42 =	vmul.f32 $1.442695020e+00, v18;
	(erf) = vpow2.f32 v17;
	[tilespmem:s13+$0xFFFFFFB0] =	vst v29  }
0x1be: {  	v12 =	vadd.f32 v37, v12;
	v41 =	vpop (erf);
	(erf) = vrcp.f32 v39;
	[tilespmem:s23+$0xFFFFFFB0] =	vst v32;
	v44 =	vmul.f32 v28, v28  }
0x1bf: {  	v45 =	vadd.f32 $9.999999970e-07, v43;
	(erf) = vpow2.f32 v42;
	v49 =	vld.idx.msk [tilespmem:v3+s19+$0x0], $0xffff;
	v46 =	vadd.f32 v40, v26  }
0x1c0: {  	v48 =	vadd.f32 $9.999999970e-07, v12;
	v47 =	vpop (erf);
	(erf) = vpow2.f32 v10;
	v27 =	vmul.f32 $-3.928347030e-03, v44  }
0x1c1: {  	v33 =	vmul.f32 $2.049999950e+00, v41;
	v10 =	vpop (erf);
	(erf) = vrcp.f32 v45;
	v50 =	vadd.f32 $9.999999970e-07, v46  }
0x1c2: {  	v12 =	vpop (erf);
	(erf) = vrcp.f32 v48;
	v51 =	vmul.f32 $1.442695020e+00, v27  }
0x1c3: {  	v53 =	vpop (erf);
	(erf) = vrcp.f32 v50;
	v28 =	vmul.f32 $-7.500000000e+00, v47  }
0x1c4: {  	[tilespmem:s29+$0xFFFFFFD0] =	vst v33;
	v55 =	vpop (erf);
	v60 =	vsub.f32 v19, v49;
	(erf) = vpow2.f32 v51  }
0x1c5: {  	v52 =	vld.idx.msk [tilespmem:v4+s19+$0x0], $0xffff;
	v54 =	vmul.f32 $2.049999950e+00, v53;
	v58 =	vpop (erf);
	[tilespmem:s30+$0xFFFFFFD0] =	vst v28  }
0x1c6: {  	v57 =	vmul.f32 $-7.500000000e+00, v55;
	v59 =	vpop (erf);
	v17 =	vand.u32 $0x7FFFFFFF, v60;
	v56 =	vld.idx.msk [tilespmem:v5+s19+$0x0], $0xffff  }
0x1c7: {  	v63 =	vld.idx.msk [tilespmem:v3+s21+$0x0], $0xffff;
	[tilespmem:s24+$0x0] =	vst v54;
	v30 =	vpop (erf)  }
0x1c8: {  	[tilespmem:s25+$0x0] =	vst v57;
	v32 =	vpop (erf)  }
0x1c9: {  	v62 =	vld.idx.msk [tilespmem:v1+s19+$0x0], $0xffff;
	v43 =	vadd.f32 $1.909000020e+01, v17;
	v17 =	vpop (erf)  }
0x1ca: {  	v61 =	vsub.f32 v11, v52;
	v35 =	vpop (erf)  }
0x1cb: {  	v18 =	vpop (erf);
	v29 =	vsub.f32 v15, v56  }
0x1cc: {  	v31 =	vmul.f32 $2.049999950e+00, v59;
	v47 =	vadd.f32 v63, v20;
	v44 =	vand.u32 $0x7FFFFFFF, v61;
	v46 =	vpop (erf)  }
0x1cd: {  	v40 =	vld.idx.msk [tilespmem:v1+s21+$0x0], $0xffff;
	v28 =	vmul.f32 $-7.500000000e+00, v58;
	v34 =	vmul.f32 v43, v43;
	v29 =	vand.u32 $0x7FFFFFFF, v29;
	v39 =	vpop (erf)  }
0x1ce: {  	[tilespmem:s13+$0x20] =	vst v31;
	v45 =	vld.idx.msk [tilespmem:v5+s21+$0x0], $0xffff;
	v27 =	vsub.f32 v22, v62;
	v29 =	vadd.f32 $1.909000020e+01, v29;
	v48 =	vmul.f32 $2.049999950e+00, v39  }
0x1cf: {  	v31 =	vadd.f32 $9.999999970e-07, v47;
	[tilespmem:s23+$0x20] =	vst v28;
	v34 =	vmul.f32 $-3.928347030e-03, v34;
	v50 =	vmul.f32 $-7.500000000e+00, v46  }
0x1d0: {  	v36 =	vadd.f32 $1.909000020e+01, v44;
	v27 =	vand.u32 $0x7FFFFFFF, v27;
	v29 =	vmul.f32 v29, v29;
	[tilespmem:s24+$0xFFFFFFA0] =	vst v48  }
0x1d1: {  	v51 =	vld.idx.msk [tilespmem:v3+s19+$0x0], $0xffff;
	v49 =	vmul.f32 $1.442695020e+00, v34;
	v27 =	vadd.f32 $1.909000020e+01, v27;
	[tilespmem:s25+$0xFFFFFFA0] =	vst v50  }
0x1d2: {  	v36 =	vmul.f32 v36, v36;
	v54 =	vadd.f32 v40, v21;
	v29 =	vmul.f32 $-3.928347030e-03, v29;
	v53 =	vld.idx.msk [tilespmem:v2+s19+$0x0], $0xffff  }
0x1d3: {  	v37 =	vadd.f32 v45, v16;
	(erf) = vpow2.f32 v49;
	v27 =	vmul.f32 v27, v27  }
0x1d4: {  	(erf) = vrcp.f32 v31;
	v52 =	vmul.f32 $1.442695020e+00, v29  }
0x1d5: {  	v36 =	vmul.f32 $-3.928347030e-03, v36;
	v56 =	vadd.f32 $9.999999970e-07, v54;
	v55 =	vadd.f32 $9.999999970e-07, v37  }
0x1d6: {  	v57 =	vld.idx.msk [tilespmem:v3+s21+$0x0], $0xffff;
	v33 =	vsub.f32 v13, v51;
	v27 =	vmul.f32 $-3.928347030e-03, v27;
	(erf) = vpow2.f32 v52  }
0x1d7: {  	v58 =	vmul.f32 $1.442695020e+00, v36;
	(erf) = vrcp.f32 v55;
	v59 =	vsub.f32 v24, v53  }
0x1d8: {  	v60 =	vand.u32 $0x7FFFFFFF, v33;
	v27 =	vmul.f32 $1.442695020e+00, v27;
	(erf) = vrcp.f32 v56  }
0x1d9: {  	v29 =	vadd.f32 $1.909000020e+01, v60;
	(erf) = vpow2.f32 v58;
	v61 =	vand.u32 $0x7FFFFFFF, v59  }
0x1da: {  	v63 =	vld.idx.msk [tilespmem:v2+s21+$0x0], $0xffff;
	(erf) = vpow2.f32 v27;
	v27 =	vadd.f32 $1.909000020e+01, v61  }
0x1db: {  	v31 =	vadd.f32 v57, v14;
	v29 =	vmul.f32 v29, v29  }
0x1dc: {  	v62 =	vpop (erf);
	v27 =	vmul.f32 v27, v27  }
0x1dd: {  	v31 =	vadd.f32 $9.999999970e-07, v31;
	v28 =	vmul.f32 $2.049999950e+00, v62;
	v29 =	vmul.f32 $-3.928347030e-03, v29;
	v39 =	vpop (erf)  }
0x1de: {  	v34 =	vmul.f32 $-7.500000000e+00, v39;
	v27 =	vmul.f32 $-3.928347030e-03, v27  }
0x1df: {  	[tilespmem:s13+$0xFFFFFFC0] =	vst v28;
	v29 =	vmul.f32 $1.442695020e+00, v29;
	(erf) = vrcp.f32 v31;
	v33 =	vadd.f32 v63, v26  }
0x1e0: {  	v53 =	vmul.f32 $2.049999950e+00, v32;
	[tilespmem:s23+$0xFFFFFFC0] =	vst v34;
	v40 =	vpop (erf);
	v27 =	vmul.f32 $1.442695020e+00, v27  }
0x1e1: {  	v30 =	vmul.f32 $-7.500000000e+00, v30;
	v47 =	vadd.f32 $9.999999970e-07, v33;
	v44 =	vld.idx.msk [tilespmem:v4+s19+$0x0], $0xffff;
	(erf) = vpow2.f32 v29;
	v42 =	vpop (erf)  }
0x1e2: {  	[tilespmem:s18+$0x50] =	vst v53;
	v41 =	vmul.f32 $2.049999950e+00, v40;
	v45 =	vpop (erf);
	(erf) = vpow2.f32 v27  }
0x1e3: {  	[tilespmem:s28+$0x50] =	vst v30;
	v43 =	vmul.f32 $-7.500000000e+00, v42;
	v46 =	vpop (erf);
	(erf) = vrcp.f32 v47  }
0x1e4: {  	v56 =	vld.idx.msk [tilespmem:v4+s21+$0x0], $0xffff;
	[tilespmem:s29+$0xFFFFFFE0] =	vst v41;
	v48 =	vpop (erf)  }
0x1e5: {  	v41 =	vld.idx.msk [tilespmem:v6+s19+$0x0], $0xffff;
	[tilespmem:s30+$0xFFFFFFE0] =	vst v43;
	v49 =	vmul.f32 $2.049999950e+00, v48  }
0x1e6: {  	v50 =	vmul.f32 $-7.500000000e+00, v45;
	v34 =	vld.idx.msk [tilespmem:v6+s19+$0x0], $0xffff;
	v51 =	vsub.f32 v19, v44  }
0x1e7: {  	v59 =	vld.idx.msk [tilespmem:v6+s21+$0x0], $0xffff;
	[tilespmem:s24+$0x10] =	vst v49  }
0x1e8: {  	v28 =	vmul.f32 $2.049999950e+00, v46;
	v52 =	vand.u32 $0x7FFFFFFF, v51;
	[tilespmem:s25+$0x10] =	vst v50  }
0x1e9: {  	v57 =	vmul.f32 $-7.500000000e+00, v35;
	v58 =	vpop (erf);
	v27 =	vadd.f32 $1.909000020e+01, v52;
	v54 =	vld.idx.msk [tilespmem:v2+s19+$0x0], $0xffff  }
0x1ea: {  	v32 =	vadd.f32 v56, v20;
	[tilespmem:s29+$0x40] =	vst v28;
	v7 =	vsub.f32 v7, v41;
	v60 =	vpop (erf)  }
0x1eb: {  	v29 =	vmul.f32 $-7.500000000e+00, v58;
	[tilespmem:s30+$0x40] =	vst v57;
	v49 =	vld.idx.msk [tilespmem:v6+s21+$0x0], $0xffff;
	v55 =	vsub.f32 v15, v34;
	v27 =	vmul.f32 v27, v27;
	v62 =	vpop (erf)  }
0x1ec: {  	v63 =	vld.idx.msk [tilespmem:v5+s19+$0x0], $0xffff;
	v42 =	vadd.f32 v59, v16;
	v7 =	vand.u32 $0x7FFFFFFF, v7;
	v35 =	vmul.f32 $2.049999950e+00, v62;
	v40 =	vpop (erf)  }
0x1ed: {  	v45 =	vld.idx.msk [tilespmem:v5+s21+$0x0], $0xffff;
	v7 =	vadd.f32 $1.909000020e+01, v7;
	v15 =	vand.u32 $0x7FFFFFFF, v55;
	v36 =	vmul.f32 $-7.500000000e+00, v40  }
0x1ee: {  	v61 =	vld.idx.msk [tilespmem:v2+s21+$0x0], $0xffff;
	v28 =	vmul.f32 $2.049999950e+00, v60;
	v15 =	vadd.f32 $1.909000020e+01, v15;
	v31 =	vsub.f32 v22, v54;
	[tilespmem:s24+$0xFFFFFFB0] =	vst v35  }
0x1ef: {  	v32 =	vadd.f32 $9.999999970e-07, v32;
	v27 =	vmul.f32 $-3.928347030e-03, v27;
	v16 =	vadd.f32 $9.999999970e-07, v42;
	[tilespmem:s25+$0xFFFFFFB0] =	vst v36  }
0x1f0: {  	v8 =	vadd.f32 v49, v8;
	v15 =	vmul.f32 v15, v15;
	v31 =	vand.u32 $0x7FFFFFFF, v31;
	v44 =	vld.idx.msk [tilespmem:v3+s19+$0x0], $0xffff  }
0x1f1: {  	v30 =	vsub.f32 v11, v63;
	v7 =	vmul.f32 v7, v7;
	v31 =	vadd.f32 $1.909000020e+01, v31  }
0x1f2: {  	v51 =	vadd.f32 v45, v9;
	v27 =	vmul.f32 $1.442695020e+00, v27;
	v15 =	vmul.f32 $-3.928347030e-03, v15  }
0x1f3: {  	[tilespmem:s13+$0x30] =	vst v28;
	v43 =	vadd.f32 v61, v21;
	v30 =	vand.u32 $0x7FFFFFFF, v30;
	v31 =	vmul.f32 v31, v31  }
0x1f4: {  	[tilespmem:s23+$0x30] =	vst v29;
	(erf) = vpow2.f32 v27;
	v46 =	vadd.f32 $1.909000020e+01, v30;
	v15 =	vmul.f32 $1.442695020e+00, v15  }
0x1f5: {  	v47 =	vld.idx.msk [tilespmem:v4+s21+$0x0], $0xffff;
	(erf) = vrcp.f32 v32;
	v31 =	vmul.f32 $-3.928347030e-03, v31;
	v48 =	vsub.f32 v24, v44  }
0x1f6: {  	v27 =	vadd.f32 $9.999999970e-07, v43;
	(erf) = vpow2.f32 v15;
	v15 =	vmul.f32 v46, v46  }
0x1f7: {  	(erf) = vrcp.f32 v16;
	v50 =	vmul.f32 $1.442695020e+00, v31;
	v52 =	vand.u32 $0x7FFFFFFF, v48  }
0x1f8: {  	v54 =	vld.idx.msk [tilespmem:v3+s21+$0x0], $0xffff;
	(erf) = vrcp.f32 v27;
	v15 =	vmul.f32 $-3.928347030e-03, v15;
	v27 =	vadd.f32 $1.909000020e+01, v52  }
0x1f9: {  	v7 =	vmul.f32 $-3.928347030e-03, v7;
	v31 =	vadd.f32 $9.999999970e-07, v51;
	(erf) = vpow2.f32 v50  }
0x1fa: {  	v16 =	vadd.f32 v47, v14;
	v15 =	vmul.f32 $1.442695020e+00, v15;
	v27 =	vmul.f32 v27, v27  }
0x1fb: {  	v8 =	vadd.f32 $9.999999970e-07, v8;
	v7 =	vmul.f32 $1.442695020e+00, v7;
	(erf) = vrcp.f32 v31  }
0x1fc: {  	v55 =	vadd.f32 $9.999999970e-07, v16;
	(erf) = vpow2.f32 v15;
	v56 =	vmul.f32 $-3.928347030e-03, v27  }
0x1fd: {  	v53 =	vpop (erf);
	(erf) = vpow2.f32 v7;
	v7 =	vadd.f32 v54, v26  }
0x1fe: {  	(erf) = vrcp.f32 v55;
	v58 =	vmul.f32 $1.442695020e+00, v56  }
0x1ff: {  	v28 =	vmul.f32 $2.049999950e+00, v53;
	v57 =	vpop (erf);
	(erf) = vrcp.f32 v8;
	v60 =	vadd.f32 $9.999999970e-07, v7  }
0x200: {  	v59 =	vmul.f32 $-7.500000000e+00, v57;
	v8 =	vpop (erf);
	(erf) = vpow2.f32 v58  }
0x201: {  	[tilespmem:s13+$0xFFFFFFD0] =	vst v28;
	v7 =	vpop (erf);
	(erf) = vrcp.f32 v60  }
0x202: {  	[tilespmem:s23+$0xFFFFFFD0] =	vst v59;
	v61 =	vpop (erf)  }
0x203: {  	v16 =	vld.idx.msk [tilespmem:v5+s19+$0x0], $0xffff;
	v62 =	vpop (erf)  }
0x204: {  	v63 =	vpop (erf)  }
0x205: {  	v36 =	vpop (erf)  }
0x206: {  	v15 =	vpop (erf)  }
0x207: {  	v38 =	vpop (erf)  }
0x208: {  	v37 =	vsub.f32 v19, v16;
	v28 =	vmul.f32 $2.049999950e+00, v62;
	v16 =	vpop (erf)  }
0x209: {  	v39 =	vld.idx.msk [tilespmem:v4+s19+$0x0], $0xffff;
	v27 =	vmul.f32 $-7.500000000e+00, v61;
	v40 =	vpop (erf)  }
0x20a: {  	v31 =	vand.u32 $0x7FFFFFFF, v37;
	[tilespmem:s24+$0x20] =	vst v28;
	v34 =	vmul.f32 $2.049999950e+00, v40;
	v42 =	vpop (erf)  }
0x20b: {  	v41 =	vld.idx.msk [tilespmem:v5+s21+$0x0], $0xffff;
	v31 =	vadd.f32 $1.909000020e+01, v31;
	[tilespmem:s25+$0x20] =	vst v27;
	v43 =	vmul.f32 $-7.500000000e+00, v42  }
0x20c: {  	[tilespmem:s24+$0xFFFFFFC0] =	vst v34  }
0x20d: {  	v44 =	vld.idx.msk [tilespmem:v3+s19+$0x0], $0xffff;
	v31 =	vmul.f32 v31, v31;
	[tilespmem:s25+$0xFFFFFFC0] =	vst v43  }
0x20e: {  	v45 =	vsub.f32 v13, v39;
	v46 =	vld.idx.msk [tilespmem:v4+s19+$0x0], $0xffff  }
0x20f: {  	v31 =	vmul.f32 $-3.928347030e-03, v31  }
0x210: {  	v28 =	vadd.f32 v41, v20;
	v27 =	vand.u32 $0x7FFFFFFF, v45  }
0x211: {  	v27 =	vadd.f32 $1.909000020e+01, v27;
	v31 =	vmul.f32 $1.442695020e+00, v31  }
0x212: {  	v28 =	vadd.f32 $9.999999970e-07, v28;
	v34 =	vsub.f32 v22, v44  }
0x213: {  	v47 =	vld.idx.msk [tilespmem:v3+s21+$0x0], $0xffff;
	(erf) = vpow2.f32 v31;
	v48 =	vsub.f32 v24, v46  }
0x214: {  	v27 =	vmul.f32 v27, v27;
	(erf) = vrcp.f32 v28;
	v49 =	vand.u32 $0x7FFFFFFF, v34  }
0x215: {  	v31 =	vadd.f32 $1.909000020e+01, v49;
	v28 =	vand.u32 $0x7FFFFFFF, v48  }
0x216: {  	v27 =	vmul.f32 $-3.928347030e-03, v27;
	v50 =	vld.idx.msk [tilespmem:v4+s21+$0x0], $0xffff;
	v28 =	vadd.f32 $1.909000020e+01, v28  }
0x217: {  	v31 =	vmul.f32 v31, v31  }
0x218: {  	v51 =	vadd.f32 v47, v21;
	v27 =	vmul.f32 $1.442695020e+00, v27;
	v28 =	vmul.f32 v28, v28  }
0x219: {  	v52 =	vmul.f32 $-3.928347030e-03, v31  }
0x21a: {  	(erf) = vpow2.f32 v27;
	v34 =	vadd.f32 $9.999999970e-07, v51;
	v28 =	vmul.f32 $-3.928347030e-03, v28  }
0x21b: {  	v33 =	vadd.f32 v50, v26;
	v27 =	vmul.f32 $1.442695020e+00, v52  }
0x21c: {  	(erf) = vrcp.f32 v34;
	v53 =	vpop (erf);
	v28 =	vmul.f32 $1.442695020e+00, v28  }
0x21d: {  	v31 =	vmul.f32 $2.049999950e+00, v53;
	v54 =	vpop (erf);
	v55 =	vadd.f32 $9.999999970e-07, v33;
	(erf) = vpow2.f32 v27  }
0x21e: {  	v34 =	vmul.f32 $-7.500000000e+00, v54;
	(erf) = vpow2.f32 v28  }
0x21f: {  	[tilespmem:s13+$0xFFFFFFE0] =	vst v31;
	(erf) = vrcp.f32 v55  }
0x220: {  	[tilespmem:s23+$0xFFFFFFE0] =	vst v34  }
0x221: {  	v56 =	vld.idx.msk [tilespmem:v6+s19+$0x0], $0xffff  }
0x222: {  	v30 =	vmul.f32 $2.049999950e+00, v36  }
0x223: {  	v61 =	vmul.f32 $-7.500000000e+00, v63;
	v57 =	vpop (erf)  }
0x224: {  	[tilespmem:s29+$0x50] =	vst v30;
	v28 =	vmul.f32 $2.049999950e+00, v57  }
0x225: {  	v58 =	vmul.f32 $-7.500000000e+00, v38;
	[tilespmem:s30+$0x50] =	vst v61;
	v59 =	vpop (erf)  }
0x226: {  	v39 =	vld.idx.msk [tilespmem:v6+s19+$0x0], $0xffff;
	v60 =	vsub.f32 v19, v56;
	[tilespmem:s13+$0x40] =	vst v28;
	v62 =	vpop (erf)  }
0x227: {  	[tilespmem:s23+$0x40] =	vst v58;
	v28 =	vmul.f32 $2.049999950e+00, v62;
	v36 =	vpop (erf)  }
0x228: {  	v19 =	vand.u32 $0x7FFFFFFF, v60;
	v63 =	vld.idx.msk [tilespmem:v5+s19+$0x0], $0xffff;
	v30 =	vmul.f32 $2.049999950e+00, v36;
	v38 =	vpop (erf)  }
0x229: {  	v37 =	vld.idx.msk [tilespmem:v6+s21+$0x0], $0xffff;
	v19 =	vadd.f32 $1.909000020e+01, v19;
	[tilespmem:s24+$0x30] =	vst v28;
	v31 =	vmul.f32 $-7.500000000e+00, v38  }
0x22a: {  	v41 =	vmul.f32 $-7.500000000e+00, v59;
	v40 =	vld.idx.msk [tilespmem:v5+s21+$0x0], $0xffff;
	[tilespmem:s24+$0xFFFFFFD0] =	vst v30  }
0x22b: {  	v45 =	vsub.f32 v11, v39;
	v19 =	vmul.f32 v19, v19;
	[tilespmem:s25+$0xFFFFFFD0] =	vst v31  }
0x22c: {  	[tilespmem:s25+$0x30] =	vst v41;
	v42 =	vld.idx.msk [tilespmem:v5+s19+$0x0], $0xffff  }
0x22d: {  	v11 =	vand.u32 $0x7FFFFFFF, v45;
	v19 =	vmul.f32 $-3.928347030e-03, v19;
	v28 =	vld.idx.msk [tilespmem:v4+s19+$0x0], $0xffff;
	v29 =	vsub.f32 v13, v63  }
0x22e: {  	v11 =	vadd.f32 $1.909000020e+01, v11;
	v43 =	vadd.f32 v37, v20  }
0x22f: {  	v19 =	vmul.f32 $1.442695020e+00, v19;
	v47 =	vadd.f32 v40, v14;
	v44 =	vand.u32 $0x7FFFFFFF, v29  }
0x230: {  	v46 =	vld.idx.msk [tilespmem:v6+s21+$0x0], $0xffff;
	v20 =	vadd.f32 $9.999999970e-07, v43;
	v27 =	vadd.f32 $1.909000020e+01, v44  }
0x231: {  	v48 =	vld.idx.msk [tilespmem:v4+s21+$0x0], $0xffff;
	(erf) = vpow2.f32 v19;
	v19 =	vadd.f32 $9.999999970e-07, v47;
	v49 =	vsub.f32 v24, v42  }
0x232: {  	(erf) = vrcp.f32 v20;
	v52 =	vsub.f32 v22, v28;
	v27 =	vmul.f32 v27, v27  }
0x233: {  	v11 =	vmul.f32 v11, v11;
	(erf) = vrcp.f32 v19;
	v51 =	vand.u32 $0x7FFFFFFF, v49  }
0x234: {  	v53 =	vld.idx.msk [tilespmem:v5+s21+$0x0], $0xffff;
	v19 =	vand.u32 $0x7FFFFFFF, v52;
	v50 =	vmul.f32 $-3.928347030e-03, v27;
	v27 =	vadd.f32 $1.909000020e+01, v51  }
0x235: {  	v11 =	vmul.f32 $-3.928347030e-03, v11;
	v54 =	vadd.f32 v46, v9;
	v19 =	vadd.f32 $1.909000020e+01, v19  }
0x236: {  	v55 =	vadd.f32 v48, v21;
	v20 =	vmul.f32 $1.442695020e+00, v50;
	v27 =	vmul.f32 v27, v27  }
0x237: {  	v11 =	vmul.f32 $1.442695020e+00, v11;
	v9 =	vadd.f32 $9.999999970e-07, v54;
	v57 =	vmul.f32 v19, v19  }
0x238: {  	v56 =	vadd.f32 $9.999999970e-07, v55;
	(erf) = vpow2.f32 v20;
	v27 =	vmul.f32 $-3.928347030e-03, v27  }
0x239: {  	v58 =	vadd.f32 v53, v26;
	(erf) = vpow2.f32 v11;
	v11 =	vmul.f32 $-3.928347030e-03, v57  }
0x23a: {  	(erf) = vrcp.f32 v56;
	v59 =	vmul.f32 $1.442695020e+00, v27  }
0x23b: {  	v60 =	vadd.f32 $9.999999970e-07, v58;
	(erf) = vrcp.f32 v9  }
0x23c: {  	(erf) = vpow2.f32 v59  }
0x23d: {  	v61 =	vmul.f32 $1.442695020e+00, v11;
	(erf) = vrcp.f32 v60  }
0x23e: {  	v11 =	vpop (erf)  }
0x23f: {  	v62 =	vpop (erf);
	(erf) = vpow2.f32 v61  }
0x240: {  	v63 =	vpop (erf)  }
0x241: {  	v33 =	vpop (erf)  }
0x242: {  	v34 =	vpop (erf)  }
0x243: {  	v35 =	vpop (erf)  }
0x244: {  	v36 =	vpop (erf)  }
0x245: {  	v37 =	vpop (erf)  }
0x246: {  	v30 =	vmul.f32 $2.049999950e+00, v37;
	v38 =	vpop (erf)  }
0x247: {  	v31 =	vmul.f32 $-7.500000000e+00, v38  }
0x248: {  	v39 =	vpop (erf);
	[tilespmem:s24+$0xFFFFFFE0] =	vst v30  }
0x249: {  	v30 =	vmul.f32 $2.049999950e+00, v39;
	[tilespmem:s25+$0xFFFFFFE0] =	vst v31  }
0x24a: {  	v28 =	vmul.f32 $-7.500000000e+00, v35;
	v31 =	vld.idx.msk [tilespmem:v6+s19+$0x0], $0xffff  }
0x24b: {  	[tilespmem:s24+$0x40] =	vst v30  }
0x24c: {  	[tilespmem:s25+$0x40] =	vst v28  }
0x24d: {  	v28 =	vld.idx.msk [tilespmem:v5+s19+$0x0], $0xffff;
	_ =	sdelay $0x1  }
0x24e: {  	v40 =	vsub.f32 v24, v31;
	_ =	sdelay $0x1  }
0x24f: {  	v24 =	vand.u32 $0x7FFFFFFF, v40  }
0x250: {  	v41 =	vld.idx.msk [tilespmem:v6+s21+$0x0], $0xffff;
	v28 =	vsub.f32 v22, v28;
	v24 =	vadd.f32 $1.909000020e+01, v24  }
0x251: {  	v42 =	vld.idx.msk [tilespmem:v5+s21+$0x0], $0xffff  }
0x252: {  	v28 =	vand.u32 $0x7FFFFFFF, v28;
	v24 =	vmul.f32 v24, v24  }
0x253: {  	v28 =	vadd.f32 $1.909000020e+01, v28  }
0x254: {  	v24 =	vmul.f32 $-3.928347030e-03, v24  }
0x255: {  	v26 =	vadd.f32 v41, v26;
	v28 =	vmul.f32 v28, v28  }
0x256: {  	v43 =	vadd.f32 v42, v21;
	v24 =	vmul.f32 $1.442695020e+00, v24  }
0x257: {  	v26 =	vadd.f32 $9.999999970e-07, v26;
	v28 =	vmul.f32 $-3.928347030e-03, v28  }
0x258: {  	v44 =	vadd.f32 $9.999999970e-07, v43;
	(erf) = vpow2.f32 v24  }
0x259: {  	v45 =	vmul.f32 $1.442695020e+00, v28;
	(erf) = vrcp.f32 v26  }
0x25a: {  	(erf) = vrcp.f32 v44  }
0x25b: {  	(erf) = vpow2.f32 v45;
	_ =	sdelay $0x5  }
0x25c: {  	v46 =	vpop (erf)  }
0x25d: {  	v47 =	vpop (erf)  }
0x25e: {  	v20 =	vmul.f32 $2.049999950e+00, v33;
	v48 =	vpop (erf)  }
0x25f: {  	v9 =	vmul.f32 $-7.500000000e+00, v63;
	v49 =	vpop (erf)  }
0x260: {  	[tilespmem:s13+$0x50] =	vst v20;
	v50 =	vmul.f32 $2.049999950e+00, v49  }
0x261: {  	[tilespmem:s23+$0x50] =	vst v9;
	v51 =	vmul.f32 $-7.500000000e+00, v48  }
0x262: {  	v52 =	vld.idx.msk [tilespmem:v6+s19+$0x0], $0xffff;
	[tilespmem:s24+$0x50] =	vst v50  }
0x263: {  	[tilespmem:s25+$0x50] =	vst v51  }
0x264: {  	v9 =	vld.idx.msk [tilespmem:v6+s19+$0x0], $0xffff;
	_ =	sdelay $0x2  }
0x265: {  	v53 =	vsub.f32 v13, v52;
	_ =	sdelay $0x1  }
0x266: {  	v13 =	vand.u32 $0x7FFFFFFF, v53;
	v9 =	vsub.f32 v22, v9  }
0x267: {  	v54 =	vld.idx.msk [tilespmem:v6+s21+$0x0], $0xffff;
	v13 =	vadd.f32 $1.909000020e+01, v13  }
0x268: {  	v9 =	vand.u32 $0x7FFFFFFF, v9  }
0x269: {  	v10 =	vmul.f32 $2.049999950e+00, v10;
	v13 =	vmul.f32 v13, v13;
	v56 =	vld.idx.msk [tilespmem:v6+s21+$0x0], $0xffff;
	v9 =	vadd.f32 $1.909000020e+01, v9  }
0x26a: {  	v12 =	vmul.f32 $-7.500000000e+00, v12;
	v17 =	vmul.f32 $2.049999950e+00, v17  }
0x26b: {  	[tilespmem:s26+$0x60] =	vst v25;
	v13 =	vmul.f32 $-3.928347030e-03, v13;
	v9 =	vmul.f32 v9, v9  }
0x26c: {  	[tilespmem:s18+$0xFFFFFFF0] =	vst v10;
	v18 =	vmul.f32 $-7.500000000e+00, v18;
	v8 =	vmul.f32 $2.049999950e+00, v8;
	v57 =	vadd.f32 v54, v14  }
0x26d: {  	[tilespmem:s28+$0xFFFFFFF0] =	vst v12;
	v58 =	vmul.f32 $1.442695020e+00, v13;
	v9 =	vmul.f32 $-3.928347030e-03, v9  }
0x26e: {  	[tilespmem:s29+$0xFFFFFFF0] =	vst v8;
	v8 =	vmul.f32 $2.049999950e+00, v15;
	v59 =	vadd.f32 $9.999999970e-07, v57;
	v60 =	vadd.f32 v56, v21  }
0x26f: {  	[tilespmem:s14+$0x60] =	vst v17;
	(erf) = vpow2.f32 v58;
	v9 =	vmul.f32 $1.442695020e+00, v9  }
0x270: {  	[tilespmem:s20+$0x60] =	vst v18;
	v7 =	vmul.f32 $-7.500000000e+00, v7;
	(erf) = vrcp.f32 v59;
	v61 =	vadd.f32 $9.999999970e-07, v60  }
0x271: {  	[tilespmem:s18+$0x60] =	vst v8;
	v8 =	vmul.f32 $2.049999950e+00, v11;
	(erf) = vpow2.f32 v9  }
0x272: {  	[tilespmem:s30+$0xFFFFFFF0] =	vst v7;
	v7 =	vmul.f32 $-7.500000000e+00, v16;
	(erf) = vrcp.f32 v61  }
0x273: {  	[tilespmem:s13+$0xFFFFFFF0] =	vst v8;
	v8 =	vmul.f32 $2.049999950e+00, v34  }
0x274: {  	[tilespmem:s28+$0x60] =	vst v7;
	v7 =	vmul.f32 $-7.500000000e+00, v62  }
0x275: {  	v55 =	vmul.f32 $-7.500000000e+00, v23;
	[tilespmem:s29+$0x60] =	vst v8;
	v8 =	vmul.f32 $2.049999950e+00, v46  }
0x276: {  	[tilespmem:s23+$0xFFFFFFF0] =	vst v7;
	v7 =	vmul.f32 $-7.500000000e+00, v36  }
0x277: {  	[tilespmem:s17+$0x60] =	vst v55  }
0x278: {  	[tilespmem:s30+$0x60] =	vst v7;
	v7 =	vmul.f32 $-7.500000000e+00, v47;
	v62 =	vpop (erf)  }
0x279: {  	[tilespmem:s24+$0xFFFFFFF0] =	vst v8;
	v8 =	vpop (erf);
	v9 =	vmul.f32 $2.049999950e+00, v62  }
0x27a: {  	[tilespmem:s25+$0xFFFFFFF0] =	vst v7;
	v7 =	vmul.f32 $-7.500000000e+00, v8;
	v8 =	vpop (erf)  }
0x27b: {  	[tilespmem:s13+$0x60] =	vst v9;
	v63 =	vpop (erf);
	v8 =	vmul.f32 $2.049999950e+00, v8  }
0x27c: {  	[tilespmem:s23+$0x60] =	vst v7;
	v7 =	vmul.f32 $-7.500000000e+00, v63  }
0x27d: {  	[tilespmem:s24+$0x60] =	vst v8  }
0x27e: {  	[tilespmem:s25+$0x60] =	vst v7  }
0x27f: {  	s14 =	simm.s32 $0x0;
	s28 =	simm.s32 $0x1E380;
	s13 =	rddreg [dreg:$0x8]  }
0x280: {  	[tilespmem:s28], [sflag:$0x2] =	stream.linear.gather [hbm4b:s13+s14], $0x320, $0x38;
	[tilespmem:$0x1FF80] =	vst v63  }
0x281: {  	s29 =	simm.s32 $0x1EA80;
	s24 =	rddreg [dreg:$0x9]  }
0x282: {  	[tilespmem:s29], [sflag:$0x4] =	stream.linear.gather [hbm4b:s24+s14], $0x320, $0x38;
	[tilespmem:$0x1FF80] =	vst v63  }
0x283: {  	s26 =	simm.s32 $0x1;
	s30 =	simm.s32 $0x1F180;
	s25 =	rddreg [dreg:$0xa]  }
0x284: {  	[tilespmem:s30], [sflag:$0x6] =	stream.linear.gather [hbm4b:s25+s14], $0x320, $0x38;
	[tilespmem:$0x1FF80] =	vst v63  }
0x285: {  	_ =	swait.ge [sflag:s26], $0x18700  }
0x286: {  	[sflag:s26] =	ssyncset.done $0x0  }
0x287: {  	[sflag:s26] =	ssyncadd.s32 $0xFFFE7900  }
.LBB2_4:
0x288: {  	s13 =	smul.u32 $0x640, s14;
	_ =	sdelay $0x1  }
0x289: {  	s17 =	sadd.s32 s13, s15  }
0x28a: {  	s17 =	sshrl.u32 s17, $0x3  }
0x28b: {  	s20 =	simm.s32 $0x1E700;
	s18 =	sadd.s32 s6, s17  }
0x28c: {  	[tilespmem:s20], [sflag:$0x3] =	stream.linear.gather [hbm4b:s18+s5], $0x320, $0x38;
	[tilespmem:$0x1FF80] =	vst v63  }
0x28d: {  	s24 =	simm.s32 $0x1EE00;
	s23 =	sadd.s32 s7, s17  }
0x28e: {  	[tilespmem:s24], [sflag:$0x5] =	stream.linear.gather [hbm4b:s23+s5], $0x320, $0x38;
	[tilespmem:$0x1FF80] =	vst v63  }
0x28f: {  	s26 =	simm.s32 $0x1F500;
	s25 =	sadd.s32 s2, s17  }
0x290: {  	[tilespmem:s26], [sflag:$0x7] =	stream.linear.gather [hbm4b:s25+s5], $0x320, $0x38;
	[tilespmem:$0x1FF80] =	vst v63  }
0x291: {  	_ =	swait.ge [sflag:s31], $0x320  }
0x292: {  	[sflag:s31] =	ssyncset.done $0x0  }
0x293: {  	[sflag:s31] =	ssyncadd.s32 $0xFFFFFCE0  }
0x294: {  	_ =	swait.ge [sflag:s0], $0x320  }
0x295: {  	[sflag:s0] =	ssyncset.done $0x0  }
0x296: {  	[sflag:s0] =	ssyncadd.s32 $0xFFFFFCE0  }
0x297: {  	_ =	swait.ge [sflag:s3], $0x320  }
0x298: {  	p0 =	seq.s32 s14, $0x0;
	[sflag:s3] =	ssyncset.done $0x0  }
0x299: {  	s18 =	simm.s32 @!p0 $0x8;
	[sflag:s3] =	ssyncadd.s32 $0xFFFFFCE0  }
0x29a: {  	_ =	swait.ge @!p0 [sflag:s18], $0x320  }
0x29b: {  	[sflag:s18] =	ssyncset.done @!p0 $0x0  }
0x29c: {  	s20 =	simm.s32 $0x1E3A0;
	[sflag:s18] =	ssyncadd.s32 @!p0 $0xFFFFFCE0  }
0x29d: {  	v7 =	vld [tilespmem:s20+$0xFFFFFFF0]  }
0x29e: {  	s23 =	simm.s32 $0x1EAA0;
	v8 =	vld [tilespmem:s20+$0xFFFFFFE0]  }
0x29f: {  	v9 =	vld [tilespmem:s23+$0x20]  }
0x2a0: {  	v10 =	vld [tilespmem:s23+$0xFFFFFFE0]  }
0x2a1: {  	v11 =	vld [tilespmem:s20+$0x20]  }
0x2a2: {  	v12 =	vld [tilespmem:s23+$0x10]  }
0x2a3: {  	v13 =	vld [tilespmem:s23+$0x0]  }
0x2a4: {  	v14 =	vld [tilespmem:s20+$0x10]  }
0x2a5: {  	v15 =	vld [tilespmem:s20+$0x0]  }
0x2a6: {  	v16 =	vld [tilespmem:s23+$0xFFFFFFF0]  }
0x2a7: {  	v8 =	vld.idx.msk [tilespmem:v8+s5+$0x0], $0xffff  }
0x2a8: {  	v10 =	vld.idx.msk [tilespmem:v10+s5+$0x0], $0xffff  }
0x2a9: {  	v11 =	vld.idx.msk [tilespmem:v11+s5+$0x0], $0xffff  }
0x2aa: {  	v12 =	vld.idx.msk [tilespmem:v12+s5+$0x0], $0xffff  }
0x2ab: {  	v9 =	vld.idx.msk [tilespmem:v9+s5+$0x0], $0xffff  }
0x2ac: {  	v17 =	vld.idx.msk [tilespmem:v14+s5+$0x0], $0xffff  }
0x2ad: {  	v15 =	vld.idx.msk [tilespmem:v15+s5+$0x0], $0xffff;
	v8 =	vmul.u32 $0x70, v8  }
0x2ae: {  	s26 =	simm.s32 $0x1EAF0;
	v7 =	vld.idx.msk [tilespmem:v7+s5+$0x0], $0xffff  }
0x2af: {  	v22 =	vld [tilespmem:s26+$0x0];
	v14 =	vadd.s32 v10, v8;
	v8 =	vmul.u32 $0x70, v11  }
0x2b0: {  	v11 =	vld.idx.msk [tilespmem:v16+s5+$0x0], $0xffff  }
0x2b1: {  	s25 =	simm.s32 $0x1E3F0;
	v26 =	vld [tilespmem:s26+$0xFFFFFFE0];
	v24 =	vadd.s32 v9, v8;
	v8 =	vmul.u32 $0x70, v17  }
0x2b2: {  	s24 =	simm.s32 $0x1F1A0;
	v27 =	vld [tilespmem:s25+$0x0]  }
0x2b3: {  	v7 =	vmul.u32 $0x70, v7;
	v9 =	vmul.u32 $0x70, v15;
	v15 =	vadd.s32 v12, v8;
	v8 =	vld [tilespmem:s24+$0xFFFFFFE0]  }
0x2b4: {  	v16 =	vld.idx.msk [tilespmem:v14+s22+$0x0], $0xffff  }
0x2b5: {  	v12 =	vld [tilespmem:s24+$0x20];
	v7 =	vadd.s32 v11, v7  }
0x2b6: {  	v11 =	vld.idx.msk [tilespmem:v24+s22+$0x0], $0xffff  }
0x2b7: {  	v10 =	vld.idx.msk [tilespmem:v13+s5+$0x0], $0xffff  }
0x2b8: {  	v30 =	vld [tilespmem:s26+$0xFFFFFFF0]  }
0x2b9: {  	v13 =	vld [tilespmem:s24+$0xFFFFFFF0];
	v8 =	vmul.f32 v16, v8  }
0x2ba: {  	v19 =	vld.idx.msk [tilespmem:v7+s22+$0x0], $0xffff  }
0x2bb: {  	v17 =	vld [tilespmem:s24+$0x10];
	v21 =	vadd.f32 $7.500000000e+00, v8;
	v8 =	vmul.f32 v11, v12  }
0x2bc: {  	v9 =	vadd.s32 v10, v9;
	v10 =	vld [tilespmem:s24+$0x0]  }
0x2bd: {  	v18 =	vld.idx.msk [tilespmem:v15+s22+$0x0], $0xffff;
	v20 =	vand.u32 $0x7FFFFFFF, v21;
	v23 =	vadd.f32 $7.500000000e+00, v8  }
0x2be: {  	v11 =	vld [tilespmem:s25+$0xFFFFFFF0];
	v20 =	vmul.f32 $4.704700110e-01, v20  }
0x2bf: {  	v8 =	vld [tilespmem:s26+$0x10];
	v13 =	vmul.f32 v19, v13;
	v25 =	vand.u32 $0x7FFFFFFF, v23  }
0x2c0: {  	v20 =	vadd.f32 $1.000000000e+00, v20;
	v19 =	vmul.f32 $4.704700110e-01, v25;
	v25 =	vld [tilespmem:s25+$0x10]  }
0x2c1: {  	v16 =	vld.idx.msk [tilespmem:v9+s22+$0x0], $0xffff;
	v29 =	vadd.f32 $7.500000000e+00, v13  }
0x2c2: {  	(erf) = vrcp.f32 v20;
	v13 =	vadd.f32 $1.000000000e+00, v19;
	v19 =	vld [tilespmem:s25+$0x20]  }
0x2c3: {  	v28 =	vmul.f32 v23, v23;
	v20 =	vld [tilespmem:s25+$0xFFFFFFE0];
	v31 =	vand.u32 $0x7FFFFFFF, v29  }
0x2c4: {  	v22 =	vld.idx.msk [tilespmem:v22+s5+$0x0], $0xffff;
	v31 =	vmul.f32 $4.704700110e-01, v31  }
0x2c5: {  	v12 =	vld [tilespmem:s26+$0x20];
	v28 =	vsub.f32 $0.0e+00, v28;
	(erf) = vrcp.f32 v13;
	v13 =	vmul.f32 v21, v21  }
0x2c6: {  	v17 =	vmul.f32 v18, v17;
	v10 =	vmul.f32 v16, v10;
	v11 =	vld.idx.msk [tilespmem:v11+s5+$0x0], $0xffff  }
0x2c7: {  	v18 =	vmul.f32 $1.442695020e+00, v28;
	v8 =	vld.idx.msk [tilespmem:v8+s5+$0x0], $0xffff;
	v16 =	vadd.f32 $1.000000000e+00, v31;
	v13 =	vsub.f32 $0.0e+00, v13  }
0x2c8: {  	v32 =	vmul.f32 v29, v29;
	v25 =	vld.idx.msk [tilespmem:v25+s5+$0x0], $0xffff  }
0x2c9: {  	v31 =	vadd.f32 $7.500000000e+00, v10;
	(erf) = vrcp.f32 v16;
	v10 =	vmul.f32 $1.442695020e+00, v13;
	v13 =	vld.idx.msk [tilespmem:v27+s5+$0x0], $0xffff  }
0x2ca: {  	v28 =	vsub.f32 $0.0e+00, v32;
	v16 =	vadd.f32 $7.500000000e+00, v17;
	(erf) = vpow2.f32 v18;
	v17 =	vld.idx.msk [tilespmem:v19+s5+$0x0], $0xffff  }
0x2cb: {  	v18 =	vpop (erf);
	(erf) = vpow2.f32 v10;
	v10 =	vld.idx.msk [tilespmem:v20+s5+$0x0], $0xffff  }
0x2cc: {  	v27 =	vmul.f32 $1.442695020e+00, v28;
	v28 =	vand.u32 $0x7FFFFFFF, v16;
	v20 =	vmul.u32 $0x70, v11  }
0x2cd: {  	v11 =	vld.idx.msk [tilespmem:v12+s5+$0x0], $0xffff;
	v12 =	vand.u32 $0x7FFFFFFF, v31;
	v19 =	vmul.f32 $7.478556030e-01, v18;
	v25 =	vmul.u32 $0x70, v25  }
0x2ce: {  	v30 =	vld.idx.msk [tilespmem:v30+s5+$0x0], $0xffff;
	v28 =	vmul.f32 $4.704700110e-01, v28;
	v33 =	vmul.f32 $4.704700110e-01, v12;
	v59 =	vpop (erf);
	v13 =	vmul.u32 $0x70, v13  }
0x2cf: {  	v26 =	vld.idx.msk [tilespmem:v26+s5+$0x0], $0xffff;
	v19 =	vadd.f32 $-9.587980060e-02, v19;
	v34 =	vmul.f32 $7.478556030e-01, v59;
	v8 =	vadd.s32 v8, v25  }
0x2d0: {  	s23 =	simm.s32 $0x1F1F0;
	v17 =	vmul.u32 $0x70, v17;
	v12 =	vadd.s32 v22, v13;
	v25 =	vmul.u32 $0x70, v10  }
0x2d1: {  	v38 =	vld [tilespmem:s23+$0x20];
	v13 =	vadd.f32 $1.000000000e+00, v28;
	v19 =	vmul.f32 v19, v18;
	v22 =	vadd.f32 $-9.587980060e-02, v34  }
0x2d2: {  	v63 =	vld [tilespmem:s23+$0xFFFFFFF0];
	v10 =	vadd.s32 v11, v17;
	v17 =	vadd.f32 $1.000000000e+00, v33  }
0x2d3: {  	(erf) = vrcp.f32 v13;
	v13 =	vadd.s32 v30, v20;
	v30 =	vld [tilespmem:s23+$0x10];
	v19 =	vadd.f32 $3.480241890e-01, v19  }
0x2d4: {  	v33 =	vld [tilespmem:s23+$0xFFFFFFE0];
	v11 =	vadd.s32 v26, v25;
	v20 =	vmul.f32 v22, v59;
	(erf) = vrcp.f32 v17;
	v25 =	vpop (erf)  }
0x2d5: {  	v26 =	vld [tilespmem:s23+$0x0];
	v17 =	vand.u32 $0x80000000, v16;
	v16 =	vmul.f32 v16, v16;
	v19 =	vmul.f32 v19, v18;
	v22 =	vpop (erf)  }
0x2d6: {  	v60 =	vld.idx.msk [tilespmem:v8+s22+$0x0], $0xffff;
	v18 =	vand.u32 $0x80000000, v31;
	v36 =	vadd.f32 $3.480241890e-01, v20;
	v28 =	vmul.f32 $7.478556030e-01, v25;
	v61 =	vpop (erf)  }
0x2d7: {  	v35 =	vld.idx.msk [tilespmem:v12+s22+$0x0], $0xffff;
	v20 =	vand.u32 $0x80000000, v23;
	v23 =	vmul.f32 v31, v31;
	v19 =	vmul.f32 v19, v61  }
0x2d8: {  	(erf) = vpow2.f32 v27;
	v16 =	vsub.f32 $0.0e+00, v16;
	v37 =	vld.idx.msk [tilespmem:v10+s22+$0x0], $0xffff;
	v62 =	vadd.f32 $-9.587980060e-02, v28  }
0x2d9: {  	v39 =	vld.idx.msk [tilespmem:v13+s22+$0x0], $0xffff;
	v31 =	vsub.f32 $1.000000000e+00, v19;
	v19 =	vand.u32 $0x80000000, v29;
	v29 =	vsub.f32 $0.0e+00, v23  }
0x2da: {  	v21 =	vand.u32 $0x80000000, v21;
	v28 =	vmul.f32 v36, v59;
	v32 =	vld.idx.msk [tilespmem:v11+s22+$0x0], $0xffff;
	v34 =	vmul.f32 v62, v25  }
0x2db: {  	v40 =	vmul.f32 $1.442695020e+00, v16;
	v23 =	vld.idx.msk [tilespmem:v14+s1+$0x0], $0xffff;
	v16 =	vmul.f32 v60, v30;
	v14 =	vxor.u32 v31, v21  }
0x2dc: {  	v21 =	vmul.f32 v35, v26;
	v31 =	vadd.f32 $3.480241890e-01, v34;
	v27 =	vmul.f32 $1.442695020e+00, v29  }
0x2dd: {  	v37 =	vmul.f32 v37, v38;
	v16 =	vadd.f32 $7.500000000e+00, v16;
	v26 =	vadd.f32 $1.000000000e+00, v14;
	v29 =	vpop (erf)  }
0x2de: {  	s18 =	simm.s32 $0x1F8F0;
	s20 =	simm.s32 $0x1F8A0;
	v14 =	vadd.f32 $7.500000000e+00, v21;
	v21 =	vld.idx.msk [tilespmem:v15+s1+$0x0], $0xffff;
	(erf) = vpow2.f32 v27;
	v35 =	vmul.f32 $7.478556030e-01, v29  }
0x2df: {  	s24 =	simm.s32 $0x50;
	s26 =	simm.s32 $0x1EB40;
	s25 =	simm.s32 $0x1E440;
	v34 =	vmul.f32 v39, v63;
	v15 =	vadd.f32 $7.500000000e+00, v37;
	v27 =	vld.idx.msk [tilespmem:v24+s1+$0x0], $0xffff;
	v30 =	vpop (erf);
	(erf) = vpow2.f32 v40  }
.LBB2_5:
0x2e0: {  	v36 =	vld [tilespmem:s25+$0xFFFFFFF0];
	v24 =	vmul.f32 v32, v33;
	v32 =	vmul.f32 $7.478556030e-01, v30;
	v33 =	vadd.f32 $-9.587980060e-02, v35  }
0x2e1: {  	s24 =	sadd.s32 $0x50, s24;
	v23 =	vmul.f32 v26, v23;
	v25 =	vmul.f32 v31, v25;
	v35 =	vld [tilespmem:s26+$0x20];
	v37 =	vand.u32 $0x7FFFFFFF, v15  }
0x2e2: {  	v31 =	vld [tilespmem:s26+$0x10];
	v24 =	vadd.f32 $7.500000000e+00, v24;
	v37 =	vmul.f32 $4.704700110e-01, v37;
	v32 =	vadd.f32 $-9.587980060e-02, v32  }
0x2e3: {  	p1 =	slt.u32 s24, $0x2D0;
	v26 =	vadd.f32 $7.500000000e+00, v34;
	v34 =	vmul.f32 v15, v15;
	v38 =	vld [tilespmem:s26+$0x0];
	[tilespmem:s20+$0xFFFFFFE0] =	vst v23;
	v23 =	vmul.f32 v33, v29  }
0x2e4: {  	v33 =	vld [tilespmem:s26+$0xFFFFFFE0];
	v39 =	vand.u32 $0x7FFFFFFF, v24;
	v40 =	vmul.f32 v24, v24;
	v32 =	vmul.f32 v32, v30;
	v41 =	vpop (erf)  }
0x2e5: {  	v34 =	vsub.f32 $0.0e+00, v34;
	v37 =	vadd.f32 $1.000000000e+00, v37;
	v42 =	vld [tilespmem:s26+$0xFFFFFFF0];
	v39 =	vmul.f32 $4.704700110e-01, v39  }
0x2e6: {  	v22 =	vmul.f32 v28, v22;
	v43 =	vld [tilespmem:s25+$0xFFFFFFE0];
	v40 =	vsub.f32 $0.0e+00, v40;
	v46 =	vadd.f32 $3.480241890e-01, v32  }
0x2e7: {  	v25 =	vmul.f32 v25, v41;
	v23 =	vadd.f32 $3.480241890e-01, v23;
	v28 =	vld [tilespmem:s25+$0x10];
	v39 =	vadd.f32 $1.000000000e+00, v39;
	v41 =	vpop (erf)  }
0x2e8: {  	v45 =	vand.u32 $0x7FFFFFFF, v26;
	v44 =	vld [tilespmem:s25+$0x0];
	v40 =	vmul.f32 $1.442695020e+00, v40;
	v30 =	vmul.f32 v46, v30;
	v32 =	vpop (erf)  }
0x2e9: {  	v25 =	vsub.f32 $1.000000000e+00, v25;
	v23 =	vmul.f32 v23, v29;
	v46 =	vld [tilespmem:s25+$0x20];
	(erf) = vrcp.f32 v39  }
0x2ea: {  	v22 =	vsub.f32 $1.000000000e+00, v22;
	v29 =	vld.idx.msk [tilespmem:v31+s5+$0x0], $0xffff;
	v31 =	vmul.f32 $4.704700110e-01, v45;
	v30 =	vmul.f32 v30, v41  }
0x2eb: {  	v39 =	vmul.f32 v26, v26;
	v19 =	vxor.u32 v25, v19;
	v23 =	vmul.f32 v23, v32;
	v25 =	vld.idx.msk [tilespmem:v9+s1+$0x0], $0xffff  }
0x2ec: {  	v20 =	vxor.u32 v22, v20;
	v9 =	vmovc v12;
	v31 =	vadd.f32 $1.000000000e+00, v31;
	(erf) = vrcp.f32 v37;
	v32 =	vld.idx.msk [tilespmem:v7+s1+$0x0], $0xffff;
	v7 =	vmovc v13  }
0x2ed: {  	v20 =	vadd.f32 $1.000000000e+00, v20;
	v13 =	vmul.f32 $1.442695020e+00, v34;
	v22 =	vsub.f32 $1.000000000e+00, v30;
	v12 =	vld.idx.msk [tilespmem:v36+s5+$0x0], $0xffff  }
0x2ee: {  	v23 =	vsub.f32 $1.000000000e+00, v23;
	v34 =	vsub.f32 $0.0e+00, v39;
	v30 =	vld.idx.msk [tilespmem:v38+s5+$0x0], $0xffff;
	(erf) = vrcp.f32 v31  }
0x2ef: {  	v28 =	vld.idx.msk [tilespmem:v28+s5+$0x0], $0xffff;
	(erf) = vpow2.f32 v13;
	v13 =	vxor.u32 v22, v18;
	v18 =	vmul.f32 v20, v27  }
0x2f0: {  	v17 =	vxor.u32 v23, v17;
	v27 =	vmul.f32 $1.442695020e+00, v34;
	v20 =	vld.idx.msk [tilespmem:v44+s5+$0x0], $0xffff;
	v13 =	vadd.f32 $1.000000000e+00, v13  }
0x2f1: {  	v19 =	vadd.f32 $1.000000000e+00, v19;
	v17 =	vadd.f32 $1.000000000e+00, v17;
	v22 =	vld.idx.msk [tilespmem:v46+s5+$0x0], $0xffff;
	(erf) = vpow2.f32 v40;
	[tilespmem:s20+$0x20] =	vst v18  }
0x2f2: {  	v18 =	vld.idx.msk [tilespmem:v43+s5+$0x0], $0xffff;
	v31 =	vpop (erf);
	v13 =	vmul.f32 v13, v25  }
0x2f3: {  	v17 =	vmul.f32 v17, v21;
	v34 =	vmul.u32 $0x70, v12;
	v35 =	vld.idx.msk [tilespmem:v35+s5+$0x0], $0xffff;
	v12 =	vmul.f32 $7.478556030e-01, v31  }
0x2f4: {  	s23 =	sadd.s32 $0x50, s23;
	v23 =	vand.u32 $0x7FFFFFFF, v14;
	v19 =	vmul.f32 v19, v32;
	v25 =	vand.u32 $0x7FFFFFFF, v16;
	v21 =	vld.idx.msk [tilespmem:v33+s5+$0x0], $0xffff;
	[tilespmem:s20+$0x0] =	vst v13  }
0x2f5: {  	v32 =	vmul.f32 $4.704700110e-01, v25;
	v28 =	vmul.u32 $0x70, v28;
	v13 =	vld.idx.msk [tilespmem:v42+s5+$0x0], $0xffff;
	v12 =	vadd.f32 $-9.587980060e-02, v12;
	v33 =	vpop (erf);
	[tilespmem:s20+$0x10] =	vst v17  }
0x2f6: {  	v17 =	vmul.u32 $0x70, v20;
	v20 =	vmul.f32 $4.704700110e-01, v23;
	v36 =	vmul.f32 $7.478556030e-01, v33;
	[tilespmem:s20+$0xFFFFFFF0] =	vst v19;
	s20 =	smov.u32 s18  }
0x2f7: {  	v37 =	vadd.s32 v29, v28;
	v19 =	vmul.u32 $0x70, v22;
	v29 =	vmul.f32 v12, v31;
	v25 =	vpop (erf)  }
0x2f8: {  	v18 =	vmul.u32 $0x70, v18;
	v12 =	vadd.s32 v30, v17;
	v17 =	vadd.f32 $1.000000000e+00, v32;
	v23 =	vld.idx.msk [tilespmem:v11+s1+$0x0], $0xffff;
	v22 =	vpop (erf)  }
0x2f9: {  	v39 =	vadd.s32 v35, v19;
	v19 =	vadd.f32 $1.000000000e+00, v20;
	v20 =	vadd.f32 $-9.587980060e-02, v36;
	v38 =	vld [tilespmem:s23+$0xFFFFFFF0]  }
0x2fa: {  	v11 =	vadd.s32 v21, v18;
	v18 =	vadd.f32 $3.480241890e-01, v29;
	v21 =	vld [tilespmem:s23+$0x0];
	v28 =	vpop (erf);
	(erf) = vrcp.f32 v17  }
0x2fb: {  	v13 =	vadd.s32 v13, v34;
	v20 =	vmul.f32 v20, v33;
	v29 =	vld [tilespmem:s23+$0x10];
	(erf) = vrcp.f32 v19  }
0x2fc: {  	v17 =	vand.u32 $0x80000000, v16;
	v19 =	vmul.f32 v18, v31;
	v31 =	vmul.f32 $7.478556030e-01, v25;
	v30 =	vld.idx.msk [tilespmem:v37+s22+$0x0], $0xffff  }
0x2fd: {  	v16 =	vmul.f32 v16, v16;
	v18 =	vand.u32 $0x80000000, v14;
	v32 =	vadd.f32 $3.480241890e-01, v20;
	v34 =	vld.idx.msk [tilespmem:v12+s22+$0x0], $0xffff  }
0x2fe: {  	v20 =	vand.u32 $0x80000000, v15;
	v19 =	vmul.f32 v19, v28;
	v31 =	vadd.f32 $-9.587980060e-02, v31;
	v35 =	vld.idx.msk [tilespmem:v39+s22+$0x0], $0xffff  }
0x2ff: {  	v14 =	vmul.f32 v14, v14;
	v16 =	vsub.f32 $0.0e+00, v16;
	v28 =	vmul.f32 v32, v33;
	v15 =	vld [tilespmem:s23+$0x20]  }
0x300: {  	v40 =	vsub.f32 $1.000000000e+00, v19;
	v31 =	vmul.f32 v31, v25;
	v19 =	vand.u32 $0x80000000, v26;
	v36 =	vld.idx.msk [tilespmem:v13+s22+$0x0], $0xffff  }
0x301: {  	v24 =	vand.u32 $0x80000000, v24;
	v14 =	vsub.f32 $0.0e+00, v14;
	v41 =	vmul.f32 $1.442695020e+00, v16;
	v32 =	vld.idx.msk [tilespmem:v11+s22+$0x0], $0xffff  }
.Ltmp1:
0x302: {  	v16 =	vmul.f32 v30, v29;
	v24 =	vxor.u32 v40, v24;
	v33 =	vld [tilespmem:s23+$0xFFFFFFE0];
	(erf) = vpow2.f32 v27;
	(pc) =	sbr.rel @p1 .LBB2_5-.Ltmp1, $4  }
0x303: {  	v31 =	vadd.f32 $3.480241890e-01, v31;
	v21 =	vmul.f32 v34, v21;
	v27 =	vmul.f32 $1.442695020e+00, v14;
	v29 =	vpop (erf)  }
0x304: {  	v26 =	vadd.f32 $1.000000000e+00, v24;
	v15 =	vmul.f32 v35, v15;
	v35 =	vmul.f32 $7.478556030e-01, v29;
	v30 =	vpop (erf)  }
0x305: {  	v16 =	vadd.f32 $7.500000000e+00, v16;
	v14 =	vadd.f32 $7.500000000e+00, v21;
	v21 =	vld.idx.msk [tilespmem:v8+s1+$0x0], $0xffff;
	(erf) = vpow2.f32 v27;
	v8 =	vmovc v37  }
0x306: {  	s26 =	sadd.s32 $0x50, s26;
	s25 =	sadd.s32 $0x50, s25;
	s18 =	sadd.s32 $0x50, s18;
	v34 =	vmul.f32 v36, v38;
	v15 =	vadd.f32 $7.500000000e+00, v15;
	v27 =	vld.idx.msk [tilespmem:v10+s1+$0x0], $0xffff;
	(erf) = vpow2.f32 v41;
	v10 =	vmovc v39  }
0x307: {  	v24 =	vmul.f32 v32, v33  }
0x308: {  	v38 =	vmul.f32 $7.478556030e-01, v30;
	v25 =	vmul.f32 v31, v25  }
0x309: {  	v35 =	vadd.f32 $-9.587980060e-02, v35;
	v22 =	vmul.f32 v28, v22;
	v23 =	vmul.f32 v26, v23  }
0x30a: {  	v39 =	vand.u32 $0x7FFFFFFF, v15;
	v34 =	vadd.f32 $7.500000000e+00, v34;
	v24 =	vadd.f32 $7.500000000e+00, v24  }
0x30b: {  	v37 =	vmul.f32 v15, v15;
	v32 =	vadd.f32 $-9.587980060e-02, v38;
	v31 =	vmul.f32 $4.704700110e-01, v39  }
0x30c: {  	v35 =	vmul.f32 v35, v29;
	v43 =	vand.u32 $0x7FFFFFFF, v34;
	v40 =	vand.u32 $0x7FFFFFFF, v24  }
0x30d: {  	v45 =	vsub.f32 $0.0e+00, v37;
	v36 =	vmul.f32 v24, v24;
	v33 =	vmul.f32 $4.704700110e-01, v40  }
0x30e: {  	v26 =	vmul.f32 v34, v34;
	v32 =	vmul.f32 v32, v30;
	v41 =	vadd.f32 $3.480241890e-01, v35  }
0x30f: {  	v38 =	vpop (erf);
	v44 =	vmul.f32 $4.704700110e-01, v43;
	v36 =	vsub.f32 $0.0e+00, v36;
	v28 =	vadd.f32 $1.000000000e+00, v33  }
0x310: {  	v25 =	vmul.f32 v25, v38;
	v46 =	vmul.f32 $1.442695020e+00, v45;
	v32 =	vadd.f32 $3.480241890e-01, v32  }
0x311: {  	v31 =	vadd.f32 $1.000000000e+00, v31;
	v42 =	vmul.f32 $1.442695020e+00, v36;
	(erf) = vrcp.f32 v28  }
0x312: {  	v22 =	vsub.f32 $1.000000000e+00, v22;
	v30 =	vmul.f32 v32, v30;
	v28 =	vmul.f32 v41, v29  }
0x313: {  	v48 =	vpop (erf);
	v29 =	vadd.f32 $1.000000000e+00, v44;
	(erf) = vrcp.f32 v31;
	v31 =	vand.u32 $0x7FFFFFFF, v16  }
0x314: {  	v47 =	vand.u32 $0x7FFFFFFF, v14;
	v30 =	vmul.f32 v30, v48;
	v31 =	vmul.f32 $4.704700110e-01, v31  }
0x315: {  	v20 =	vxor.u32 v22, v20;
	(erf) = vrcp.f32 v29;
	v29 =	vmul.f32 $4.704700110e-01, v47  }
0x316: {  	v49 =	vpop (erf);
	(erf) = vpow2.f32 v46;
	v22 =	vsub.f32 $1.000000000e+00, v30;
	v31 =	vadd.f32 $1.000000000e+00, v31  }
0x317: {  	v28 =	vmul.f32 v28, v49;
	(erf) = vpow2.f32 v42;
	v29 =	vadd.f32 $1.000000000e+00, v29  }
0x318: {  	v9 =	vld.idx.msk [tilespmem:v9+s1+$0x0], $0xffff;
	v20 =	vadd.f32 $1.000000000e+00, v20;
	v26 =	vsub.f32 $0.0e+00, v26;
	(erf) = vrcp.f32 v31  }
0x319: {  	v28 =	vsub.f32 $1.000000000e+00, v28;
	v18 =	vxor.u32 v22, v18;
	(erf) = vrcp.f32 v29  }
0x31a: {  	v25 =	vsub.f32 $1.000000000e+00, v25;
	v18 =	vadd.f32 $1.000000000e+00, v18;
	v22 =	vpop (erf)  }
0x31b: {  	v17 =	vxor.u32 v28, v17;
	v29 =	vmul.f32 v14, v14;
	v28 =	vmul.f32 $7.478556030e-01, v22  }
0x31c: {  	v20 =	vmul.f32 v20, v27;
	v31 =	vmul.f32 v16, v16;
	v17 =	vadd.f32 $1.000000000e+00, v17  }
0x31d: {  	v26 =	vmul.f32 $1.442695020e+00, v26;
	v9 =	vmul.f32 v18, v9;
	v29 =	vsub.f32 $0.0e+00, v29;
	v27 =	vpop (erf)  }
0x31e: {  	v31 =	vsub.f32 $0.0e+00, v31;
	v17 =	vmul.f32 v17, v21;
	v30 =	vpop (erf);
	v18 =	vadd.f32 $-9.587980060e-02, v28  }
0x31f: {  	(erf) = vpow2.f32 v26;
	v29 =	vmul.f32 $1.442695020e+00, v29;
	v28 =	vpop (erf)  }
0x320: {  	v7 =	vld.idx.msk [tilespmem:v7+s1+$0x0], $0xffff;
	v19 =	vxor.u32 v25, v19;
	v25 =	vmul.f32 $1.442695020e+00, v31;
	v18 =	vmul.f32 v18, v22;
	v50 =	vpop (erf)  }
0x321: {  	v21 =	vmul.f32 $7.478556030e-01, v27;
	(erf) = vpow2.f32 v29;
	v51 =	vpop (erf)  }
0x322: {  	(erf) = vpow2.f32 v25;
	v25 =	vmul.f32 $7.478556030e-01, v30;
	v18 =	vadd.f32 $3.480241890e-01, v18;
	v26 =	vpop (erf)  }
0x323: {  	v19 =	vadd.f32 $1.000000000e+00, v19;
	v21 =	vadd.f32 $-9.587980060e-02, v21;
	v29 =	vmul.f32 $7.478556030e-01, v26  }
0x324: {  	v31 =	vmul.f32 $7.478556030e-01, v51;
	v18 =	vmul.f32 v18, v22;
	v22 =	vadd.f32 $-9.587980060e-02, v25  }
0x325: {  	v7 =	vmul.f32 v19, v7;
	v19 =	vmul.f32 v21, v27;
	v29 =	vadd.f32 $-9.587980060e-02, v29  }
0x326: {  	v21 =	vadd.f32 $-9.587980060e-02, v31;
	v22 =	vmul.f32 v22, v30  }
0x327: {  	v15 =	vand.u32 $0x80000000, v15;
	v19 =	vadd.f32 $3.480241890e-01, v19;
	v25 =	vmul.f32 v29, v26  }
0x328: {  	v24 =	vand.u32 $0x80000000, v24;
	v21 =	vmul.f32 v21, v51;
	v22 =	vadd.f32 $3.480241890e-01, v22  }
0x329: {  	v16 =	vand.u32 $0x80000000, v16;
	v19 =	vmul.f32 v19, v27;
	v25 =	vadd.f32 $3.480241890e-01, v25  }
0x32a: {  	v18 =	vmul.f32 v18, v50;
	v21 =	vadd.f32 $3.480241890e-01, v21;
	v22 =	vmul.f32 v22, v30  }
0x32b: {  	v14 =	vand.u32 $0x80000000, v14;
	v27 =	vpop (erf);
	v19 =	vmul.f32 v19, v28;
	v25 =	vmul.f32 v25, v26  }
0x32c: {  	v11 =	vld.idx.msk [tilespmem:v11+s1+$0x0], $0xffff;
	v18 =	vsub.f32 $1.000000000e+00, v18;
	v21 =	vmul.f32 v21, v51;
	v26 =	vpop (erf);
	v22 =	vmul.f32 v22, v27  }
0x32d: {  	v10 =	vld.idx.msk [tilespmem:v10+s1+$0x0], $0xffff;
	v28 =	vand.u32 $0x80000000, v34;
	v19 =	vsub.f32 $1.000000000e+00, v19;
	v29 =	vpop (erf);
	v25 =	vmul.f32 v25, v26  }
0x32e: {  	v13 =	vld.idx.msk [tilespmem:v13+s1+$0x0], $0xffff;
	[tilespmem:s20+$0x0] =	vst v9;
	v18 =	vxor.u32 v18, v24;
	v21 =	vmul.f32 v21, v29;
	v9 =	vsub.f32 $1.000000000e+00, v22  }
0x32f: {  	v12 =	vld.idx.msk [tilespmem:v12+s1+$0x0], $0xffff;
	[tilespmem:s20+$0xFFFFFFE0] =	vst v23;
	v18 =	vadd.f32 $1.000000000e+00, v18;
	v15 =	vxor.u32 v19, v15;
	v23 =	vsub.f32 $1.000000000e+00, v25  }
0x330: {  	v8 =	vld.idx.msk [tilespmem:v8+s1+$0x0], $0xffff;
	[tilespmem:s20+$0xFFFFFFF0] =	vst v7;
	v15 =	vadd.f32 $1.000000000e+00, v15;
	v19 =	vsub.f32 $1.000000000e+00, v21;
	v7 =	vxor.u32 v9, v28  }
0x331: {  	[tilespmem:s20+$0x20] =	vst v20;
	v11 =	vmul.f32 v18, v11;
	v7 =	vadd.f32 $1.000000000e+00, v7;
	v14 =	vxor.u32 v23, v14  }
0x332: {  	[tilespmem:s20+$0x10] =	vst v17;
	v9 =	vmul.f32 v15, v10;
	v16 =	vxor.u32 v19, v16;
	v14 =	vadd.f32 $1.000000000e+00, v14  }
0x333: {  	[tilespmem:s18+$0xFFFFFFE0] =	vst v11;
	v10 =	vadd.f32 $1.000000000e+00, v16;
	v7 =	vmul.f32 v7, v13  }
0x334: {  	[tilespmem:s18+$0x20] =	vst v9;
	v11 =	vmul.f32 v14, v12  }
0x335: {  	s26 =	sadd.s32 s8, s13;
	v8 =	vmul.f32 v10, v8;
	[tilespmem:s18+$0xFFFFFFF0] =	vst v7  }
0x336: {  	s24 =	sadd.s32 s13, s16;
	s20 =	sshrl.u32 s26, $0x3;
	[tilespmem:s18+$0x0] =	vst v11  }
0x337: {  	s13 =	sshrl.u32 s24, $0x3;
	s23 =	sadd.s32 s4, s20;
	[tilespmem:s18+$0x10] =	vst v8  }
0x338: {  	[hbm4b:s23+s5] =	stream.linear.scatter [tilespmem:s9], [sflag:$0x8], $0x320, $0x38;
	[tilespmem:$0x1FF80] =	vst v63  }
0x339: {  	s25 =	sadd.s32 s6, s13  }
0x33a: {  	[tilespmem:s28], [sflag:$0x2] =	stream.linear.gather [hbm4b:s25+s5], $0x320, $0x38;
	[tilespmem:$0x1FF80] =	vst v63  }
0x33b: {  	s26 =	sadd.s32 s7, s13  }
0x33c: {  	[tilespmem:s29], [sflag:$0x4] =	stream.linear.gather [hbm4b:s26+s5], $0x320, $0x38;
	[tilespmem:$0x1FF80] =	vst v63  }
0x33d: {  	s13 =	sadd.s32 s2, s13  }
0x33e: {  	[tilespmem:s30], [sflag:$0x6] =	stream.linear.gather [hbm4b:s13+s5], $0x320, $0x38;
	[tilespmem:$0x1FF80] =	vst v63  }
0x33f: {  	_ =	swait.ge [sflag:s10], $0x320  }
0x340: {  	[sflag:s10] =	ssyncset.done $0x0  }
0x341: {  	[sflag:s10] =	ssyncadd.s32 $0xFFFFFCE0  }
0x342: {  	_ =	swait.ge [sflag:s11], $0x320  }
0x343: {  	[sflag:s11] =	ssyncset.done $0x0  }
0x344: {  	[sflag:s11] =	ssyncadd.s32 $0xFFFFFCE0  }
0x345: {  	_ =	swait.ge [sflag:s12], $0x320  }
0x346: {  	[sflag:s12] =	ssyncset.done $0x0  }
0x347: {  	s13 =	simm.s32 @!p0 $0x9;
	[sflag:s12] =	ssyncadd.s32 $0xFFFFFCE0  }
0x348: {  	_ =	swait.ge @!p0 [sflag:s13], $0x320  }
0x349: {  	[sflag:s13] =	ssyncset.done @!p0 $0x0  }
0x34a: {  	s20 =	simm.s32 $0x1E720;
	[sflag:s13] =	ssyncadd.s32 @!p0 $0xFFFFFCE0  }
0x34b: {  	v7 =	vld [tilespmem:s20+$0xFFFFFFF0]  }
0x34c: {  	s23 =	simm.s32 $0x1EE20;
	v8 =	vld [tilespmem:s20+$0xFFFFFFE0]  }
0x34d: {  	v9 =	vld [tilespmem:s23+$0x20]  }
0x34e: {  	v10 =	vld [tilespmem:s23+$0xFFFFFFE0]  }
0x34f: {  	v11 =	vld [tilespmem:s20+$0x20]  }
0x350: {  	v12 =	vld [tilespmem:s23+$0x10]  }
0x351: {  	v13 =	vld [tilespmem:s23+$0x0]  }
0x352: {  	v14 =	vld [tilespmem:s20+$0x10]  }
0x353: {  	v15 =	vld [tilespmem:s20+$0x0]  }
0x354: {  	v16 =	vld [tilespmem:s23+$0xFFFFFFF0]  }
0x355: {  	v8 =	vld.idx.msk [tilespmem:v8+s5+$0x0], $0xffff  }
0x356: {  	v10 =	vld.idx.msk [tilespmem:v10+s5+$0x0], $0xffff  }
0x357: {  	v11 =	vld.idx.msk [tilespmem:v11+s5+$0x0], $0xffff  }
0x358: {  	v12 =	vld.idx.msk [tilespmem:v12+s5+$0x0], $0xffff  }
0x359: {  	v9 =	vld.idx.msk [tilespmem:v9+s5+$0x0], $0xffff  }
0x35a: {  	v17 =	vld.idx.msk [tilespmem:v14+s5+$0x0], $0xffff  }
0x35b: {  	v15 =	vld.idx.msk [tilespmem:v15+s5+$0x0], $0xffff;
	v8 =	vmul.u32 $0x70, v8  }
0x35c: {  	s26 =	simm.s32 $0x1EE70;
	v7 =	vld.idx.msk [tilespmem:v7+s5+$0x0], $0xffff  }
0x35d: {  	v22 =	vld [tilespmem:s26+$0x0];
	v14 =	vadd.s32 v10, v8;
	v8 =	vmul.u32 $0x70, v11  }
0x35e: {  	v11 =	vld.idx.msk [tilespmem:v16+s5+$0x0], $0xffff  }
0x35f: {  	s25 =	simm.s32 $0x1E770;
	v26 =	vld [tilespmem:s26+$0xFFFFFFE0];
	v24 =	vadd.s32 v9, v8;
	v8 =	vmul.u32 $0x70, v17  }
0x360: {  	s24 =	simm.s32 $0x1F520;
	v27 =	vld [tilespmem:s25+$0x0]  }
0x361: {  	v7 =	vmul.u32 $0x70, v7;
	v9 =	vmul.u32 $0x70, v15;
	v15 =	vadd.s32 v12, v8;
	v8 =	vld [tilespmem:s24+$0xFFFFFFE0]  }
0x362: {  	v16 =	vld.idx.msk [tilespmem:v14+s22+$0x0], $0xffff  }
0x363: {  	v12 =	vld [tilespmem:s24+$0x20];
	v7 =	vadd.s32 v11, v7  }
0x364: {  	v11 =	vld.idx.msk [tilespmem:v24+s22+$0x0], $0xffff  }
0x365: {  	v10 =	vld.idx.msk [tilespmem:v13+s5+$0x0], $0xffff  }
0x366: {  	v30 =	vld [tilespmem:s26+$0xFFFFFFF0]  }
0x367: {  	v13 =	vld [tilespmem:s24+$0xFFFFFFF0];
	v8 =	vmul.f32 v16, v8  }
0x368: {  	v19 =	vld.idx.msk [tilespmem:v7+s22+$0x0], $0xffff  }
0x369: {  	v17 =	vld [tilespmem:s24+$0x10];
	v21 =	vadd.f32 $7.500000000e+00, v8;
	v8 =	vmul.f32 v11, v12  }
0x36a: {  	v9 =	vadd.s32 v10, v9;
	v10 =	vld [tilespmem:s24+$0x0]  }
0x36b: {  	v18 =	vld.idx.msk [tilespmem:v15+s22+$0x0], $0xffff;
	v23 =	vadd.f32 $7.500000000e+00, v8  }
0x36c: {  	v11 =	vld [tilespmem:s25+$0xFFFFFFF0];
	v20 =	vand.u32 $0x7FFFFFFF, v21  }
0x36d: {  	v8 =	vld [tilespmem:s26+$0x10];
	v20 =	vmul.f32 $4.704700110e-01, v20;
	v13 =	vmul.f32 v19, v13;
	v25 =	vand.u32 $0x7FFFFFFF, v23  }
0x36e: {  	v19 =	vmul.f32 $4.704700110e-01, v25;
	v25 =	vld [tilespmem:s25+$0x10]  }
0x36f: {  	v16 =	vld.idx.msk [tilespmem:v9+s22+$0x0], $0xffff;
	v20 =	vadd.f32 $1.000000000e+00, v20;
	v29 =	vadd.f32 $7.500000000e+00, v13  }
0x370: {  	v13 =	vadd.f32 $1.000000000e+00, v19;
	v19 =	vld [tilespmem:s25+$0x20]  }
0x371: {  	(erf) = vrcp.f32 v20;
	v20 =	vld [tilespmem:s25+$0xFFFFFFE0];
	v31 =	vand.u32 $0x7FFFFFFF, v29  }
0x372: {  	v22 =	vld.idx.msk [tilespmem:v22+s5+$0x0], $0xffff;
	v28 =	vmul.f32 v23, v23;
	v31 =	vmul.f32 $4.704700110e-01, v31  }
0x373: {  	v12 =	vld [tilespmem:s26+$0x20];
	(erf) = vrcp.f32 v13;
	v13 =	vmul.f32 v21, v21  }
0x374: {  	v17 =	vmul.f32 v18, v17;
	v28 =	vsub.f32 $0.0e+00, v28;
	v11 =	vld.idx.msk [tilespmem:v11+s5+$0x0], $0xffff  }
0x375: {  	v10 =	vmul.f32 v16, v10;
	v8 =	vld.idx.msk [tilespmem:v8+s5+$0x0], $0xffff;
	v16 =	vadd.f32 $1.000000000e+00, v31;
	v13 =	vsub.f32 $0.0e+00, v13  }
0x376: {  	v52 =	vmul.f32 v29, v29;
	v18 =	vmul.f32 $1.442695020e+00, v28;
	v25 =	vld.idx.msk [tilespmem:v25+s5+$0x0], $0xffff  }
0x377: {  	v31 =	vadd.f32 $7.500000000e+00, v10;
	(erf) = vrcp.f32 v16;
	v10 =	vmul.f32 $1.442695020e+00, v13;
	v13 =	vld.idx.msk [tilespmem:v27+s5+$0x0], $0xffff  }
0x378: {  	v28 =	vsub.f32 $0.0e+00, v52;
	v16 =	vadd.f32 $7.500000000e+00, v17;
	(erf) = vpow2.f32 v18;
	v17 =	vld.idx.msk [tilespmem:v19+s5+$0x0], $0xffff  }
0x379: {  	(erf) = vpow2.f32 v10;
	v10 =	vld.idx.msk [tilespmem:v20+s5+$0x0], $0xffff  }
0x37a: {  	v27 =	vmul.f32 $1.442695020e+00, v28;
	v28 =	vand.u32 $0x7FFFFFFF, v16;
	v20 =	vmul.u32 $0x70, v11;
	v18 =	vpop (erf)  }
0x37b: {  	v11 =	vld.idx.msk [tilespmem:v12+s5+$0x0], $0xffff;
	v12 =	vand.u32 $0x7FFFFFFF, v31;
	v19 =	vmul.f32 $7.478556030e-01, v18;
	v25 =	vmul.u32 $0x70, v25  }
0x37c: {  	v26 =	vld.idx.msk [tilespmem:v26+s5+$0x0], $0xffff;
	v28 =	vmul.f32 $4.704700110e-01, v28;
	v54 =	vmul.f32 $4.704700110e-01, v12;
	v53 =	vpop (erf);
	v13 =	vmul.u32 $0x70, v13  }
0x37d: {  	v30 =	vld.idx.msk [tilespmem:v30+s5+$0x0], $0xffff;
	v19 =	vadd.f32 $-9.587980060e-02, v19;
	v55 =	vmul.f32 $7.478556030e-01, v53;
	v8 =	vadd.s32 v8, v25  }
0x37e: {  	s20 =	simm.s32 $0x1F570;
	v17 =	vmul.u32 $0x70, v17;
	v25 =	vmul.u32 $0x70, v10;
	v12 =	vadd.s32 v22, v13  }
0x37f: {  	v62 =	vld [tilespmem:s20+$0x20];
	v13 =	vadd.f32 $1.000000000e+00, v28;
	v19 =	vmul.f32 v19, v18;
	v22 =	vadd.f32 $-9.587980060e-02, v55  }
0x380: {  	v63 =	vld [tilespmem:s20+$0xFFFFFFF0];
	v10 =	vadd.s32 v11, v17;
	v17 =	vadd.f32 $1.000000000e+00, v54  }
0x381: {  	v33 =	vld [tilespmem:s20+$0xFFFFFFE0];
	v11 =	vadd.s32 v26, v25;
	(erf) = vrcp.f32 v13;
	v19 =	vadd.f32 $3.480241890e-01, v19  }
0x382: {  	v26 =	vld [tilespmem:s20+$0x0];
	v13 =	vadd.s32 v30, v20;
	v20 =	vmul.f32 v22, v53;
	v25 =	vpop (erf);
	(erf) = vrcp.f32 v17  }
0x383: {  	v30 =	vld [tilespmem:s20+$0x10];
	v17 =	vand.u32 $0x80000000, v16;
	v16 =	vmul.f32 v16, v16;
	v22 =	vpop (erf);
	v19 =	vmul.f32 v19, v18  }
0x384: {  	v56 =	vld.idx.msk [tilespmem:v8+s22+$0x0], $0xffff;
	v28 =	vmul.f32 $7.478556030e-01, v25;
	v18 =	vand.u32 $0x80000000, v31;
	v59 =	vadd.f32 $3.480241890e-01, v20;
	v57 =	vpop (erf)  }
0x385: {  	v58 =	vld.idx.msk [tilespmem:v12+s22+$0x0], $0xffff;
	v20 =	vand.u32 $0x80000000, v23;
	v23 =	vmul.f32 v31, v31;
	v19 =	vmul.f32 v19, v57  }
0x386: {  	(erf) = vpow2.f32 v27;
	v16 =	vsub.f32 $0.0e+00, v16;
	v60 =	vld.idx.msk [tilespmem:v10+s22+$0x0], $0xffff;
	v61 =	vadd.f32 $-9.587980060e-02, v28  }
0x387: {  	v39 =	vld.idx.msk [tilespmem:v13+s22+$0x0], $0xffff;
	v31 =	vsub.f32 $1.000000000e+00, v19;
	v19 =	vand.u32 $0x80000000, v29;
	v29 =	vsub.f32 $0.0e+00, v23  }
0x388: {  	v21 =	vand.u32 $0x80000000, v21;
	v28 =	vmul.f32 v59, v53;
	v32 =	vld.idx.msk [tilespmem:v11+s22+$0x0], $0xffff;
	v34 =	vmul.f32 v61, v25  }
0x389: {  	v40 =	vmul.f32 $1.442695020e+00, v16;
	v23 =	vld.idx.msk [tilespmem:v14+s1+$0x0], $0xffff;
	v16 =	vmul.f32 v56, v30;
	v14 =	vxor.u32 v31, v21  }
0x38a: {  	v21 =	vmul.f32 v58, v26;
	v31 =	vadd.f32 $3.480241890e-01, v34;
	v27 =	vmul.f32 $1.442695020e+00, v29  }
0x38b: {  	v37 =	vmul.f32 v60, v62;
	v26 =	vadd.f32 $1.000000000e+00, v14;
	v16 =	vadd.f32 $7.500000000e+00, v16;
	v29 =	vpop (erf)  }
0x38c: {  	s18 =	simm.s32 $0x1FC20;
	s13 =	simm.s32 $0x1FC70;
	v14 =	vadd.f32 $7.500000000e+00, v21;
	v21 =	vld.idx.msk [tilespmem:v15+s1+$0x0], $0xffff;
	(erf) = vpow2.f32 v27;
	v35 =	vmul.f32 $7.478556030e-01, v29  }
0x38d: {  	s23 =	simm.s32 $0x50;
	s24 =	simm.s32 $0x1E7C0;
	s25 =	simm.s32 $0x1EEC0;
	v34 =	vmul.f32 v39, v63;
	v27 =	vld.idx.msk [tilespmem:v24+s1+$0x0], $0xffff;
	v30 =	vpop (erf);
	v15 =	vadd.f32 $7.500000000e+00, v37;
	(erf) = vpow2.f32 v40  }
.LBB2_7:
0x38e: {  	v36 =	vld [tilespmem:s24+$0xFFFFFFF0];
	v24 =	vmul.f32 v32, v33;
	v32 =	vmul.f32 $7.478556030e-01, v30;
	v33 =	vadd.f32 $-9.587980060e-02, v35  }
0x38f: {  	s23 =	sadd.s32 $0x50, s23;
	v23 =	vmul.f32 v26, v23;
	v25 =	vmul.f32 v31, v25;
	v35 =	vld [tilespmem:s25+$0x20];
	v37 =	vand.u32 $0x7FFFFFFF, v15  }
0x390: {  	v31 =	vld [tilespmem:s25+$0x10];
	v24 =	vadd.f32 $7.500000000e+00, v24;
	v37 =	vmul.f32 $4.704700110e-01, v37;
	v32 =	vadd.f32 $-9.587980060e-02, v32  }
0x391: {  	p0 =	slt.u32 s23, $0x2D0;
	v26 =	vadd.f32 $7.500000000e+00, v34;
	v34 =	vmul.f32 v15, v15;
	v38 =	vld [tilespmem:s25+$0x0];
	[tilespmem:s18+$0xFFFFFFE0] =	vst v23;
	v23 =	vmul.f32 v33, v29  }
0x392: {  	v33 =	vld [tilespmem:s25+$0xFFFFFFE0];
	v39 =	vand.u32 $0x7FFFFFFF, v24;
	v40 =	vmul.f32 v24, v24;
	v32 =	vmul.f32 v32, v30;
	v41 =	vpop (erf)  }
0x393: {  	v34 =	vsub.f32 $0.0e+00, v34;
	v37 =	vadd.f32 $1.000000000e+00, v37;
	v42 =	vld [tilespmem:s25+$0xFFFFFFF0];
	v39 =	vmul.f32 $4.704700110e-01, v39  }
0x394: {  	v22 =	vmul.f32 v28, v22;
	v43 =	vld [tilespmem:s24+$0xFFFFFFE0];
	v40 =	vsub.f32 $0.0e+00, v40;
	v46 =	vadd.f32 $3.480241890e-01, v32  }
0x395: {  	v25 =	vmul.f32 v25, v41;
	v23 =	vadd.f32 $3.480241890e-01, v23;
	v28 =	vld [tilespmem:s24+$0x10];
	v39 =	vadd.f32 $1.000000000e+00, v39;
	v41 =	vpop (erf)  }
0x396: {  	v45 =	vand.u32 $0x7FFFFFFF, v26;
	v44 =	vld [tilespmem:s24+$0x0];
	v40 =	vmul.f32 $1.442695020e+00, v40;
	v30 =	vmul.f32 v46, v30;
	v32 =	vpop (erf)  }
0x397: {  	v25 =	vsub.f32 $1.000000000e+00, v25;
	v23 =	vmul.f32 v23, v29;
	v46 =	vld [tilespmem:s24+$0x20];
	(erf) = vrcp.f32 v39  }
0x398: {  	v22 =	vsub.f32 $1.000000000e+00, v22;
	v29 =	vld.idx.msk [tilespmem:v31+s5+$0x0], $0xffff;
	v31 =	vmul.f32 $4.704700110e-01, v45;
	v30 =	vmul.f32 v30, v41  }
0x399: {  	v39 =	vmul.f32 v26, v26;
	v19 =	vxor.u32 v25, v19;
	v23 =	vmul.f32 v23, v32;
	v25 =	vld.idx.msk [tilespmem:v9+s1+$0x0], $0xffff  }
0x39a: {  	v20 =	vxor.u32 v22, v20;
	v9 =	vmovc v12;
	v31 =	vadd.f32 $1.000000000e+00, v31;
	(erf) = vrcp.f32 v37;
	v32 =	vld.idx.msk [tilespmem:v7+s1+$0x0], $0xffff;
	v7 =	vmovc v13  }
0x39b: {  	v20 =	vadd.f32 $1.000000000e+00, v20;
	v13 =	vmul.f32 $1.442695020e+00, v34;
	v22 =	vsub.f32 $1.000000000e+00, v30;
	v12 =	vld.idx.msk [tilespmem:v36+s5+$0x0], $0xffff  }
0x39c: {  	v23 =	vsub.f32 $1.000000000e+00, v23;
	v34 =	vsub.f32 $0.0e+00, v39;
	v30 =	vld.idx.msk [tilespmem:v38+s5+$0x0], $0xffff;
	(erf) = vrcp.f32 v31  }
0x39d: {  	v28 =	vld.idx.msk [tilespmem:v28+s5+$0x0], $0xffff;
	(erf) = vpow2.f32 v13;
	v13 =	vxor.u32 v22, v18;
	v18 =	vmul.f32 v20, v27  }
0x39e: {  	v17 =	vxor.u32 v23, v17;
	v27 =	vmul.f32 $1.442695020e+00, v34;
	v20 =	vld.idx.msk [tilespmem:v44+s5+$0x0], $0xffff;
	v13 =	vadd.f32 $1.000000000e+00, v13  }
0x39f: {  	v19 =	vadd.f32 $1.000000000e+00, v19;
	v17 =	vadd.f32 $1.000000000e+00, v17;
	v22 =	vld.idx.msk [tilespmem:v46+s5+$0x0], $0xffff;
	(erf) = vpow2.f32 v40;
	[tilespmem:s18+$0x20] =	vst v18  }
0x3a0: {  	v18 =	vld.idx.msk [tilespmem:v43+s5+$0x0], $0xffff;
	v31 =	vpop (erf);
	v13 =	vmul.f32 v13, v25  }
0x3a1: {  	v17 =	vmul.f32 v17, v21;
	v34 =	vmul.u32 $0x70, v12;
	v35 =	vld.idx.msk [tilespmem:v35+s5+$0x0], $0xffff;
	v12 =	vmul.f32 $7.478556030e-01, v31  }
0x3a2: {  	s20 =	sadd.s32 $0x50, s20;
	v23 =	vand.u32 $0x7FFFFFFF, v14;
	v19 =	vmul.f32 v19, v32;
	v25 =	vand.u32 $0x7FFFFFFF, v16;
	v21 =	vld.idx.msk [tilespmem:v33+s5+$0x0], $0xffff;
	[tilespmem:s18+$0x0] =	vst v13  }
0x3a3: {  	v32 =	vmul.f32 $4.704700110e-01, v25;
	v28 =	vmul.u32 $0x70, v28;
	v13 =	vld.idx.msk [tilespmem:v42+s5+$0x0], $0xffff;
	v12 =	vadd.f32 $-9.587980060e-02, v12;
	v33 =	vpop (erf);
	[tilespmem:s18+$0x10] =	vst v17  }
0x3a4: {  	v17 =	vmul.u32 $0x70, v20;
	v20 =	vmul.f32 $4.704700110e-01, v23;
	v36 =	vmul.f32 $7.478556030e-01, v33;
	[tilespmem:s18+$0xFFFFFFF0] =	vst v19;
	s18 =	smov.u32 s13  }
0x3a5: {  	v37 =	vadd.s32 v29, v28;
	v19 =	vmul.u32 $0x70, v22;
	v29 =	vmul.f32 v12, v31;
	v25 =	vpop (erf)  }
0x3a6: {  	v18 =	vmul.u32 $0x70, v18;
	v12 =	vadd.s32 v30, v17;
	v17 =	vadd.f32 $1.000000000e+00, v32;
	v23 =	vld.idx.msk [tilespmem:v11+s1+$0x0], $0xffff;
	v22 =	vpop (erf)  }
0x3a7: {  	v39 =	vadd.s32 v35, v19;
	v19 =	vadd.f32 $1.000000000e+00, v20;
	v20 =	vadd.f32 $-9.587980060e-02, v36;
	v38 =	vld [tilespmem:s20+$0xFFFFFFF0]  }
0x3a8: {  	v11 =	vadd.s32 v21, v18;
	v18 =	vadd.f32 $3.480241890e-01, v29;
	v21 =	vld [tilespmem:s20+$0x0];
	v28 =	vpop (erf);
	(erf) = vrcp.f32 v17  }
0x3a9: {  	v13 =	vadd.s32 v13, v34;
	v20 =	vmul.f32 v20, v33;
	v29 =	vld [tilespmem:s20+$0x10];
	(erf) = vrcp.f32 v19  }
0x3aa: {  	v17 =	vand.u32 $0x80000000, v16;
	v19 =	vmul.f32 v18, v31;
	v31 =	vmul.f32 $7.478556030e-01, v25;
	v30 =	vld.idx.msk [tilespmem:v37+s22+$0x0], $0xffff  }
0x3ab: {  	v16 =	vmul.f32 v16, v16;
	v18 =	vand.u32 $0x80000000, v14;
	v32 =	vadd.f32 $3.480241890e-01, v20;
	v34 =	vld.idx.msk [tilespmem:v12+s22+$0x0], $0xffff  }
0x3ac: {  	v20 =	vand.u32 $0x80000000, v15;
	v19 =	vmul.f32 v19, v28;
	v31 =	vadd.f32 $-9.587980060e-02, v31;
	v35 =	vld.idx.msk [tilespmem:v39+s22+$0x0], $0xffff  }
0x3ad: {  	v14 =	vmul.f32 v14, v14;
	v16 =	vsub.f32 $0.0e+00, v16;
	v28 =	vmul.f32 v32, v33;
	v15 =	vld [tilespmem:s20+$0x20]  }
0x3ae: {  	v40 =	vsub.f32 $1.000000000e+00, v19;
	v31 =	vmul.f32 v31, v25;
	v19 =	vand.u32 $0x80000000, v26;
	v36 =	vld.idx.msk [tilespmem:v13+s22+$0x0], $0xffff  }
0x3af: {  	v24 =	vand.u32 $0x80000000, v24;
	v14 =	vsub.f32 $0.0e+00, v14;
	v41 =	vmul.f32 $1.442695020e+00, v16;
	v32 =	vld.idx.msk [tilespmem:v11+s22+$0x0], $0xffff  }
.Ltmp2:
0x3b0: {  	v16 =	vmul.f32 v30, v29;
	v24 =	vxor.u32 v40, v24;
	v33 =	vld [tilespmem:s20+$0xFFFFFFE0];
	(erf) = vpow2.f32 v27;
	(pc) =	sbr.rel @p0 .LBB2_7-.Ltmp2, $4  }
0x3b1: {  	v31 =	vadd.f32 $3.480241890e-01, v31;
	v21 =	vmul.f32 v34, v21;
	v27 =	vmul.f32 $1.442695020e+00, v14;
	v29 =	vpop (erf)  }
0x3b2: {  	v26 =	vadd.f32 $1.000000000e+00, v24;
	v15 =	vmul.f32 v35, v15;
	v35 =	vmul.f32 $7.478556030e-01, v29;
	v30 =	vpop (erf)  }
0x3b3: {  	v16 =	vadd.f32 $7.500000000e+00, v16;
	v14 =	vadd.f32 $7.500000000e+00, v21;
	v21 =	vld.idx.msk [tilespmem:v8+s1+$0x0], $0xffff;
	(erf) = vpow2.f32 v27;
	v8 =	vmovc v37  }
0x3b4: {  	s25 =	sadd.s32 $0x50, s25;
	s24 =	sadd.s32 $0x50, s24;
	s13 =	sadd.s32 $0x50, s13;
	v34 =	vmul.f32 v36, v38;
	v15 =	vadd.f32 $7.500000000e+00, v15;
	v27 =	vld.idx.msk [tilespmem:v10+s1+$0x0], $0xffff;
	(erf) = vpow2.f32 v41;
	v10 =	vmovc v39  }
0x3b5: {  	v24 =	vmul.f32 v32, v33;
	v41 =	vmul.f32 $7.478556030e-01, v30  }
0x3b6: {  	v35 =	vadd.f32 $-9.587980060e-02, v35;
	v25 =	vmul.f32 v31, v25;
	v22 =	vmul.f32 v28, v22  }
0x3b7: {  	v50 =	vand.u32 $0x7FFFFFFF, v16;
	v51 =	vand.u32 $0x7FFFFFFF, v14;
	v23 =	vmul.f32 v26, v23  }
0x3b8: {  	v62 =	vmul.f32 v14, v14;
	v42 =	vand.u32 $0x7FFFFFFF, v15;
	v32 =	vadd.f32 $-9.587980060e-02, v41  }
0x3b9: {  	v46 =	vmul.f32 v15, v15;
	v53 =	vmul.f32 $4.704700110e-01, v51;
	v24 =	vadd.f32 $7.500000000e+00, v24  }
0x3ba: {  	v34 =	vadd.f32 $7.500000000e+00, v34;
	v43 =	vmul.f32 $4.704700110e-01, v42;
	v32 =	vmul.f32 v32, v30  }
0x3bb: {  	v35 =	vmul.f32 v35, v29;
	v22 =	vsub.f32 $1.000000000e+00, v22;
	v44 =	vand.u32 $0x7FFFFFFF, v24  }
0x3bc: {  	v48 =	vand.u32 $0x7FFFFFFF, v34;
	v33 =	vmul.f32 $4.704700110e-01, v44;
	v32 =	vadd.f32 $3.480241890e-01, v32  }
0x3bd: {  	v28 =	vsub.f32 $0.0e+00, v46;
	v36 =	vmul.f32 v24, v24;
	v35 =	vadd.f32 $3.480241890e-01, v35  }
0x3be: {  	v33 =	vadd.f32 $1.000000000e+00, v33;
	v47 =	vmul.f32 v32, v30;
	v32 =	vmul.f32 $4.704700110e-01, v48  }
0x3bf: {  	v31 =	vadd.f32 $1.000000000e+00, v43;
	v28 =	vmul.f32 $1.442695020e+00, v28;
	v36 =	vsub.f32 $0.0e+00, v36  }
0x3c0: {  	v45 =	vpop (erf);
	v49 =	vmul.f32 v35, v29;
	(erf) = vrcp.f32 v33;
	v32 =	vadd.f32 $1.000000000e+00, v32  }
0x3c1: {  	v51 =	vand.u32 $0x80000000, v16;
	v52 =	vpop (erf);
	(erf) = vrcp.f32 v31;
	v31 =	vmul.f32 $4.704700110e-01, v50  }
0x3c2: {  	v20 =	vxor.u32 v22, v20;
	v36 =	vmul.f32 $1.442695020e+00, v36;
	v55 =	vpop (erf);
	(erf) = vrcp.f32 v32  }
0x3c3: {  	v29 =	vmul.f32 v49, v55;
	v54 =	vadd.f32 $1.000000000e+00, v31;
	(erf) = vpow2.f32 v28  }
0x3c4: {  	v30 =	vmul.f32 v47, v52;
	v32 =	vadd.f32 $1.000000000e+00, v53;
	(erf) = vpow2.f32 v36  }
0x3c5: {  	v57 =	vmul.f32 v34, v34;
	v20 =	vadd.f32 $1.000000000e+00, v20;
	(erf) = vrcp.f32 v54  }
0x3c6: {  	v9 =	vld.idx.msk [tilespmem:v9+s1+$0x0], $0xffff;
	v58 =	vsub.f32 $1.000000000e+00, v29;
	v56 =	vsub.f32 $1.000000000e+00, v30;
	(erf) = vrcp.f32 v32  }
0x3c7: {  	v25 =	vmul.f32 v25, v45;
	v26 =	vsub.f32 $0.0e+00, v57;
	v29 =	vsub.f32 $0.0e+00, v62  }
0x3c8: {  	v17 =	vxor.u32 v58, v17;
	v18 =	vxor.u32 v56, v18;
	v36 =	vmul.f32 v16, v16  }
0x3c9: {  	v20 =	vmul.f32 v20, v27;
	v17 =	vadd.f32 $1.000000000e+00, v17;
	v18 =	vadd.f32 $1.000000000e+00, v18;
	v59 =	vpop (erf)  }
0x3ca: {  	v26 =	vmul.f32 $1.442695020e+00, v26;
	v29 =	vmul.f32 $1.442695020e+00, v29;
	v31 =	vsub.f32 $0.0e+00, v36;
	v60 =	vpop (erf)  }
0x3cb: {  	v25 =	vsub.f32 $1.000000000e+00, v25;
	v17 =	vmul.f32 v17, v21;
	v9 =	vmul.f32 v18, v9;
	v63 =	vpop (erf)  }
0x3cc: {  	v24 =	vand.u32 $0x80000000, v24;
	v42 =	vmul.f32 $1.442695020e+00, v31;
	v61 =	vmul.f32 $7.478556030e-01, v59;
	v38 =	vpop (erf)  }
0x3cd: {  	v19 =	vxor.u32 v25, v19;
	v39 =	vmul.f32 $7.478556030e-01, v60;
	(erf) = vpow2.f32 v26;
	v40 =	vpop (erf)  }
0x3ce: {  	v7 =	vld.idx.msk [tilespmem:v7+s1+$0x0], $0xffff;
	v37 =	vadd.f32 $-9.587980060e-02, v61;
	v46 =	vmul.f32 $7.478556030e-01, v63;
	(erf) = vpow2.f32 v29;
	v41 =	vpop (erf)  }
0x3cf: {  	v21 =	vadd.f32 $-9.587980060e-02, v39;
	(erf) = vpow2.f32 v42;
	v43 =	vpop (erf);
	v45 =	vmul.f32 $7.478556030e-01, v41  }
0x3d0: {  	v18 =	vmul.f32 v37, v59;
	v49 =	vadd.f32 $-9.587980060e-02, v46;
	v44 =	vmul.f32 $7.478556030e-01, v43  }
0x3d1: {  	v19 =	vadd.f32 $1.000000000e+00, v19;
	v47 =	vmul.f32 v21, v60;
	v48 =	vadd.f32 $-9.587980060e-02, v45  }
0x3d2: {  	v18 =	vadd.f32 $3.480241890e-01, v18;
	v22 =	vmul.f32 v49, v63;
	v29 =	vadd.f32 $-9.587980060e-02, v44  }
0x3d3: {  	v7 =	vmul.f32 v19, v7;
	v19 =	vadd.f32 $3.480241890e-01, v47;
	v21 =	vmul.f32 v48, v41  }
0x3d4: {  	v18 =	vmul.f32 v18, v59;
	v22 =	vadd.f32 $3.480241890e-01, v22;
	v50 =	vmul.f32 v29, v43  }
0x3d5: {  	v52 =	vand.u32 $0x80000000, v14;
	v19 =	vmul.f32 v19, v60;
	v21 =	vadd.f32 $3.480241890e-01, v21  }
0x3d6: {  	v18 =	vmul.f32 v18, v40;
	v54 =	vpop (erf);
	v22 =	vmul.f32 v22, v63;
	v25 =	vadd.f32 $3.480241890e-01, v50  }
0x3d7: {  	v53 =	vand.u32 $0x80000000, v15;
	v19 =	vmul.f32 v19, v38;
	v55 =	vpop (erf);
	v21 =	vmul.f32 v21, v41  }
0x3d8: {  	v11 =	vld.idx.msk [tilespmem:v11+s1+$0x0], $0xffff;
	v18 =	vsub.f32 $1.000000000e+00, v18;
	v22 =	vmul.f32 v22, v54;
	v57 =	vpop (erf);
	v25 =	vmul.f32 v25, v43  }
0x3d9: {  	v10 =	vld.idx.msk [tilespmem:v10+s1+$0x0], $0xffff;
	v56 =	vand.u32 $0x80000000, v34;
	v19 =	vsub.f32 $1.000000000e+00, v19;
	v21 =	vmul.f32 v21, v57  }
0x3da: {  	v13 =	vld.idx.msk [tilespmem:v13+s1+$0x0], $0xffff;
	[tilespmem:s18+$0xFFFFFFE0] =	vst v23;
	v18 =	vxor.u32 v18, v24;
	v60 =	vsub.f32 $1.000000000e+00, v22;
	v25 =	vmul.f32 v25, v55  }
0x3db: {  	v8 =	vld.idx.msk [tilespmem:v8+s1+$0x0], $0xffff;
	[tilespmem:s18+$0x20] =	vst v20;
	v18 =	vadd.f32 $1.000000000e+00, v18;
	v15 =	vxor.u32 v19, v53;
	v59 =	vsub.f32 $1.000000000e+00, v21  }
0x3dc: {  	v12 =	vld.idx.msk [tilespmem:v12+s1+$0x0], $0xffff;
	[tilespmem:s18+$0xFFFFFFF0] =	vst v7;
	v15 =	vadd.f32 $1.000000000e+00, v15;
	v7 =	vxor.u32 v60, v56;
	v58 =	vsub.f32 $1.000000000e+00, v25  }
0x3dd: {  	[tilespmem:s18+$0x10] =	vst v17;
	v11 =	vmul.f32 v18, v11;
	v7 =	vadd.f32 $1.000000000e+00, v7;
	v16 =	vxor.u32 v59, v51  }
0x3de: {  	s14 =	sadd.s32 $0x1, s14;
	[tilespmem:s18+$0x0] =	vst v9;
	v61 =	vmul.f32 v15, v10;
	v14 =	vxor.u32 v58, v52;
	v62 =	vadd.f32 $1.000000000e+00, v16  }
0x3df: {  	p0 =	sne.s32 s14, $0x3E;
	[tilespmem:s13+$0xFFFFFFE0] =	vst v11;
	v7 =	vmul.f32 v7, v13;
	v14 =	vadd.f32 $1.000000000e+00, v14  }
.Ltmp3:
0x3e0: {  	[tilespmem:s13+$0x20] =	vst v61;
	v8 =	vmul.f32 v62, v8;
	(pc) =	sbr.rel @p0 .LBB2_4-.Ltmp3, $4  }
0x3e1: {  	[tilespmem:s13+$0xFFFFFFF0] =	vst v7;
	v63 =	vmul.f32 v14, v12  }
0x3e2: {  	[tilespmem:s13+$0x10] =	vst v8  }
0x3e3: {  	s25 =	sadd.s32 s4, s17;
	s26 =	simm.s32 $0x1FC00;
	[tilespmem:s13+$0x0] =	vst v63  }
0x3e4: {  	[hbm4b:s25+s5] =	stream.linear.scatter [tilespmem:s26], [sflag:$0x9], $0x320, $0x38;
	[tilespmem:$0x1FF80] =	vst v63  }
0x3e5: {  	_ =	swait.ge [sflag:s31], $0x320  }
0x3e6: {  	[sflag:s31] =	ssyncset.done $0x0  }
0x3e7: {  	[sflag:s31] =	ssyncadd.s32 $0xFFFFFCE0  }
0x3e8: {  	_ =	swait.ge [sflag:s0], $0x320  }
0x3e9: {  	[sflag:s0] =	ssyncset.done $0x0  }
0x3ea: {  	[sflag:s0] =	ssyncadd.s32 $0xFFFFFCE0  }
0x3eb: {  	_ =	swait.ge [sflag:s3], $0x320  }
0x3ec: {  	[sflag:s3] =	ssyncset.done $0x0  }
0x3ed: {  	s24 =	simm.s32 $0x8;
	[sflag:s3] =	ssyncadd.s32 $0xFFFFFCE0  }
0x3ee: {  	_ =	swait.ge [sflag:s24], $0x320  }
0x3ef: {  	[sflag:s24] =	ssyncset.done $0x0  }
0x3f0: {  	s13 =	simm.s32 $0x1E3A0;
	[sflag:s24] =	ssyncadd.s32 $0xFFFFFCE0  }
0x3f1: {  	v7 =	vld [tilespmem:s13+$0xFFFFFFF0]  }
0x3f2: {  	s14 =	simm.s32 $0x1EAA0;
	v8 =	vld [tilespmem:s13+$0xFFFFFFE0]  }
0x3f3: {  	v9 =	vld [tilespmem:s14+$0x20]  }
0x3f4: {  	v10 =	vld [tilespmem:s14+$0xFFFFFFE0]  }
0x3f5: {  	v11 =	vld [tilespmem:s13+$0x20]  }
0x3f6: {  	v12 =	vld [tilespmem:s14+$0x10]  }
0x3f7: {  	v13 =	vld [tilespmem:s14+$0x0]  }
0x3f8: {  	v14 =	vld [tilespmem:s13+$0x10]  }
0x3f9: {  	v15 =	vld [tilespmem:s13+$0x0]  }
0x3fa: {  	v16 =	vld [tilespmem:s14+$0xFFFFFFF0]  }
0x3fb: {  	v8 =	vld.idx.msk [tilespmem:v8+s5+$0x0], $0xffff  }
0x3fc: {  	v10 =	vld.idx.msk [tilespmem:v10+s5+$0x0], $0xffff  }
0x3fd: {  	v11 =	vld.idx.msk [tilespmem:v11+s5+$0x0], $0xffff  }
0x3fe: {  	v12 =	vld.idx.msk [tilespmem:v12+s5+$0x0], $0xffff  }
0x3ff: {  	v9 =	vld.idx.msk [tilespmem:v9+s5+$0x0], $0xffff  }
0x400: {  	v17 =	vld.idx.msk [tilespmem:v14+s5+$0x0], $0xffff  }
0x401: {  	v15 =	vld.idx.msk [tilespmem:v15+s5+$0x0], $0xffff;
	v8 =	vmul.u32 $0x70, v8  }
0x402: {  	s30 =	simm.s32 $0x1EAF0;
	v7 =	vld.idx.msk [tilespmem:v7+s5+$0x0], $0xffff  }
0x403: {  	v22 =	vld [tilespmem:s30+$0x0];
	v14 =	vadd.s32 v10, v8;
	v8 =	vmul.u32 $0x70, v11  }
0x404: {  	v11 =	vld.idx.msk [tilespmem:v16+s5+$0x0], $0xffff  }
0x405: {  	s29 =	simm.s32 $0x1E3F0;
	v26 =	vld [tilespmem:s30+$0xFFFFFFE0];
	v24 =	vadd.s32 v9, v8;
	v8 =	vmul.u32 $0x70, v17  }
0x406: {  	s28 =	simm.s32 $0x1F1A0;
	v27 =	vld [tilespmem:s29+$0x0]  }
0x407: {  	v7 =	vmul.u32 $0x70, v7;
	v9 =	vmul.u32 $0x70, v15;
	v15 =	vadd.s32 v12, v8;
	v8 =	vld [tilespmem:s28+$0xFFFFFFE0]  }
0x408: {  	v16 =	vld.idx.msk [tilespmem:v14+s22+$0x0], $0xffff  }
0x409: {  	v12 =	vld [tilespmem:s28+$0x20];
	v7 =	vadd.s32 v11, v7  }
0x40a: {  	v11 =	vld.idx.msk [tilespmem:v24+s22+$0x0], $0xffff  }
0x40b: {  	v10 =	vld.idx.msk [tilespmem:v13+s5+$0x0], $0xffff  }
0x40c: {  	v30 =	vld [tilespmem:s30+$0xFFFFFFF0]  }
0x40d: {  	v13 =	vld [tilespmem:s28+$0xFFFFFFF0];
	v8 =	vmul.f32 v16, v8  }
0x40e: {  	v19 =	vld.idx.msk [tilespmem:v7+s22+$0x0], $0xffff  }
0x40f: {  	v17 =	vld [tilespmem:s28+$0x10];
	v21 =	vadd.f32 $7.500000000e+00, v8;
	v8 =	vmul.f32 v11, v12  }
0x410: {  	v9 =	vadd.s32 v10, v9;
	v10 =	vld [tilespmem:s28+$0x0]  }
0x411: {  	v18 =	vld.idx.msk [tilespmem:v15+s22+$0x0], $0xffff;
	v20 =	vand.u32 $0x7FFFFFFF, v21;
	v23 =	vadd.f32 $7.500000000e+00, v8  }
0x412: {  	v11 =	vld [tilespmem:s29+$0xFFFFFFF0];
	v20 =	vmul.f32 $4.704700110e-01, v20  }
0x413: {  	v8 =	vld [tilespmem:s30+$0x10];
	v13 =	vmul.f32 v19, v13;
	v25 =	vand.u32 $0x7FFFFFFF, v23  }
0x414: {  	v20 =	vadd.f32 $1.000000000e+00, v20;
	v19 =	vmul.f32 $4.704700110e-01, v25;
	v25 =	vld [tilespmem:s29+$0x10]  }
0x415: {  	v16 =	vld.idx.msk [tilespmem:v9+s22+$0x0], $0xffff;
	v29 =	vadd.f32 $7.500000000e+00, v13  }
0x416: {  	(erf) = vrcp.f32 v20;
	v13 =	vadd.f32 $1.000000000e+00, v19;
	v19 =	vld [tilespmem:s29+$0x20]  }
0x417: {  	v28 =	vmul.f32 v23, v23;
	v20 =	vld [tilespmem:s29+$0xFFFFFFE0];
	v31 =	vand.u32 $0x7FFFFFFF, v29  }
0x418: {  	v22 =	vld.idx.msk [tilespmem:v22+s5+$0x0], $0xffff;
	v31 =	vmul.f32 $4.704700110e-01, v31  }
0x419: {  	v12 =	vld [tilespmem:s30+$0x20];
	v28 =	vsub.f32 $0.0e+00, v28;
	(erf) = vrcp.f32 v13;
	v13 =	vmul.f32 v21, v21  }
0x41a: {  	v17 =	vmul.f32 v18, v17;
	v10 =	vmul.f32 v16, v10;
	v11 =	vld.idx.msk [tilespmem:v11+s5+$0x0], $0xffff  }
0x41b: {  	v18 =	vmul.f32 $1.442695020e+00, v28;
	v8 =	vld.idx.msk [tilespmem:v8+s5+$0x0], $0xffff;
	v16 =	vadd.f32 $1.000000000e+00, v31;
	v13 =	vsub.f32 $0.0e+00, v13  }
0x41c: {  	v32 =	vmul.f32 v29, v29;
	v25 =	vld.idx.msk [tilespmem:v25+s5+$0x0], $0xffff  }
0x41d: {  	v31 =	vadd.f32 $7.500000000e+00, v10;
	(erf) = vrcp.f32 v16;
	v10 =	vmul.f32 $1.442695020e+00, v13;
	v13 =	vld.idx.msk [tilespmem:v27+s5+$0x0], $0xffff  }
0x41e: {  	v28 =	vsub.f32 $0.0e+00, v32;
	v16 =	vadd.f32 $7.500000000e+00, v17;
	(erf) = vpow2.f32 v18;
	v17 =	vld.idx.msk [tilespmem:v19+s5+$0x0], $0xffff  }
0x41f: {  	v18 =	vpop (erf);
	(erf) = vpow2.f32 v10;
	v10 =	vld.idx.msk [tilespmem:v20+s5+$0x0], $0xffff  }
0x420: {  	v27 =	vmul.f32 $1.442695020e+00, v28;
	v28 =	vand.u32 $0x7FFFFFFF, v16;
	v20 =	vmul.u32 $0x70, v11  }
0x421: {  	v11 =	vld.idx.msk [tilespmem:v12+s5+$0x0], $0xffff;
	v12 =	vand.u32 $0x7FFFFFFF, v31;
	v19 =	vmul.f32 $7.478556030e-01, v18;
	v25 =	vmul.u32 $0x70, v25  }
0x422: {  	v30 =	vld.idx.msk [tilespmem:v30+s5+$0x0], $0xffff;
	v28 =	vmul.f32 $4.704700110e-01, v28;
	v33 =	vmul.f32 $4.704700110e-01, v12;
	v59 =	vpop (erf);
	v13 =	vmul.u32 $0x70, v13  }
0x423: {  	v26 =	vld.idx.msk [tilespmem:v26+s5+$0x0], $0xffff;
	v19 =	vadd.f32 $-9.587980060e-02, v19;
	v34 =	vmul.f32 $7.478556030e-01, v59;
	v8 =	vadd.s32 v8, v25  }
0x424: {  	s17 =	simm.s32 $0x1F1F0;
	v17 =	vmul.u32 $0x70, v17;
	v12 =	vadd.s32 v22, v13;
	v25 =	vmul.u32 $0x70, v10  }
0x425: {  	v38 =	vld [tilespmem:s17+$0x20];
	v13 =	vadd.f32 $1.000000000e+00, v28;
	v19 =	vmul.f32 v19, v18;
	v22 =	vadd.f32 $-9.587980060e-02, v34  }
0x426: {  	v63 =	vld [tilespmem:s17+$0xFFFFFFF0];
	v10 =	vadd.s32 v11, v17;
	v17 =	vadd.f32 $1.000000000e+00, v33  }
0x427: {  	(erf) = vrcp.f32 v13;
	v13 =	vadd.s32 v30, v20;
	v30 =	vld [tilespmem:s17+$0x10];
	v19 =	vadd.f32 $3.480241890e-01, v19  }
0x428: {  	v33 =	vld [tilespmem:s17+$0xFFFFFFE0];
	v11 =	vadd.s32 v26, v25;
	v20 =	vmul.f32 v22, v59;
	(erf) = vrcp.f32 v17;
	v25 =	vpop (erf)  }
0x429: {  	v26 =	vld [tilespmem:s17+$0x0];
	v17 =	vand.u32 $0x80000000, v16;
	v16 =	vmul.f32 v16, v16;
	v19 =	vmul.f32 v19, v18;
	v22 =	vpop (erf)  }
0x42a: {  	v60 =	vld.idx.msk [tilespmem:v8+s22+$0x0], $0xffff;
	v18 =	vand.u32 $0x80000000, v31;
	v36 =	vadd.f32 $3.480241890e-01, v20;
	v28 =	vmul.f32 $7.478556030e-01, v25;
	v61 =	vpop (erf)  }
0x42b: {  	v35 =	vld.idx.msk [tilespmem:v12+s22+$0x0], $0xffff;
	v20 =	vand.u32 $0x80000000, v23;
	v23 =	vmul.f32 v31, v31;
	v19 =	vmul.f32 v19, v61  }
0x42c: {  	(erf) = vpow2.f32 v27;
	v16 =	vsub.f32 $0.0e+00, v16;
	v37 =	vld.idx.msk [tilespmem:v10+s22+$0x0], $0xffff;
	v62 =	vadd.f32 $-9.587980060e-02, v28  }
0x42d: {  	v39 =	vld.idx.msk [tilespmem:v13+s22+$0x0], $0xffff;
	v31 =	vsub.f32 $1.000000000e+00, v19;
	v19 =	vand.u32 $0x80000000, v29;
	v29 =	vsub.f32 $0.0e+00, v23  }
0x42e: {  	v21 =	vand.u32 $0x80000000, v21;
	v28 =	vmul.f32 v36, v59;
	v32 =	vld.idx.msk [tilespmem:v11+s22+$0x0], $0xffff;
	v34 =	vmul.f32 v62, v25  }
0x42f: {  	v40 =	vmul.f32 $1.442695020e+00, v16;
	v23 =	vld.idx.msk [tilespmem:v14+s1+$0x0], $0xffff;
	v16 =	vmul.f32 v60, v30;
	v14 =	vxor.u32 v31, v21  }
0x430: {  	v21 =	vmul.f32 v35, v26;
	v31 =	vadd.f32 $3.480241890e-01, v34;
	v27 =	vmul.f32 $1.442695020e+00, v29  }
0x431: {  	v37 =	vmul.f32 v37, v38;
	v16 =	vadd.f32 $7.500000000e+00, v16;
	v26 =	vadd.f32 $1.000000000e+00, v14;
	v29 =	vpop (erf)  }
0x432: {  	s18 =	simm.s32 $0x50;
	s20 =	simm.s32 $0x1E440;
	v14 =	vadd.f32 $7.500000000e+00, v21;
	v21 =	vld.idx.msk [tilespmem:v15+s1+$0x0], $0xffff;
	(erf) = vpow2.f32 v27;
	v35 =	vmul.f32 $7.478556030e-01, v29  }
0x433: {  	s23 =	simm.s32 $0x1EB40;
	s14 =	simm.s32 $0x1F8A0;
	s13 =	simm.s32 $0x1F8F0;
	v34 =	vmul.f32 v39, v63;
	v15 =	vadd.f32 $7.500000000e+00, v37;
	v27 =	vld.idx.msk [tilespmem:v24+s1+$0x0], $0xffff;
	v30 =	vpop (erf);
	(erf) = vpow2.f32 v40  }
.LBB2_10:
0x434: {  	v36 =	vld [tilespmem:s20+$0xFFFFFFF0];
	v24 =	vmul.f32 v32, v33;
	v32 =	vmul.f32 $7.478556030e-01, v30;
	v33 =	vadd.f32 $-9.587980060e-02, v35  }
0x435: {  	s18 =	sadd.s32 $0x50, s18;
	v23 =	vmul.f32 v26, v23;
	v25 =	vmul.f32 v31, v25;
	v35 =	vld [tilespmem:s23+$0x20];
	v37 =	vand.u32 $0x7FFFFFFF, v15  }
0x436: {  	v31 =	vld [tilespmem:s23+$0x10];
	v24 =	vadd.f32 $7.500000000e+00, v24;
	v37 =	vmul.f32 $4.704700110e-01, v37;
	v32 =	vadd.f32 $-9.587980060e-02, v32  }
0x437: {  	p0 =	slt.u32 s18, $0x2D0;
	v26 =	vadd.f32 $7.500000000e+00, v34;
	v34 =	vmul.f32 v15, v15;
	v38 =	vld [tilespmem:s23+$0x0];
	[tilespmem:s14+$0xFFFFFFE0] =	vst v23;
	v23 =	vmul.f32 v33, v29  }
0x438: {  	v33 =	vld [tilespmem:s23+$0xFFFFFFE0];
	v39 =	vand.u32 $0x7FFFFFFF, v24;
	v40 =	vmul.f32 v24, v24;
	v32 =	vmul.f32 v32, v30;
	v41 =	vpop (erf)  }
0x439: {  	v34 =	vsub.f32 $0.0e+00, v34;
	v37 =	vadd.f32 $1.000000000e+00, v37;
	v42 =	vld [tilespmem:s23+$0xFFFFFFF0];
	v39 =	vmul.f32 $4.704700110e-01, v39  }
0x43a: {  	v22 =	vmul.f32 v28, v22;
	v43 =	vld [tilespmem:s20+$0xFFFFFFE0];
	v40 =	vsub.f32 $0.0e+00, v40;
	v46 =	vadd.f32 $3.480241890e-01, v32  }
0x43b: {  	v25 =	vmul.f32 v25, v41;
	v23 =	vadd.f32 $3.480241890e-01, v23;
	v28 =	vld [tilespmem:s20+$0x10];
	v39 =	vadd.f32 $1.000000000e+00, v39;
	v41 =	vpop (erf)  }
0x43c: {  	v45 =	vand.u32 $0x7FFFFFFF, v26;
	v44 =	vld [tilespmem:s20+$0x0];
	v40 =	vmul.f32 $1.442695020e+00, v40;
	v30 =	vmul.f32 v46, v30;
	v32 =	vpop (erf)  }
0x43d: {  	v25 =	vsub.f32 $1.000000000e+00, v25;
	v23 =	vmul.f32 v23, v29;
	v46 =	vld [tilespmem:s20+$0x20];
	(erf) = vrcp.f32 v39  }
0x43e: {  	v22 =	vsub.f32 $1.000000000e+00, v22;
	v29 =	vld.idx.msk [tilespmem:v31+s5+$0x0], $0xffff;
	v31 =	vmul.f32 $4.704700110e-01, v45;
	v30 =	vmul.f32 v30, v41  }
0x43f: {  	v39 =	vmul.f32 v26, v26;
	v19 =	vxor.u32 v25, v19;
	v23 =	vmul.f32 v23, v32;
	v25 =	vld.idx.msk [tilespmem:v9+s1+$0x0], $0xffff  }
0x440: {  	v20 =	vxor.u32 v22, v20;
	v9 =	vmovc v12;
	v31 =	vadd.f32 $1.000000000e+00, v31;
	(erf) = vrcp.f32 v37;
	v32 =	vld.idx.msk [tilespmem:v7+s1+$0x0], $0xffff;
	v7 =	vmovc v13  }
0x441: {  	v20 =	vadd.f32 $1.000000000e+00, v20;
	v13 =	vmul.f32 $1.442695020e+00, v34;
	v22 =	vsub.f32 $1.000000000e+00, v30;
	v12 =	vld.idx.msk [tilespmem:v36+s5+$0x0], $0xffff  }
0x442: {  	v23 =	vsub.f32 $1.000000000e+00, v23;
	v34 =	vsub.f32 $0.0e+00, v39;
	v30 =	vld.idx.msk [tilespmem:v38+s5+$0x0], $0xffff;
	(erf) = vrcp.f32 v31  }
0x443: {  	v28 =	vld.idx.msk [tilespmem:v28+s5+$0x0], $0xffff;
	(erf) = vpow2.f32 v13;
	v13 =	vxor.u32 v22, v18;
	v18 =	vmul.f32 v20, v27  }
0x444: {  	v17 =	vxor.u32 v23, v17;
	v27 =	vmul.f32 $1.442695020e+00, v34;
	v20 =	vld.idx.msk [tilespmem:v44+s5+$0x0], $0xffff;
	v13 =	vadd.f32 $1.000000000e+00, v13  }
0x445: {  	v19 =	vadd.f32 $1.000000000e+00, v19;
	v17 =	vadd.f32 $1.000000000e+00, v17;
	v22 =	vld.idx.msk [tilespmem:v46+s5+$0x0], $0xffff;
	(erf) = vpow2.f32 v40;
	[tilespmem:s14+$0x20] =	vst v18  }
0x446: {  	v18 =	vld.idx.msk [tilespmem:v43+s5+$0x0], $0xffff;
	v31 =	vpop (erf);
	v13 =	vmul.f32 v13, v25  }
0x447: {  	v17 =	vmul.f32 v17, v21;
	v34 =	vmul.u32 $0x70, v12;
	v35 =	vld.idx.msk [tilespmem:v35+s5+$0x0], $0xffff;
	v12 =	vmul.f32 $7.478556030e-01, v31  }
0x448: {  	s17 =	sadd.s32 $0x50, s17;
	v23 =	vand.u32 $0x7FFFFFFF, v14;
	v19 =	vmul.f32 v19, v32;
	v25 =	vand.u32 $0x7FFFFFFF, v16;
	v21 =	vld.idx.msk [tilespmem:v33+s5+$0x0], $0xffff;
	[tilespmem:s14+$0x0] =	vst v13  }
0x449: {  	v32 =	vmul.f32 $4.704700110e-01, v25;
	v28 =	vmul.u32 $0x70, v28;
	v13 =	vld.idx.msk [tilespmem:v42+s5+$0x0], $0xffff;
	v12 =	vadd.f32 $-9.587980060e-02, v12;
	v33 =	vpop (erf);
	[tilespmem:s14+$0x10] =	vst v17  }
0x44a: {  	v17 =	vmul.u32 $0x70, v20;
	v20 =	vmul.f32 $4.704700110e-01, v23;
	v36 =	vmul.f32 $7.478556030e-01, v33;
	[tilespmem:s14+$0xFFFFFFF0] =	vst v19;
	s14 =	smov.u32 s13  }
0x44b: {  	v37 =	vadd.s32 v29, v28;
	v19 =	vmul.u32 $0x70, v22;
	v29 =	vmul.f32 v12, v31;
	v25 =	vpop (erf)  }
0x44c: {  	v18 =	vmul.u32 $0x70, v18;
	v12 =	vadd.s32 v30, v17;
	v17 =	vadd.f32 $1.000000000e+00, v32;
	v23 =	vld.idx.msk [tilespmem:v11+s1+$0x0], $0xffff;
	v22 =	vpop (erf)  }
0x44d: {  	v39 =	vadd.s32 v35, v19;
	v19 =	vadd.f32 $1.000000000e+00, v20;
	v20 =	vadd.f32 $-9.587980060e-02, v36;
	v38 =	vld [tilespmem:s17+$0xFFFFFFF0]  }
0x44e: {  	v11 =	vadd.s32 v21, v18;
	v18 =	vadd.f32 $3.480241890e-01, v29;
	v21 =	vld [tilespmem:s17+$0x0];
	v28 =	vpop (erf);
	(erf) = vrcp.f32 v17  }
0x44f: {  	v13 =	vadd.s32 v13, v34;
	v20 =	vmul.f32 v20, v33;
	v29 =	vld [tilespmem:s17+$0x10];
	(erf) = vrcp.f32 v19  }
0x450: {  	v17 =	vand.u32 $0x80000000, v16;
	v19 =	vmul.f32 v18, v31;
	v31 =	vmul.f32 $7.478556030e-01, v25;
	v30 =	vld.idx.msk [tilespmem:v37+s22+$0x0], $0xffff  }
0x451: {  	v16 =	vmul.f32 v16, v16;
	v18 =	vand.u32 $0x80000000, v14;
	v32 =	vadd.f32 $3.480241890e-01, v20;
	v34 =	vld.idx.msk [tilespmem:v12+s22+$0x0], $0xffff  }
0x452: {  	v20 =	vand.u32 $0x80000000, v15;
	v19 =	vmul.f32 v19, v28;
	v31 =	vadd.f32 $-9.587980060e-02, v31;
	v35 =	vld.idx.msk [tilespmem:v39+s22+$0x0], $0xffff  }
0x453: {  	v14 =	vmul.f32 v14, v14;
	v16 =	vsub.f32 $0.0e+00, v16;
	v28 =	vmul.f32 v32, v33;
	v15 =	vld [tilespmem:s17+$0x20]  }
0x454: {  	v40 =	vsub.f32 $1.000000000e+00, v19;
	v31 =	vmul.f32 v31, v25;
	v19 =	vand.u32 $0x80000000, v26;
	v36 =	vld.idx.msk [tilespmem:v13+s22+$0x0], $0xffff  }
0x455: {  	v24 =	vand.u32 $0x80000000, v24;
	v14 =	vsub.f32 $0.0e+00, v14;
	v41 =	vmul.f32 $1.442695020e+00, v16;
	v32 =	vld.idx.msk [tilespmem:v11+s22+$0x0], $0xffff  }
.Ltmp4:
0x456: {  	v16 =	vmul.f32 v30, v29;
	v24 =	vxor.u32 v40, v24;
	v33 =	vld [tilespmem:s17+$0xFFFFFFE0];
	(erf) = vpow2.f32 v27;
	(pc) =	sbr.rel @p0 .LBB2_10-.Ltmp4, $4  }
0x457: {  	v31 =	vadd.f32 $3.480241890e-01, v31;
	v21 =	vmul.f32 v34, v21;
	v27 =	vmul.f32 $1.442695020e+00, v14;
	v29 =	vpop (erf)  }
0x458: {  	v26 =	vadd.f32 $1.000000000e+00, v24;
	v15 =	vmul.f32 v35, v15;
	v35 =	vmul.f32 $7.478556030e-01, v29;
	v30 =	vpop (erf)  }
0x459: {  	v16 =	vadd.f32 $7.500000000e+00, v16;
	v14 =	vadd.f32 $7.500000000e+00, v21;
	v21 =	vld.idx.msk [tilespmem:v8+s1+$0x0], $0xffff;
	(erf) = vpow2.f32 v27;
	v8 =	vmovc v37  }
0x45a: {  	s23 =	sadd.s32 $0x50, s23;
	s20 =	sadd.s32 $0x50, s20;
	s13 =	sadd.s32 $0x50, s13;
	v34 =	vmul.f32 v36, v38;
	v15 =	vadd.f32 $7.500000000e+00, v15;
	v27 =	vld.idx.msk [tilespmem:v10+s1+$0x0], $0xffff;
	(erf) = vpow2.f32 v41;
	v10 =	vmovc v39  }
0x45b: {  	v24 =	vmul.f32 v32, v33;
	v41 =	vmul.f32 $7.478556030e-01, v30  }
0x45c: {  	v35 =	vadd.f32 $-9.587980060e-02, v35;
	v25 =	vmul.f32 v31, v25;
	v22 =	vmul.f32 v28, v22  }
0x45d: {  	v50 =	vand.u32 $0x7FFFFFFF, v16;
	v51 =	vand.u32 $0x7FFFFFFF, v14;
	v23 =	vmul.f32 v26, v23  }
0x45e: {  	v62 =	vmul.f32 v14, v14;
	v42 =	vand.u32 $0x7FFFFFFF, v15;
	v32 =	vadd.f32 $-9.587980060e-02, v41  }
0x45f: {  	v46 =	vmul.f32 v15, v15;
	v53 =	vmul.f32 $4.704700110e-01, v51;
	v24 =	vadd.f32 $7.500000000e+00, v24  }
0x460: {  	v34 =	vadd.f32 $7.500000000e+00, v34;
	v43 =	vmul.f32 $4.704700110e-01, v42;
	v32 =	vmul.f32 v32, v30  }
0x461: {  	v35 =	vmul.f32 v35, v29;
	v22 =	vsub.f32 $1.000000000e+00, v22;
	v44 =	vand.u32 $0x7FFFFFFF, v24  }
0x462: {  	v48 =	vand.u32 $0x7FFFFFFF, v34;
	v33 =	vmul.f32 $4.704700110e-01, v44;
	v32 =	vadd.f32 $3.480241890e-01, v32  }
0x463: {  	v28 =	vsub.f32 $0.0e+00, v46;
	v36 =	vmul.f32 v24, v24;
	v35 =	vadd.f32 $3.480241890e-01, v35  }
0x464: {  	v33 =	vadd.f32 $1.000000000e+00, v33;
	v47 =	vmul.f32 v32, v30;
	v32 =	vmul.f32 $4.704700110e-01, v48  }
0x465: {  	v31 =	vadd.f32 $1.000000000e+00, v43;
	v28 =	vmul.f32 $1.442695020e+00, v28;
	v36 =	vsub.f32 $0.0e+00, v36  }
0x466: {  	v45 =	vpop (erf);
	v49 =	vmul.f32 v35, v29;
	(erf) = vrcp.f32 v33;
	v32 =	vadd.f32 $1.000000000e+00, v32  }
0x467: {  	v51 =	vand.u32 $0x80000000, v16;
	v52 =	vpop (erf);
	(erf) = vrcp.f32 v31;
	v31 =	vmul.f32 $4.704700110e-01, v50  }
0x468: {  	v20 =	vxor.u32 v22, v20;
	v36 =	vmul.f32 $1.442695020e+00, v36;
	v55 =	vpop (erf);
	(erf) = vrcp.f32 v32  }
0x469: {  	v29 =	vmul.f32 v49, v55;
	v54 =	vadd.f32 $1.000000000e+00, v31;
	(erf) = vpow2.f32 v28  }
0x46a: {  	v30 =	vmul.f32 v47, v52;
	v32 =	vadd.f32 $1.000000000e+00, v53;
	(erf) = vpow2.f32 v36  }
0x46b: {  	v57 =	vmul.f32 v34, v34;
	v20 =	vadd.f32 $1.000000000e+00, v20;
	(erf) = vrcp.f32 v54  }
0x46c: {  	v9 =	vld.idx.msk [tilespmem:v9+s1+$0x0], $0xffff;
	v58 =	vsub.f32 $1.000000000e+00, v29;
	v56 =	vsub.f32 $1.000000000e+00, v30;
	(erf) = vrcp.f32 v32  }
0x46d: {  	v25 =	vmul.f32 v25, v45;
	v26 =	vsub.f32 $0.0e+00, v57;
	v29 =	vsub.f32 $0.0e+00, v62  }
0x46e: {  	v17 =	vxor.u32 v58, v17;
	v18 =	vxor.u32 v56, v18;
	v36 =	vmul.f32 v16, v16  }
0x46f: {  	v20 =	vmul.f32 v20, v27;
	v17 =	vadd.f32 $1.000000000e+00, v17;
	v18 =	vadd.f32 $1.000000000e+00, v18;
	v59 =	vpop (erf)  }
0x470: {  	v26 =	vmul.f32 $1.442695020e+00, v26;
	v29 =	vmul.f32 $1.442695020e+00, v29;
	v31 =	vsub.f32 $0.0e+00, v36;
	v60 =	vpop (erf)  }
0x471: {  	v25 =	vsub.f32 $1.000000000e+00, v25;
	v17 =	vmul.f32 v17, v21;
	v9 =	vmul.f32 v18, v9;
	v63 =	vpop (erf)  }
0x472: {  	v24 =	vand.u32 $0x80000000, v24;
	v42 =	vmul.f32 $1.442695020e+00, v31;
	v61 =	vmul.f32 $7.478556030e-01, v59;
	v38 =	vpop (erf)  }
0x473: {  	v19 =	vxor.u32 v25, v19;
	v39 =	vmul.f32 $7.478556030e-01, v60;
	(erf) = vpow2.f32 v26;
	v40 =	vpop (erf)  }
0x474: {  	v7 =	vld.idx.msk [tilespmem:v7+s1+$0x0], $0xffff;
	v37 =	vadd.f32 $-9.587980060e-02, v61;
	v46 =	vmul.f32 $7.478556030e-01, v63;
	(erf) = vpow2.f32 v29;
	v41 =	vpop (erf)  }
0x475: {  	v21 =	vadd.f32 $-9.587980060e-02, v39;
	(erf) = vpow2.f32 v42;
	v43 =	vpop (erf);
	v45 =	vmul.f32 $7.478556030e-01, v41  }
0x476: {  	v18 =	vmul.f32 v37, v59;
	v49 =	vadd.f32 $-9.587980060e-02, v46;
	v44 =	vmul.f32 $7.478556030e-01, v43  }
0x477: {  	v19 =	vadd.f32 $1.000000000e+00, v19;
	v47 =	vmul.f32 v21, v60;
	v48 =	vadd.f32 $-9.587980060e-02, v45  }
0x478: {  	v18 =	vadd.f32 $3.480241890e-01, v18;
	v22 =	vmul.f32 v49, v63;
	v29 =	vadd.f32 $-9.587980060e-02, v44  }
0x479: {  	v7 =	vmul.f32 v19, v7;
	v19 =	vadd.f32 $3.480241890e-01, v47;
	v21 =	vmul.f32 v48, v41  }
0x47a: {  	v18 =	vmul.f32 v18, v59;
	v22 =	vadd.f32 $3.480241890e-01, v22;
	v50 =	vmul.f32 v29, v43  }
0x47b: {  	v52 =	vand.u32 $0x80000000, v14;
	v19 =	vmul.f32 v19, v60;
	v21 =	vadd.f32 $3.480241890e-01, v21  }
0x47c: {  	v18 =	vmul.f32 v18, v40;
	v54 =	vpop (erf);
	v22 =	vmul.f32 v22, v63;
	v25 =	vadd.f32 $3.480241890e-01, v50  }
0x47d: {  	v53 =	vand.u32 $0x80000000, v15;
	v19 =	vmul.f32 v19, v38;
	v55 =	vpop (erf);
	v21 =	vmul.f32 v21, v41  }
0x47e: {  	v11 =	vld.idx.msk [tilespmem:v11+s1+$0x0], $0xffff;
	v18 =	vsub.f32 $1.000000000e+00, v18;
	v22 =	vmul.f32 v22, v54;
	v57 =	vpop (erf);
	v25 =	vmul.f32 v25, v43  }
0x47f: {  	v10 =	vld.idx.msk [tilespmem:v10+s1+$0x0], $0xffff;
	v56 =	vand.u32 $0x80000000, v34;
	v19 =	vsub.f32 $1.000000000e+00, v19;
	v21 =	vmul.f32 v21, v57  }
0x480: {  	v13 =	vld.idx.msk [tilespmem:v13+s1+$0x0], $0xffff;
	[tilespmem:s14+$0xFFFFFFE0] =	vst v23;
	v18 =	vxor.u32 v18, v24;
	v60 =	vsub.f32 $1.000000000e+00, v22;
	v25 =	vmul.f32 v25, v55  }
0x481: {  	v8 =	vld.idx.msk [tilespmem:v8+s1+$0x0], $0xffff;
	[tilespmem:s14+$0x20] =	vst v20;
	v18 =	vadd.f32 $1.000000000e+00, v18;
	v15 =	vxor.u32 v19, v53;
	v59 =	vsub.f32 $1.000000000e+00, v21  }
0x482: {  	v12 =	vld.idx.msk [tilespmem:v12+s1+$0x0], $0xffff;
	[tilespmem:s14+$0xFFFFFFF0] =	vst v7;
	v15 =	vadd.f32 $1.000000000e+00, v15;
	v7 =	vxor.u32 v60, v56;
	v58 =	vsub.f32 $1.000000000e+00, v25  }
0x483: {  	[tilespmem:s14+$0x10] =	vst v17;
	v11 =	vmul.f32 v18, v11;
	v7 =	vadd.f32 $1.000000000e+00, v7;
	v16 =	vxor.u32 v59, v51  }
0x484: {  	[tilespmem:s14+$0x0] =	vst v9;
	v61 =	vmul.f32 v15, v10;
	v14 =	vxor.u32 v58, v52;
	v62 =	vadd.f32 $1.000000000e+00, v16  }
0x485: {  	[tilespmem:s13+$0xFFFFFFE0] =	vst v11;
	v7 =	vmul.f32 v7, v13;
	v14 =	vadd.f32 $1.000000000e+00, v14  }
0x486: {  	[tilespmem:s13+$0x20] =	vst v61;
	v8 =	vmul.f32 v62, v8  }
0x487: {  	[tilespmem:s13+$0xFFFFFFF0] =	vst v7;
	v63 =	vmul.f32 v14, v12  }
0x488: {  	[tilespmem:s13+$0x10] =	vst v8  }
0x489: {  	[tilespmem:s13+$0x0] =	vst v63  }
0x48a: {  	s13 =	rddreg [dreg:$0xb]  }
0x48b: {  	[hbm4b:s13+s5] =	stream.linear.scatter [tilespmem:s9], [sflag:$0x8], $0x320, $0x38;
	[tilespmem:$0x1FF80] =	vst v63  }
0x48c: {  	_ =	swait.ge [sflag:s24], $0x320  }
0x48d: {  	[sflag:s24] =	ssyncset.done $0x0  }
0x48e: {  	s29 =	simm.s32 $0x9;
	[sflag:s24] =	ssyncadd.s32 $0xFFFFFCE0  }
0x48f: {  	_ =	swait.ge [sflag:s29], $0x320  }
0x490: {  	s17 =	rddreg [dreg:$0xd]  }
0x491: {  	s30 =	rddreg [dreg:$0xc];
	s17 =	sadd.s32 $0x1, s17  }
0x492: {  	p0 =	sne.s32 s17, s30  }
.Ltmp5:
0x493: {  	_ = 	snop;
	(pc) =	sbr.rel @p0 .LBB2_1-.Ltmp5, $3  }
0x494: {  	_ =	sdelay $0x1  }
0x495: {  	[sflag:s29] =	ssyncset.done $0x0  }
0x496: {  	[sflag:s29] =	ssyncadd.s32 $0xFFFFFCE0  }
0x497: {  	_ =	sfence.sel $0x180000  }
0x498: {  	[bflag:$0x0] =	sbarrier.arrive $0xFFFF  }
0x499: {  	_ =	strace $0x90000047  }
0x49a: {  	s0 =	stileid.u32;
	[bflag:$0x2] =	sbarrier.arrive $0xFFFF  }
0x49b: {  	p0 =	sne.s32 s0, $0x0;
	s0 =	rddreg [dreg:$0x4]  }
0x49c: {  	s0 =	sadd.s32 @!p0 $0x100000, s0  }
0x49d: {  	[sflag:s0] =	ssyncadd.tile.s32 @!p0 $0x1;
	_ =	shalt  }
.Lfunc_end2:
_tile_overlayer_lowered:
.L_overlay_start_2:
0x49e: {  	(tag) =	ssettag $0x2  }
0x49f: {  	s0 =	rddreg [dreg:$0x0];
	s2 =	stileid.u32  }
0x4a0: {  	s1 =	rddreg [dreg:$0x1];
	p0 =	sne.s32 s2, $0x0  }
0x4a1: {  	s3 =	rddreg [dreg:$0x2];
	[bflag:$0x3] =	sbarrier.arrive $0xFFFF;
	s2 =	simm.s32 @!p0 $0x1C0A  }
0x4a2: {  	[timem:s3], [sflag:s2] =	dma.local @!p0 [hbm:s0], s1  }
0x4a3: {  	s0 =	simm.s32 @!p0 $0xA  }
0x4a4: {  	_ =	swait.ge @!p0 [sflag:s0], s1  }
0x4a5: {  	s1 =	ssub.s32 @!p0 $0x0, s1;
	[sflag:s0] =	ssyncset.done @!p0 $0x0  }
0x4a6: {  	[sflag:s0] =	ssyncadd.s32 @!p0 s1  }
0x4a7: {  	[bflag:$0x3] =	sbarrier.arrive $0xFFFF  }
0x4a8: {  	_ =	shalt  }

</sc_bundles>
